<compile_context>
chip_gen: v7x
topology: tpu7x:2x2x1
jax: 0.10.2.dev20260603
libtpu: 0.0.44.dev20260713+nightly
codegen_flags: <defaults>
</compile_context>

<pallas_src>
import functools

import jax
import jax.numpy as jnp
from jax import lax
from jax.experimental import pallas as pl
from jax.experimental.pallas import tpu as pltpu
from jax.experimental.pallas import tpu_sc as plsc

VOCAB = 100000
EMBED = 64
N_SCAL = 13
N_CAT = 26
BATCH = 16384

OUT_COLS = EMBED * (N_CAT + 1)

NUM_CORES = 2
NUM_SUBCORES = 16
NUM_WORKERS = NUM_CORES * NUM_SUBCORES
ROWS_PER_W = BATCH // NUM_WORKERS
SUB = 8
N_GROUPS = ROWS_PER_W // SUB
GIDX = SUB * N_CAT
W_IDX = ROWS_PER_W * N_CAT


def _tc_finish(scal_feat, W, b, gath):
    blk = 2048

    def body(s_ref, w_ref, b_ref, g_ref, o_ref):
        mm = (
            jnp.dot(s_ref[:, :], w_ref[:, :], preferred_element_type=jnp.float32)
            + b_ref[:, :]
        )
        o_ref[:, :] = jnp.concatenate([mm, g_ref[:, EMBED:128]], axis=1)

    return pl.pallas_call(
        body,
        grid=(BATCH // blk,),
        in_specs=[
            pl.BlockSpec((blk, N_SCAL), lambda i: (i, 0)),
            pl.BlockSpec((N_SCAL, EMBED), lambda i: (0, 0)),
            pl.BlockSpec((1, EMBED), lambda i: (0, 0)),
            pl.BlockSpec((blk, 128), lambda i: (i, 0)),
        ],
        out_specs=pl.BlockSpec((blk, 128), lambda i: (i, 0)),
        out_shape=jax.ShapeDtypeStruct((BATCH, OUT_COLS), jnp.float32),
        input_output_aliases={3: 0},
    )(scal_feat, W, b.reshape(1, EMBED), gath)


def _sc_gather(table_pad, cat_rm):
    mesh = plsc.VectorSubcoreMesh(core_axis_name="c", subcore_axis_name="s")

    @functools.partial(
        pl.kernel,
        mesh=mesh,
        compiler_params=pltpu.CompilerParams(needs_layout_passes=False),
        out_type=jax.ShapeDtypeStruct((BATCH, OUT_COLS), jnp.float32),
        scratch_types=[
            pltpu.VMEM((W_IDX,), jnp.int32),
            pltpu.VMEM((GIDX, 128), jnp.float32),
            pltpu.VMEM((GIDX, 128), jnp.float32),
            pltpu.VMEM((SUB, OUT_COLS), jnp.float32),
            pltpu.VMEM((SUB, OUT_COLS), jnp.float32),
            pltpu.SemaphoreType.DMA,
            pltpu.SemaphoreType.DMA,
            pltpu.SemaphoreType.DMA,
            pltpu.SemaphoreType.DMA,
        ],
    )
    def k(table_hbm, cat_hbm, out_hbm, idx_v, pad0, pad1, row0, row1,
          g0, g1, s0, s1):
        wid = lax.axis_index("s") * NUM_CORES + lax.axis_index("c")
        base = wid * ROWS_PER_W
        pads = (pad0, pad1)
        rows = (row0, row1)
        gsems = (g0, g1)
        ssems = (s0, s1)

        pltpu.sync_copy(cat_hbm.at[pl.ds(base * N_CAT, W_IDX)], idx_v)

        HG = GIDX // 2

        def fire_inputs(g, j):
            pltpu.async_copy(
                table_hbm.at[idx_v.at[pl.ds(g * GIDX, HG)]],
                pads[j].at[pl.ds(0, HG)], gsems[j],
            )
            pltpu.async_copy(
                table_hbm.at[idx_v.at[pl.ds(g * GIDX + HG, HG)]],
                pads[j].at[pl.ds(HG, HG)], gsems[j],
            )

        def wait_inputs(g, j):
            pltpu.make_async_copy(
                table_hbm.at[idx_v.at[pl.ds(g * GIDX, HG)]],
                pads[j].at[pl.ds(0, HG)], gsems[j],
            ).wait()
            pltpu.make_async_copy(
                table_hbm.at[idx_v.at[pl.ds(g * GIDX + HG, HG)]],
                pads[j].at[pl.ds(HG, HG)], gsems[j],
            ).wait()

        def store_descr(g, j):
            return pltpu.make_async_copy(
                rows[j], out_hbm.at[pl.ds(base + g * SUB, SUB), :], ssems[j]
            )

        def compact(g, j):
            def per_row(r, carry):
                for f in range(N_CAT):
                    for q in range(EMBED // 16):
                        rows[j][r, pl.ds(EMBED * (f + 1) + q * 16, 16)] = pads[j][
                            r * N_CAT + f, pl.ds(q * 16, 16)
                        ]
                return carry

            lax.fori_loop(0, SUB, per_row, 0)

        fire_inputs(0, 0)
        fire_inputs(1, 1)
        store_descr(0, 0).start()
        store_descr(1, 1).start()

        def body(i, carry):
            for j in range(2):
                g = 2 * i + j
                store_descr(g, j).wait()
                wait_inputs(g, j)
                compact(g, j)
                store_descr(g, j).start()

                @pl.when(g + 2 < N_GROUPS)
                def _():
                    fire_inputs(g + 2, j)

            return carry

        lax.fori_loop(0, N_GROUPS // 2, body, 0)
        store_descr(N_GROUPS - 2, 0).wait()
        store_descr(N_GROUPS - 1, 1).wait()

    return k(table_pad, cat_rm)


def kernel(scal_feat, cat_feat, W, b, table):
    cat_rm = cat_feat.astype(jnp.int32).reshape(-1)
    table_pad = jnp.pad(table, ((0, 0), (0, 128 - EMBED)))
    gath = _sc_gather(table_pad, cat_rm)
    return _tc_finish(scal_feat, W, b, gath)

# --- scband reference (transcript-rebuilt; emitter-appended) ---
"""Pipeline reference for scband-cat-scal-embedding-63136019251539 (READ-ONLY COPY).

The authoritative reference and input builder live on the scoring server;
editing this copy changes nothing except your own understanding.
"""

import jax, jax.numpy as jnp
import numpy as np

VOCAB = 100000
EMBED = 64
N_SCAL = 13
N_CAT = 26
BATCH = 16384


def setup_inputs(seed: int = 0) -> dict:
    key = jax.random.key(seed)
    k1, k2, k3, k4, k5 = jax.random.split(key, 5)
    scal_feat = jax.random.normal(k1, (BATCH, N_SCAL), dtype=jnp.float32)
    cat_feat = jax.random.randint(k2, (BATCH, N_CAT), 0, VOCAB, dtype=jnp.int64)
    # LazyLinear params (in_features inferred from scal_feat)
    W = jax.random.normal(k3, (N_SCAL, EMBED), dtype=jnp.float32) * (1.0 / np.sqrt(N_SCAL))
    b = jnp.zeros((EMBED,), dtype=jnp.float32)
    # LazyEmbedding table (vocab inferred from data)
    table = jax.random.normal(k4, (VOCAB, EMBED), dtype=jnp.float32) * 0.02
    return {"scal_feat": scal_feat, "cat_feat": cat_feat, "W": W, "b": b, "table": table}


def reference(scal_feat, cat_feat, W, b, table):
    # Linear projection of scalar features -> [B, EMBED]
    scal_emb = scal_feat @ W + b
    # Embedding lookup for each categorical field -> [B, N_CAT, EMBED]
    cat_emb = jnp.take(table, cat_feat, axis=0)
    # Flatten categorical embeddings and concatenate along last dim
    cat_emb_flat = cat_emb.reshape(cat_emb.shape[0], -1)
    return jnp.concatenate([scal_emb, cat_emb_flat], axis=-1)

if __name__ == "__main__":
    import jax
    _d = setup_inputs()
    print(jax.jit(kernel)(*tuple(_d.values())))

</pallas_src>

<mosaic_0001>
#map = affine_map<(d0, d1) -> (0, 0)>
#map1 = affine_map<(d0, d1) -> (0)>
module attributes {stable_mosaic.version = 14 : i64} {
  func.func @k(%arg0: i32, %arg1: i32, %arg2: memref<100000x128xf32, #tpu.memory_space<hbm>>, %arg3: memref<425984xi32, #tpu.memory_space<hbm>>, %arg4: memref<16384x1728xf32, #tpu.memory_space<hbm>>, %arg5: memref<13312xi32, #tpu.memory_space<vmem>>, %arg6: memref<208x128xf32, #tpu.memory_space<vmem>>, %arg7: memref<208x128xf32, #tpu.memory_space<vmem>>, %arg8: memref<8x1728xf32, #tpu.memory_space<vmem>>, %arg9: memref<8x1728xf32, #tpu.memory_space<vmem>>, %arg10: memref<!tpu.dma_semaphore, #tpu.memory_space<semaphore_mem>>, %arg11: memref<!tpu.dma_semaphore, #tpu.memory_space<semaphore_mem>>, %arg12: memref<!tpu.dma_semaphore, #tpu.memory_space<semaphore_mem>>, %arg13: memref<!tpu.dma_semaphore, #tpu.memory_space<semaphore_mem>>) attributes {dimension_semantics = [#tpu.dimension_semantics<core_parallel>, #tpu.dimension_semantics<subcore_parallel>], iteration_bounds = array<i64: 2, 16>, scalar_prefetch = 0 : i64, scratch_operands = 9 : i64, tpu.core_type = #tpu.core_type<sc_vector_subcore>, window_params = [{transform_indices = #map}, {transform_indices = #map1}, {transform_indices = #map}]} {
    %mul3A = arith.constant 2 : i32
    %mul3A_0 = arith.muli %arg1, %mul3A : i32
    %add3A = arith.addi %mul3A_0, %arg0 : i32
    %mul3A_1 = arith.constant 512 : i32
    %mul3A_2 = arith.muli %add3A, %mul3A_1 : i32
    %mul3A_3 = arith.constant 26 : i32
    %mul3A_4 = arith.muli %mul3A_2, %mul3A_3 : i32
    "tpu.region"() ({
      %run_scoped3A = tpu.sem_alloc : memref<!tpu.dma_semaphore, #tpu.memory_space<semaphore_mem>>
      %dma_start3A_64 = tpu.memref_slice %arg3[%mul3A_4] : memref<425984xi32, #tpu.memory_space<hbm>> -> memref<13312xi32, #tpu.memory_space<hbm>>
      %dma_start3A_65 = tpu.memref_slice %arg3[%mul3A_4] : memref<425984xi32, #tpu.memory_space<hbm>> -> memref<13312xi32, #tpu.memory_space<hbm>>
      tpu.enqueue_dma source(%dma_start3A_65 : memref<13312xi32, #tpu.memory_space<hbm>>) target(%arg5 : memref<13312xi32, #tpu.memory_space<vmem>>) target_semaphore(%run_scoped3A : memref<!tpu.dma_semaphore, #tpu.memory_space<semaphore_mem>>)
      %dma_wait3A_66 = tpu.memref_slice %arg3[%mul3A_4] : memref<425984xi32, #tpu.memory_space<hbm>> -> memref<13312xi32, #tpu.memory_space<hbm>>
      %dma_wait3A_67 = tpu.memref_slice %arg3[%mul3A_4] : memref<425984xi32, #tpu.memory_space<hbm>> -> memref<13312xi32, #tpu.memory_space<hbm>>
      tpu.wait_dma2 semaphore(%run_scoped3A : memref<!tpu.dma_semaphore, #tpu.memory_space<semaphore_mem>>) src(%dma_wait3A_67 : memref<13312xi32, #tpu.memory_space<hbm>>) dst(%arg5 : memref<13312xi32, #tpu.memory_space<vmem>>)
      tpu.yield
    }) : () -> ()
    %dma_start3A = arith.constant 0 : i32
    %dma_start3A_5 = arith.constant 0 : i32
    %dma_start3A_6 = tpu.memref_slice %arg6[%dma_start3A, %dma_start3A_5] : memref<208x128xf32, #tpu.memory_space<vmem>> -> memref<104x128xf32, #tpu.memory_space<vmem>>
    %dma_start3A_7 = arith.constant 0 : i32
    %dma_start3A_8 = tpu.memref_slice %arg5[%dma_start3A_7] : memref<13312xi32, #tpu.memory_space<vmem>> -> memref<104xi32, #tpu.memory_space<vmem>>
    %dma_start3A_9 = arith.constant 0 : i32
    %dma_start3A_10 = arith.constant 0 : i32
    %dma_start3A_11 = tpu.memref_slice %arg2[%dma_start3A_9, %dma_start3A_10] : memref<100000x128xf32, #tpu.memory_space<hbm>> -> memref<100000x128xf32, #tpu.memory_space<hbm>>
    tpu.enqueue_indirect_dma source(%dma_start3A_11 : memref<100000x128xf32, #tpu.memory_space<hbm>>) target(%dma_start3A_6 : memref<104x128xf32, #tpu.memory_space<vmem>>) offsets(%dma_start3A_8 : memref<104xi32, #tpu.memory_space<vmem>>) semaphore(%arg10 : memref<!tpu.dma_semaphore, #tpu.memory_space<semaphore_mem>>)
    %dma_start3A_12 = arith.constant 104 : i32
    %dma_start3A_13 = arith.constant 0 : i32
    %dma_start3A_14 = tpu.memref_slice %arg6[%dma_start3A_12, %dma_start3A_13] : memref<208x128xf32, #tpu.memory_space<vmem>> -> memref<104x128xf32, #tpu.memory_space<vmem>>
    %dma_start3A_15 = arith.constant 104 : i32
    %dma_start3A_16 = tpu.memref_slice %arg5[%dma_start3A_15] : memref<13312xi32, #tpu.memory_space<vmem>> -> memref<104xi32, #tpu.memory_space<vmem>>
    %dma_start3A_17 = arith.constant 0 : i32
    %dma_start3A_18 = arith.constant 0 : i32
    %dma_start3A_19 = tpu.memref_slice %arg2[%dma_start3A_17, %dma_start3A_18] : memref<100000x128xf32, #tpu.memory_space<hbm>> -> memref<100000x128xf32, #tpu.memory_space<hbm>>
    tpu.enqueue_indirect_dma source(%dma_start3A_19 : memref<100000x128xf32, #tpu.memory_space<hbm>>) target(%dma_start3A_14 : memref<104x128xf32, #tpu.memory_space<vmem>>) offsets(%dma_start3A_16 : memref<104xi32, #tpu.memory_space<vmem>>) semaphore(%arg10 : memref<!tpu.dma_semaphore, #tpu.memory_space<semaphore_mem>>)
    %dma_start3A_20 = arith.constant 0 : i32
    %dma_start3A_21 = arith.constant 0 : i32
    %dma_start3A_22 = tpu.memref_slice %arg7[%dma_start3A_20, %dma_start3A_21] : memref<208x128xf32, #tpu.memory_space<vmem>> -> memref<104x128xf32, #tpu.memory_space<vmem>>
    %dma_start3A_23 = arith.constant 208 : i32
    %dma_start3A_24 = tpu.memref_slice %arg5[%dma_start3A_23] : memref<13312xi32, #tpu.memory_space<vmem>> -> memref<104xi32, #tpu.memory_space<vmem>>
    %dma_start3A_25 = arith.constant 0 : i32
    %dma_start3A_26 = arith.constant 0 : i32
    %dma_start3A_27 = tpu.memref_slice %arg2[%dma_start3A_25, %dma_start3A_26] : memref<100000x128xf32, #tpu.memory_space<hbm>> -> memref<100000x128xf32, #tpu.memory_space<hbm>>
    tpu.enqueue_indirect_dma source(%dma_start3A_27 : memref<100000x128xf32, #tpu.memory_space<hbm>>) target(%dma_start3A_22 : memref<104x128xf32, #tpu.memory_space<vmem>>) offsets(%dma_start3A_24 : memref<104xi32, #tpu.memory_space<vmem>>) semaphore(%arg11 : memref<!tpu.dma_semaphore, #tpu.memory_space<semaphore_mem>>)
    %dma_start3A_28 = arith.constant 104 : i32
    %dma_start3A_29 = arith.constant 0 : i32
    %dma_start3A_30 = tpu.memref_slice %arg7[%dma_start3A_28, %dma_start3A_29] : memref<208x128xf32, #tpu.memory_space<vmem>> -> memref<104x128xf32, #tpu.memory_space<vmem>>
    %dma_start3A_31 = arith.constant 312 : i32
    %dma_start3A_32 = tpu.memref_slice %arg5[%dma_start3A_31] : memref<13312xi32, #tpu.memory_space<vmem>> -> memref<104xi32, #tpu.memory_space<vmem>>
    %dma_start3A_33 = arith.constant 0 : i32
    %dma_start3A_34 = arith.constant 0 : i32
    %dma_start3A_35 = tpu.memref_slice %arg2[%dma_start3A_33, %dma_start3A_34] : memref<100000x128xf32, #tpu.memory_space<hbm>> -> memref<100000x128xf32, #tpu.memory_space<hbm>>
    tpu.enqueue_indirect_dma source(%dma_start3A_35 : memref<100000x128xf32, #tpu.memory_space<hbm>>) target(%dma_start3A_30 : memref<104x128xf32, #tpu.memory_space<vmem>>) offsets(%dma_start3A_32 : memref<104xi32, #tpu.memory_space<vmem>>) semaphore(%arg11 : memref<!tpu.dma_semaphore, #tpu.memory_space<semaphore_mem>>)
    %add3A_36 = arith.constant 0 : i32
    %add3A_37 = arith.addi %mul3A_2, %add3A_36 : i32
    %dma_start3A_38 = arith.constant 0 : i32
    %dma_start3A_39 = tpu.memref_slice %arg4[%add3A_37, %dma_start3A_38] : memref<16384x1728xf32, #tpu.memory_space<hbm>> -> memref<8x1728xf32, #tpu.memory_space<hbm>>
    %dma_start3A_40 = arith.constant 0 : i32
    %dma_start3A_41 = tpu.memref_slice %arg4[%add3A_37, %dma_start3A_40] : memref<16384x1728xf32, #tpu.memory_space<hbm>> -> memref<8x1728xf32, #tpu.memory_space<hbm>>
    tpu.enqueue_dma source(%arg8 : memref<8x1728xf32, #tpu.memory_space<vmem>>) target(%dma_start3A_41 : memref<8x1728xf32, #tpu.memory_space<hbm>>) target_semaphore(%arg12 : memref<!tpu.dma_semaphore, #tpu.memory_space<semaphore_mem>>)
    %add3A_42 = arith.constant 8 : i32
    %add3A_43 = arith.addi %mul3A_2, %add3A_42 : i32
    %dma_start3A_44 = arith.constant 0 : i32
    %dma_start3A_45 = tpu.memref_slice %arg4[%add3A_43, %dma_start3A_44] : memref<16384x1728xf32, #tpu.memory_space<hbm>> -> memref<8x1728xf32, #tpu.memory_space<hbm>>
    %dma_start3A_46 = arith.constant 0 : i32
    %dma_start3A_47 = tpu.memref_slice %arg4[%add3A_43, %dma_start3A_46] : memref<16384x1728xf32, #tpu.memory_space<hbm>> -> memref<8x1728xf32, #tpu.memory_space<hbm>>
    tpu.enqueue_dma source(%arg9 : memref<8x1728xf32, #tpu.memory_space<vmem>>) target(%dma_start3A_47 : memref<8x1728xf32, #tpu.memory_space<hbm>>) target_semaphore(%arg13 : memref<!tpu.dma_semaphore, #tpu.memory_space<semaphore_mem>>)
    %scan3A = arith.constant 0 : i32
    %scan3A_48 = arith.constant 0 : i32
    %scan3A_49 = arith.constant 32 : i32
    %scan3A_50 = arith.addi %scan3A_48, %scan3A_49 : i32
    %scan3A_51 = arith.constant 1 : i32
    scf.for %scan3A_64 = %scan3A_48 to %scan3A_50 step %scan3A_51  : i32 {
      %mul3A_65 = arith.constant 2 : i32
      %mul3A_66 = arith.muli %mul3A_65, %scan3A_64 : i32
      %add3A_67 = arith.constant 0 : i32
      %add3A_68 = arith.addi %mul3A_66, %add3A_67 : i32
      %mul3A_69 = arith.constant 8 : i32
      %mul3A_70 = arith.muli %add3A_68, %mul3A_69 : i32
      %add3A_71 = arith.addi %mul3A_2, %mul3A_70 : i32
      %dma_wait3A_72 = arith.constant 0 : i32
      %dma_wait3A_73 = tpu.memref_slice %arg4[%add3A_71, %dma_wait3A_72] : memref<16384x1728xf32, #tpu.memory_space<hbm>> -> memref<8x1728xf32, #tpu.memory_space<hbm>>
      %dma_wait3A_74 = arith.constant 0 : i32
      %dma_wait3A_75 = tpu.memref_slice %arg4[%add3A_71, %dma_wait3A_74] : memref<16384x1728xf32, #tpu.memory_space<hbm>> -> memref<8x1728xf32, #tpu.memory_space<hbm>>
      tpu.wait_dma2 semaphore(%arg12 : memref<!tpu.dma_semaphore, #tpu.memory_space<semaphore_mem>>) src(%arg8 : memref<8x1728xf32, #tpu.memory_space<vmem>>) dst(%dma_wait3A_75 : memref<8x1728xf32, #tpu.memory_space<hbm>>)
      %mul3A_76 = arith.constant 208 : i32
      %mul3A_77 = arith.muli %add3A_68, %mul3A_76 : i32
      %dma_wait3A_78 = arith.constant 0 : i32
      %dma_wait3A_79 = arith.constant 0 : i32
      %dma_wait3A_80 = tpu.memref_slice %arg6[%dma_wait3A_78, %dma_wait3A_79] : memref<208x128xf32, #tpu.memory_space<vmem>> -> memref<104x128xf32, #tpu.memory_space<vmem>>
      %dma_wait3A_81 = tpu.memref_slice %arg5[%mul3A_77] : memref<13312xi32, #tpu.memory_space<vmem>> -> memref<104xi32, #tpu.memory_space<vmem>>
      %dma_wait3A_82 = arith.constant 0 : i32
      %dma_wait3A_83 = arith.constant 0 : i32
      %dma_wait3A_84 = tpu.memref_slice %arg2[%dma_wait3A_82, %dma_wait3A_83] : memref<100000x128xf32, #tpu.memory_space<hbm>> -> memref<100000x128xf32, #tpu.memory_space<hbm>>
      tpu.wait_indirect_dma semaphore(%arg10 : memref<!tpu.dma_semaphore, #tpu.memory_space<semaphore_mem>>) src(%dma_wait3A_84 : memref<100000x128xf32, #tpu.memory_space<hbm>>) dst(%dma_wait3A_80 : memref<104x128xf32, #tpu.memory_space<vmem>>)
      %mul3A_85 = arith.constant 208 : i32
      %mul3A_86 = arith.muli %add3A_68, %mul3A_85 : i32
      %add3A_87 = arith.constant 104 : i32
      %add3A_88 = arith.addi %mul3A_86, %add3A_87 : i32
      %dma_wait3A_89 = arith.constant 104 : i32
      %dma_wait3A_90 = arith.constant 0 : i32
      %dma_wait3A_91 = tpu.memref_slice %arg6[%dma_wait3A_89, %dma_wait3A_90] : memref<208x128xf32, #tpu.memory_space<vmem>> -> memref<104x128xf32, #tpu.memory_space<vmem>>
      %dma_wait3A_92 = tpu.memref_slice %arg5[%add3A_88] : memref<13312xi32, #tpu.memory_space<vmem>> -> memref<104xi32, #tpu.memory_space<vmem>>
      %dma_wait3A_93 = arith.constant 0 : i32
      %dma_wait3A_94 = arith.constant 0 : i32
      %dma_wait3A_95 = tpu.memref_slice %arg2[%dma_wait3A_93, %dma_wait3A_94] : memref<100000x128xf32, #tpu.memory_space<hbm>> -> memref<100000x128xf32, #tpu.memory_space<hbm>>
      tpu.wait_indirect_dma semaphore(%arg10 : memref<!tpu.dma_semaphore, #tpu.memory_space<semaphore_mem>>) src(%dma_wait3A_95 : memref<100000x128xf32, #tpu.memory_space<hbm>>) dst(%dma_wait3A_91 : memref<104x128xf32, #tpu.memory_space<vmem>>)
      %scan3A_96 = arith.constant 0 : i32
      %scan3A_97 = arith.constant 0 : i32
      %scan3A_98 = arith.constant 8 : i32
      %scan3A_99 = arith.addi %scan3A_97, %scan3A_98 : i32
      %scan3A_100 = arith.constant 1 : i32
      scf.for %scan3A_164 = %scan3A_97 to %scan3A_99 step %scan3A_100  : i32 {
        %mul3A_165 = arith.constant 26 : i32
        %mul3A_166 = arith.muli %scan3A_164, %mul3A_165 : i32
        %add3A_167 = arith.constant 0 : i32
        %add3A_168 = arith.addi %mul3A_166, %add3A_167 : i32
        %get3A = arith.index_cast %add3A_168 : i32 to index
        %get3A_169 = arith.constant 0 : index
        %get3A_170 = tpu.vector_load %arg6[%get3A, %get3A_169] {strides = array<i32>} : memref<208x128xf32, #tpu.memory_space<vmem>>, vector<16xf32>,
        %swap3A = arith.index_cast %scan3A_164 : i32 to index
        %swap3A_171 = arith.constant 64 : index
        %swap3A_172 = tpu.vector_load %arg8[%swap3A, %swap3A_171] {strides = array<i32>} : memref<8x1728xf32, #tpu.memory_space<vmem>>, vector<16xf32>,
        tpu.vector_store %arg8[%swap3A, %swap3A_171], %get3A_170 {strides = array<i32>} : memref<8x1728xf32, #tpu.memory_space<vmem>>, vector<16xf32>,
        %mul3A_173 = arith.constant 26 : i32
        %mul3A_174 = arith.muli %scan3A_164, %mul3A_173 : i32
        %add3A_175 = arith.constant 0 : i32
        %add3A_176 = arith.addi %mul3A_174, %add3A_175 : i32
        %get3A_177 = arith.index_cast %add3A_176 : i32 to index
        %get3A_178 = arith.constant 16 : index
        %get3A_179 = tpu.vector_load %arg6[%get3A_177, %get3A_178] {strides = array<i32>} : memref<208x128xf32, #tpu.memory_space<vmem>>, vector<16xf32>,
        %swap3A_180 = arith.index_cast %scan3A_164 : i32 to index
        %swap3A_181 = arith.constant 80 : index
        %swap3A_182 = tpu.vector_load %arg8[%swap3A_180, %swap3A_181] {strides = array<i32>} : memref<8x1728xf32, #tpu.memory_space<vmem>>, vector<16xf32>,
        tpu.vector_store %arg8[%swap3A_180, %swap3A_181], %get3A_179 {strides = array<i32>} : memref<8x1728xf32, #tpu.memory_space<vmem>>, vector<16xf32>,
        %mul3A_183 = arith.constant 26 : i32
        %mul3A_184 = arith.muli %scan3A_164, %mul3A_183 : i32
        %add3A_185 = arith.constant 0 : i32
        %add3A_186 = arith.addi %mul3A_184, %add3A_185 : i32
        %get3A_187 = arith.index_cast %add3A_186 : i32 to index
        %get3A_188 = arith.constant 32 : index
        %get3A_189 = tpu.vector_load %arg6[%get3A_187, %get3A_188] {strides = array<i32>} : memref<208x128xf32, #tpu.memory_space<vmem>>, vector<16xf32>,
        %swap3A_190 = arith.index_cast %scan3A_164 : i32 to index
        %swap3A_191 = arith.constant 96 : index
        %swap3A_192 = tpu.vector_load %arg8[%swap3A_190, %swap3A_191] {strides = array<i32>} : memref<8x1728xf32, #tpu.memory_space<vmem>>, vector<16xf32>,
        tpu.vector_store %arg8[%swap3A_190, %swap3A_191], %get3A_189 {strides = array<i32>} : memref<8x1728xf32, #tpu.memory_space<vmem>>, vector<16xf32>,
        %mul3A_193 = arith.constant 26 : i32
        %mul3A_194 = arith.muli %scan3A_164, %mul3A_193 : i32
        %add3A_195 = arith.constant 0 : i32
        %add3A_196 = arith.addi %mul3A_194, %add3A_195 : i32
        %get3A_197 = arith.index_cast %add3A_196 : i32 to index
        %get3A_198 = arith.constant 48 : index
        %get3A_199 = tpu.vector_load %arg6[%get3A_197, %get3A_198] {strides = array<i32>} : memref<208x128xf32, #tpu.memory_space<vmem>>, vector<16xf32>,
        %swap3A_200 = arith.index_cast %scan3A_164 : i32 to index
        %swap3A_201 = arith.constant 112 : index
        %swap3A_202 = tpu.vector_load %arg8[%swap3A_200, %swap3A_201] {strides = array<i32>} : memref<8x1728xf32, #tpu.memory_space<vmem>>, vector<16xf32>,
        tpu.vector_store %arg8[%swap3A_200, %swap3A_201], %get3A_199 {strides = array<i32>} : memref<8x1728xf32, #tpu.memory_space<vmem>>, vector<16xf32>,
        %mul3A_203 = arith.constant 26 : i32
        %mul3A_204 = arith.muli %scan3A_164, %mul3A_203 : i32
        %add3A_205 = arith.constant 1 : i32
        %add3A_206 = arith.addi %mul3A_204, %add3A_205 : i32
        %get3A_207 = arith.index_cast %add3A_206 : i32 to index
        %get3A_208 = arith.constant 0 : index
        %get3A_209 = tpu.vector_load %arg6[%get3A_207, %get3A_208] {strides = array<i32>} : memref<208x128xf32, #tpu.memory_space<vmem>>, vector<16xf32>,
        %swap3A_210 = arith.index_cast %scan3A_164 : i32 to index
        %swap3A_211 = arith.constant 128 : index
        %swap3A_212 = tpu.vector_load %arg8[%swap3A_210, %swap3A_211] {strides = array<i32>} : memref<8x1728xf32, #tpu.memory_space<vmem>>, vector<16xf32>,
        tpu.vector_store %arg8[%swap3A_210, %swap3A_211], %get3A_209 {strides = array<i32>} : memref<8x1728xf32, #tpu.memory_space<vmem>>, vector<16xf32>,
        %mul3A_213 = arith.constant 26 : i32
        %mul3A_214 = arith.muli %scan3A_164, %mul3A_213 : i32
        %add3A_215 = arith.constant 1 : i32
        %add3A_216 = arith.addi %mul3A_214, %add3A_215 : i32
        %get3A_217 = arith.index_cast %add3A_216 : i32 to index
        %get3A_218 = arith.constant 16 : index
        %get3A_219 = tpu.vector_load %arg6[%get3A_217, %get3A_218] {strides = array<i32>} : memref<208x128xf32, #tpu.memory_space<vmem>>, vector<16xf32>,
        %swap3A_220 = arith.index_cast %scan3A_164 : i32 to index
        %swap3A_221 = arith.constant 144 : index
        %swap3A_222 = tpu.vector_load %arg8[%swap3A_220, %swap3A_221] {strides = array<i32>} : memref<8x1728xf32, #tpu.memory_space<vmem>>, vector<16xf32>,
        tpu.vector_store %arg8[%swap3A_220, %swap3A_221], %get3A_219 {strides = array<i32>} : memref<8x1728xf32, #tpu.memory_space<vmem>>, vector<16xf32>,
        %mul3A_223 = arith.constant 26 : i32
        %mul3A_224 = arith.muli %scan3A_164, %mul3A_223 : i32
        %add3A_225 = arith.constant 1 : i32
        %add3A_226 = arith.addi %mul3A_224, %add3A_225 : i32
        %get3A_227 = arith.index_cast %add3A_226 : i32 to index
        %get3A_228 = arith.constant 32 : index
        %get3A_229 = tpu.vector_load %arg6[%get3A_227, %get3A_228] {strides = array<i32>} : memref<208x128xf32, #tpu.memory_space<vmem>>, vector<16xf32>,
        %swap3A_230 = arith.index_cast %scan3A_164 : i32 to index
        %swap3A_231 = arith.constant 160 : index
        %swap3A_232 = tpu.vector_load %arg8[%swap3A_230, %swap3A_231] {strides = array<i32>} : memref<8x1728xf32, #tpu.memory_space<vmem>>, vector<16xf32>,
        tpu.vector_store %arg8[%swap3A_230, %swap3A_231], %get3A_229 {strides = array<i32>} : memref<8x1728xf32, #tpu.memory_space<vmem>>, vector<16xf32>,
        %mul3A_233 = arith.constant 26 : i32
        %mul3A_234 = arith.muli %scan3A_164, %mul3A_233 : i32
        %add3A_235 = arith.constant 1 : i32
        %add3A_236 = arith.addi %mul3A_234, %add3A_235 : i32
        %get3A_237 = arith.index_cast %add3A_236 : i32 to index
        %get3A_238 = arith.constant 48 : index
        %get3A_239 = tpu.vector_load %arg6[%get3A_237, %get3A_238] {strides = array<i32>} : memref<208x128xf32, #tpu.memory_space<vmem>>, vector<16xf32>,
        %swap3A_240 = arith.index_cast %scan3A_164 : i32 to index
        %swap3A_241 = arith.constant 176 : index
        %swap3A_242 = tpu.vector_load %arg8[%swap3A_240, %swap3A_241] {strides = array<i32>} : memref<8x1728xf32, #tpu.memory_space<vmem>>, vector<16xf32>,
        tpu.vector_store %arg8[%swap3A_240, %swap3A_241], %get3A_239 {strides = array<i32>} : memref<8x1728xf32, #tpu.memory_space<vmem>>, vector<16xf32>,
        %mul3A_243 = arith.constant 26 : i32
        %mul3A_244 = arith.muli %scan3A_164, %mul3A_243 : i32
        %add3A_245 = arith.constant 2 : i32
        %add3A_246 = arith.addi %mul3A_244, %add3A_245 : i32
        %get3A_247 = arith.index_cast %add3A_246 : i32 to index
        %get3A_248 = arith.constant 0 : index
        %get3A_249 = tpu.vector_load %arg6[%get3A_247, %get3A_248] {strides = array<i32>} : memref<208x128xf32, #tpu.memory_space<vmem>>, vector<16xf32>,
        %swap3A_250 = arith.index_cast %scan3A_164 : i32 to index
        %swap3A_251 = arith.constant 192 : index
        %swap3A_252 = tpu.vector_load %arg8[%swap3A_250, %swap3A_251] {strides = array<i32>} : memref<8x1728xf32, #tpu.memory_space<vmem>>, vector<16xf32>,
        tpu.vector_store %arg8[%swap3A_250, %swap3A_251], %get3A_249 {strides = array<i32>} : memref<8x1728xf32, #tpu.memory_space<vmem>>, vector<16xf32>,
        %mul3A_253 = arith.constant 26 : i32
        %mul3A_254 = arith.muli %scan3A_164, %mul3A_253 : i32
        %add3A_255 = arith.constant 2 : i32
        %add3A_256 = arith.addi %mul3A_254, %add3A_255 : i32
        %get3A_257 = arith.index_cast %add3A_256 : i32 to index
        %get3A_258 = arith.constant 16 : index
        %get3A_259 = tpu.vector_load %arg6[%get3A_257, %get3A_258] {strides = array<i32>} : memref<208x128xf32, #tpu.memory_space<vmem>>, vector<16xf32>,
        %swap3A_260 = arith.index_cast %scan3A_164 : i32 to index
        %swap3A_261 = arith.constant 208 : index
        %swap3A_262 = tpu.vector_load %arg8[%swap3A_260, %swap3A_261] {strides = array<i32>} : memref<8x1728xf32, #tpu.memory_space<vmem>>, vector<16xf32>,
        tpu.vector_store %arg8[%swap3A_260, %swap3A_261], %get3A_259 {strides = array<i32>} : memref<8x1728xf32, #tpu.memory_space<vmem>>, vector<16xf32>,
        %mul3A_263 = arith.constant 26 : i32
        %mul3A_264 = arith.muli %scan3A_164, %mul3A_263 : i32
        %add3A_265 = arith.constant 2 : i32
        %add3A_266 = arith.addi %mul3A_264, %add3A_265 : i32
        %get3A_267 = arith.index_cast %add3A_266 : i32 to index
        %get3A_268 = arith.constant 32 : index
        %get3A_269 = tpu.vector_load %arg6[%get3A_267, %get3A_268] {strides = array<i32>} : memref<208x128xf32, #tpu.memory_space<vmem>>, vector<16xf32>,
        %swap3A_270 = arith.index_cast %scan3A_164 : i32 to index
        %swap3A_271 = arith.constant 224 : index
        %swap3A_272 = tpu.vector_load %arg8[%swap3A_270, %swap3A_271] {strides = array<i32>} : memref<8x1728xf32, #tpu.memory_space<vmem>>, vector<16xf32>,
        tpu.vector_store %arg8[%swap3A_270, %swap3A_271], %get3A_269 {strides = array<i32>} : memref<8x1728xf32, #tpu.memory_space<vmem>>, vector<16xf32>,
        %mul3A_273 = arith.constant 26 : i32
        %mul3A_274 = arith.muli %scan3A_164, %mul3A_273 : i32
        %add3A_275 = arith.constant 2 : i32
        %add3A_276 = arith.addi %mul3A_274, %add3A_275 : i32
        %get3A_277 = arith.index_cast %add3A_276 : i32 to index
        %get3A_278 = arith.constant 48 : index
        %get3A_279 = tpu.vector_load %arg6[%get3A_277, %get3A_278] {strides = array<i32>} : memref<208x128xf32, #tpu.memory_space<vmem>>, vector<16xf32>,
        %swap3A_280 = arith.index_cast %scan3A_164 : i32 to index
        %swap3A_281 = arith.constant 240 : index
        %swap3A_282 = tpu.vector_load %arg8[%swap3A_280, %swap3A_281] {strides = array<i32>} : memref<8x1728xf32, #tpu.memory_space<vmem>>, vector<16xf32>,
        tpu.vector_store %arg8[%swap3A_280, %swap3A_281], %get3A_279 {strides = array<i32>} : memref<8x1728xf32, #tpu.memory_space<vmem>>, vector<16xf32>,
        %mul3A_283 = arith.constant 26 : i32
        %mul3A_284 = arith.muli %scan3A_164, %mul3A_283 : i32
        %add3A_285 = arith.constant 3 : i32
        %add3A_286 = arith.addi %mul3A_284, %add3A_285 : i32
        %get3A_287 = arith.index_cast %add3A_286 : i32 to index
        %get3A_288 = arith.constant 0 : index
        %get3A_289 = tpu.vector_load %arg6[%get3A_287, %get3A_288] {strides = array<i32>} : memref<208x128xf32, #tpu.memory_space<vmem>>, vector<16xf32>,
        %swap3A_290 = arith.index_cast %scan3A_164 : i32 to index
        %swap3A_291 = arith.constant 256 : index
        %swap3A_292 = tpu.vector_load %arg8[%swap3A_290, %swap3A_291] {strides = array<i32>} : memref<8x1728xf32, #tpu.memory_space<vmem>>, vector<16xf32>,
        tpu.vector_store %arg8[%swap3A_290, %swap3A_291], %get3A_289 {strides = array<i32>} : memref<8x1728xf32, #tpu.memory_space<vmem>>, vector<16xf32>,
        %mul3A_293 = arith.constant 26 : i32
        %mul3A_294 = arith.muli %scan3A_164, %mul3A_293 : i32
        %add3A_295 = arith.constant 3 : i32
        %add3A_296 = arith.addi %mul3A_294, %add3A_295 : i32
        %get3A_297 = arith.index_cast %add3A_296 : i32 to index
        %get3A_298 = arith.constant 16 : index
        %get3A_299 = tpu.vector_load %arg6[%get3A_297, %get3A_298] {strides = array<i32>} : memref<208x128xf32, #tpu.memory_space<vmem>>, vector<16xf32>,
        %swap3A_300 = arith.index_cast %scan3A_164 : i32 to index
        %swap3A_301 = arith.constant 272 : index
        %swap3A_302 = tpu.vector_load %arg8[%swap3A_300, %swap3A_301] {strides = array<i32>} : memref<8x1728xf32, #tpu.memory_space<vmem>>, vector<16xf32>,
        tpu.vector_store %arg8[%swap3A_300, %swap3A_301], %get3A_299 {strides = array<i32>} : memref<8x1728xf32, #tpu.memory_space<vmem>>, vector<16xf32>,
        %mul3A_303 = arith.constant 26 : i32
        %mul3A_304 = arith.muli %scan3A_164, %mul3A_303 : i32
        %add3A_305 = arith.constant 3 : i32
        %add3A_306 = arith.addi %mul3A_304, %add3A_305 : i32
        %get3A_307 = arith.index_cast %add3A_306 : i32 to index
        %get3A_308 = arith.constant 32 : index
        %get3A_309 = tpu.vector_load %arg6[%get3A_307, %get3A_308] {strides = array<i32>} : memref<208x128xf32, #tpu.memory_space<vmem>>, vector<16xf32>,
        %swap3A_310 = arith.index_cast %scan3A_164 : i32 to index
        %swap3A_311 = arith.constant 288 : index
        %swap3A_312 = tpu.vector_load %arg8[%swap3A_310, %swap3A_311] {strides = array<i32>} : memref<8x1728xf32, #tpu.memory_space<vmem>>, vector<16xf32>,
        tpu.vector_store %arg8[%swap3A_310, %swap3A_311], %get3A_309 {strides = array<i32>} : memref<8x1728xf32, #tpu.memory_space<vmem>>, vector<16xf32>,
        %mul3A_313 = arith.constant 26 : i32
        %mul3A_314 = arith.muli %scan3A_164, %mul3A_313 : i32
        %add3A_315 = arith.constant 3 : i32
        %add3A_316 = arith.addi %mul3A_314, %add3A_315 : i32
        %get3A_317 = arith.index_cast %add3A_316 : i32 to index
        %get3A_318 = arith.constant 48 : index
        %get3A_319 = tpu.vector_load %arg6[%get3A_317, %get3A_318] {strides = array<i32>} : memref<208x128xf32, #tpu.memory_space<vmem>>, vector<16xf32>,
        %swap3A_320 = arith.index_cast %scan3A_164 : i32 to index
        %swap3A_321 = arith.constant 304 : index
        %swap3A_322 = tpu.vector_load %arg8[%swap3A_320, %swap3A_321] {strides = array<i32>} : memref<8x1728xf32, #tpu.memory_space<vmem>>, vector<16xf32>,
        tpu.vector_store %arg8[%swap3A_320, %swap3A_321], %get3A_319 {strides = array<i32>} : memref<8x1728xf32, #tpu.memory_space<vmem>>, vector<16xf32>,
        %mul3A_323 = arith.constant 26 : i32
        %mul3A_324 = arith.muli %scan3A_164, %mul3A_323 : i32
        %add3A_325 = arith.constant 4 : i32
        %add3A_326 = arith.addi %mul3A_324, %add3A_325 : i32
        %get3A_327 = arith.index_cast %add3A_326 : i32 to index
        %get3A_328 = arith.constant 0 : index
        %get3A_329 = tpu.vector_load %arg6[%get3A_327, %get3A_328] {strides = array<i32>} : memref<208x128xf32, #tpu.memory_space<vmem>>, vector<16xf32>,
        %swap3A_330 = arith.index_cast %scan3A_164 : i32 to index
        %swap3A_331 = arith.constant 320 : index
        %swap3A_332 = tpu.vector_load %arg8[%swap3A_330, %swap3A_331] {strides = array<i32>} : memref<8x1728xf32, #tpu.memory_space<vmem>>, vector<16xf32>,
        tpu.vector_store %arg8[%swap3A_330, %swap3A_331], %get3A_329 {strides = array<i32>} : memref<8x1728xf32, #tpu.memory_space<vmem>>, vector<16xf32>,
        %mul3A_333 = arith.constant 26 : i32
        %mul3A_334 = arith.muli %scan3A_164, %mul3A_333 : i32
        %add3A_335 = arith.constant 4 : i32
        %add3A_336 = arith.addi %mul3A_334, %add3A_335 : i32
        %get3A_337 = arith.index_cast %add3A_336 : i32 to index
        %get3A_338 = arith.constant 16 : index
        %get3A_339 = tpu.vector_load %arg6[%get3A_337, %get3A_338] {strides = array<i32>} : memref<208x128xf32, #tpu.memory_space<vmem>>, vector<16xf32>,
        %swap3A_340 = arith.index_cast %scan3A_164 : i32 to index
        %swap3A_341 = arith.constant 336 : index
        %swap3A_342 = tpu.vector_load %arg8[%swap3A_340, %swap3A_341] {strides = array<i32>} : memref<8x1728xf32, #tpu.memory_space<vmem>>, vector<16xf32>,
        tpu.vector_store %arg8[%swap3A_340, %swap3A_341], %get3A_339 {strides = array<i32>} : memref<8x1728xf32, #tpu.memory_space<vmem>>, vector<16xf32>,
        %mul3A_343 = arith.constant 26 : i32
        %mul3A_344 = arith.muli %scan3A_164, %mul3A_343 : i32
        %add3A_345 = arith.constant 4 : i32
        %add3A_346 = arith.addi %mul3A_344, %add3A_345 : i32
        %get3A_347 = arith.index_cast %add3A_346 : i32 to index
        %get3A_348 = arith.constant 32 : index
        %get3A_349 = tpu.vector_load %arg6[%get3A_347, %get3A_348] {strides = array<i32>} : memref<208x128xf32, #tpu.memory_space<vmem>>, vector<16xf32>,
        %swap3A_350 = arith.index_cast %scan3A_164 : i32 to index
        %swap3A_351 = arith.constant 352 : index
        %swap3A_352 = tpu.vector_load %arg8[%swap3A_350, %swap3A_351] {strides = array<i32>} : memref<8x1728xf32, #tpu.memory_space<vmem>>, vector<16xf32>,
        tpu.vector_store %arg8[%swap3A_350, %swap3A_351], %get3A_349 {strides = array<i32>} : memref<8x1728xf32, #tpu.memory_space<vmem>>, vector<16xf32>,
        %mul3A_353 = arith.constant 26 : i32
        %mul3A_354 = arith.muli %scan3A_164, %mul3A_353 : i32
        %add3A_355 = arith.constant 4 : i32
        %add3A_356 = arith.addi %mul3A_354, %add3A_355 : i32
        %get3A_357 = arith.index_cast %add3A_356 : i32 to index
        %get3A_358 = arith.constant 48 : index
        %get3A_359 = tpu.vector_load %arg6[%get3A_357, %get3A_358] {strides = array<i32>} : memref<208x128xf32, #tpu.memory_space<vmem>>, vector<16xf32>,
        %swap3A_360 = arith.index_cast %scan3A_164 : i32 to index
        %swap3A_361 = arith.constant 368 : index
        %swap3A_362 = tpu.vector_load %arg8[%swap3A_360, %swap3A_361] {strides = array<i32>} : memref<8x1728xf32, #tpu.memory_space<vmem>>, vector<16xf32>,
        tpu.vector_store %arg8[%swap3A_360, %swap3A_361], %get3A_359 {strides = array<i32>} : memref<8x1728xf32, #tpu.memory_space<vmem>>, vector<16xf32>,
        %mul3A_363 = arith.constant 26 : i32
        %mul3A_364 = arith.muli %scan3A_164, %mul3A_363 : i32
        %add3A_365 = arith.constant 5 : i32
        %add3A_366 = arith.addi %mul3A_364, %add3A_365 : i32
        %get3A_367 = arith.index_cast %add3A_366 : i32 to index
        %get3A_368 = arith.constant 0 : index
        %get3A_369 = tpu.vector_load %arg6[%get3A_367, %get3A_368] {strides = array<i32>} : memref<208x128xf32, #tpu.memory_space<vmem>>, vector<16xf32>,
        %swap3A_370 = arith.index_cast %scan3A_164 : i32 to index
        %swap3A_371 = arith.constant 384 : index
        %swap3A_372 = tpu.vector_load %arg8[%swap3A_370, %swap3A_371] {strides = array<i32>} : memref<8x1728xf32, #tpu.memory_space<vmem>>, vector<16xf32>,
        tpu.vector_store %arg8[%swap3A_370, %swap3A_371], %get3A_369 {strides = array<i32>} : memref<8x1728xf32, #tpu.memory_space<vmem>>, vector<16xf32>,
        %mul3A_373 = arith.constant 26 : i32
        %mul3A_374 = arith.muli %scan3A_164, %mul3A_373 : i32
        %add3A_375 = arith.constant 5 : i32
        %add3A_376 = arith.addi %mul3A_374, %add3A_375 : i32
        %get3A_377 = arith.index_cast %add3A_376 : i32 to index
        %get3A_378 = arith.constant 16 : index
        %get3A_379 = tpu.vector_load %arg6[%get3A_377, %get3A_378] {strides = array<i32>} : memref<208x128xf32, #tpu.memory_space<vmem>>, vector<16xf32>,
        %swap3A_380 = arith.index_cast %scan3A_164 : i32 to index
        %swap3A_381 = arith.constant 400 : index
        %swap3A_382 = tpu.vector_load %arg8[%swap3A_380, %swap3A_381] {strides = array<i32>} : memref<8x1728xf32, #tpu.memory_space<vmem>>, vector<16xf32>,
        tpu.vector_store %arg8[%swap3A_380, %swap3A_381], %get3A_379 {strides = array<i32>} : memref<8x1728xf32, #tpu.memory_space<vmem>>, vector<16xf32>,
        %mul3A_383 = arith.constant 26 : i32
        %mul3A_384 = arith.muli %scan3A_164, %mul3A_383 : i32
        %add3A_385 = arith.constant 5 : i32
        %add3A_386 = arith.addi %mul3A_384, %add3A_385 : i32
        %get3A_387 = arith.index_cast %add3A_386 : i32 to index
        %get3A_388 = arith.constant 32 : index
        %get3A_389 = tpu.vector_load %arg6[%get3A_387, %get3A_388] {strides = array<i32>} : memref<208x128xf32, #tpu.memory_space<vmem>>, vector<16xf32>,
        %swap3A_390 = arith.index_cast %scan3A_164 : i32 to index
        %swap3A_391 = arith.constant 416 : index
        %swap3A_392 = tpu.vector_load %arg8[%swap3A_390, %swap3A_391] {strides = array<i32>} : memref<8x1728xf32, #tpu.memory_space<vmem>>, vector<16xf32>,
        tpu.vector_store %arg8[%swap3A_390, %swap3A_391], %get3A_389 {strides = array<i32>} : memref<8x1728xf32, #tpu.memory_space<vmem>>, vector<16xf32>,
        %mul3A_393 = arith.constant 26 : i32
        %mul3A_394 = arith.muli %scan3A_164, %mul3A_393 : i32
        %add3A_395 = arith.constant 5 : i32
        %add3A_396 = arith.addi %mul3A_394, %add3A_395 : i32
        %get3A_397 = arith.index_cast %add3A_396 : i32 to index
        %get3A_398 = arith.constant 48 : index
        %get3A_399 = tpu.vector_load %arg6[%get3A_397, %get3A_398] {strides = array<i32>} : memref<208x128xf32, #tpu.memory_space<vmem>>, vector<16xf32>,
        %swap3A_400 = arith.index_cast %scan3A_164 : i32 to index
        %swap3A_401 = arith.constant 432 : index
        %swap3A_402 = tpu.vector_load %arg8[%swap3A_400, %swap3A_401] {strides = array<i32>} : memref<8x1728xf32, #tpu.memory_space<vmem>>, vector<16xf32>,
        tpu.vector_store %arg8[%swap3A_400, %swap3A_401], %get3A_399 {strides = array<i32>} : memref<8x1728xf32, #tpu.memory_space<vmem>>, vector<16xf32>,
        %mul3A_403 = arith.constant 26 : i32
        %mul3A_404 = arith.muli %scan3A_164, %mul3A_403 : i32
        %add3A_405 = arith.constant 6 : i32
        %add3A_406 = arith.addi %mul3A_404, %add3A_405 : i32
        %get3A_407 = arith.index_cast %add3A_406 : i32 to index
        %get3A_408 = arith.constant 0 : index
        %get3A_409 = tpu.vector_load %arg6[%get3A_407, %get3A_408] {strides = array<i32>} : memref<208x128xf32, #tpu.memory_space<vmem>>, vector<16xf32>,
        %swap3A_410 = arith.index_cast %scan3A_164 : i32 to index
        %swap3A_411 = arith.constant 448 : index
        %swap3A_412 = tpu.vector_load %arg8[%swap3A_410, %swap3A_411] {strides = array<i32>} : memref<8x1728xf32, #tpu.memory_space<vmem>>, vector<16xf32>,
        tpu.vector_store %arg8[%swap3A_410, %swap3A_411], %get3A_409 {strides = array<i32>} : memref<8x1728xf32, #tpu.memory_space<vmem>>, vector<16xf32>,
        %mul3A_413 = arith.constant 26 : i32
        %mul3A_414 = arith.muli %scan3A_164, %mul3A_413 : i32
        %add3A_415 = arith.constant 6 : i32
        %add3A_416 = arith.addi %mul3A_414, %add3A_415 : i32
        %get3A_417 = arith.index_cast %add3A_416 : i32 to index
        %get3A_418 = arith.constant 16 : index
        %get3A_419 = tpu.vector_load %arg6[%get3A_417, %get3A_418] {strides = array<i32>} : memref<208x128xf32, #tpu.memory_space<vmem>>, vector<16xf32>,
        %swap3A_420 = arith.index_cast %scan3A_164 : i32 to index
        %swap3A_421 = arith.constant 464 : index
        %swap3A_422 = tpu.vector_load %arg8[%swap3A_420, %swap3A_421] {strides = array<i32>} : memref<8x1728xf32, #tpu.memory_space<vmem>>, vector<16xf32>,
        tpu.vector_store %arg8[%swap3A_420, %swap3A_421], %get3A_419 {strides = array<i32>} : memref<8x1728xf32, #tpu.memory_space<vmem>>, vector<16xf32>,
        %mul3A_423 = arith.constant 26 : i32
        %mul3A_424 = arith.muli %scan3A_164, %mul3A_423 : i32
        %add3A_425 = arith.constant 6 : i32
        %add3A_426 = arith.addi %mul3A_424, %add3A_425 : i32
        %get3A_427 = arith.index_cast %add3A_426 : i32 to index
        %get3A_428 = arith.constant 32 : index
        %get3A_429 = tpu.vector_load %arg6[%get3A_427, %get3A_428] {strides = array<i32>} : memref<208x128xf32, #tpu.memory_space<vmem>>, vector<16xf32>,
        %swap3A_430 = arith.index_cast %scan3A_164 : i32 to index
        %swap3A_431 = arith.constant 480 : index
        %swap3A_432 = tpu.vector_load %arg8[%swap3A_430, %swap3A_431] {strides = array<i32>} : memref<8x1728xf32, #tpu.memory_space<vmem>>, vector<16xf32>,
        tpu.vector_store %arg8[%swap3A_430, %swap3A_431], %get3A_429 {strides = array<i32>} : memref<8x1728xf32, #tpu.memory_space<vmem>>, vector<16xf32>,
        %mul3A_433 = arith.constant 26 : i32
        %mul3A_434 = arith.muli %scan3A_164, %mul3A_433 : i32
        %add3A_435 = arith.constant 6 : i32
        %add3A_436 = arith.addi %mul3A_434, %add3A_435 : i32
        %get3A_437 = arith.index_cast %add3A_436 : i32 to index
        %get3A_438 = arith.constant 48 : index
        %get3A_439 = tpu.vector_load %arg6[%get3A_437, %get3A_438] {strides = array<i32>} : memref<208x128xf32, #tpu.memory_space<vmem>>, vector<16xf32>,
        %swap3A_440 = arith.index_cast %scan3A_164 : i32 to index
        %swap3A_441 = arith.constant 496 : index
        %swap3A_442 = tpu.vector_load %arg8[%swap3A_440, %swap3A_441] {strides = array<i32>} : memref<8x1728xf32, #tpu.memory_space<vmem>>, vector<16xf32>,
        tpu.vector_store %arg8[%swap3A_440, %swap3A_441], %get3A_439 {strides = array<i32>} : memref<8x1728xf32, #tpu.memory_space<vmem>>, vector<16xf32>,
        %mul3A_443 = arith.constant 26 : i32
        %mul3A_444 = arith.muli %scan3A_164, %mul3A_443 : i32
        %add3A_445 = arith.constant 7 : i32
        %add3A_446 = arith.addi %mul3A_444, %add3A_445 : i32
        %get3A_447 = arith.index_cast %add3A_446 : i32 to index
        %get3A_448 = arith.constant 0 : index
        %get3A_449 = tpu.vector_load %arg6[%get3A_447, %get3A_448] {strides = array<i32>} : memref<208x128xf32, #tpu.memory_space<vmem>>, vector<16xf32>,
        %swap3A_450 = arith.index_cast %scan3A_164 : i32 to index
        %swap3A_451 = arith.constant 512 : index
        %swap3A_452 = tpu.vector_load %arg8[%swap3A_450, %swap3A_451] {strides = array<i32>} : memref<8x1728xf32, #tpu.memory_space<vmem>>, vector<16xf32>,
        tpu.vector_store %arg8[%swap3A_450, %swap3A_451], %get3A_449 {strides = array<i32>} : memref<8x1728xf32, #tpu.memory_space<vmem>>, vector<16xf32>,
        %mul3A_453 = arith.constant 26 : i32
        %mul3A_454 = arith.muli %scan3A_164, %mul3A_453 : i32
        %add3A_455 = arith.constant 7 : i32
        %add3A_456 = arith.addi %mul3A_454, %add3A_455 : i32
        %get3A_457 = arith.index_cast %add3A_456 : i32 to index
        %get3A_458 = arith.constant 16 : index
        %get3A_459 = tpu.vector_load %arg6[%get3A_457, %get3A_458] {strides = array<i32>} : memref<208x128xf32, #tpu.memory_space<vmem>>, vector<16xf32>,
        %swap3A_460 = arith.index_cast %scan3A_164 : i32 to index
        %swap3A_461 = arith.constant 528 : index
        %swap3A_462 = tpu.vector_load %arg8[%swap3A_460, %swap3A_461] {strides = array<i32>} : memref<8x1728xf32, #tpu.memory_space<vmem>>, vector<16xf32>,
        tpu.vector_store %arg8[%swap3A_460, %swap3A_461], %get3A_459 {strides = array<i32>} : memref<8x1728xf32, #tpu.memory_space<vmem>>, vector<16xf32>,
        %mul3A_463 = arith.constant 26 : i32
        %mul3A_464 = arith.muli %scan3A_164, %mul3A_463 : i32
        %add3A_465 = arith.constant 7 : i32
        %add3A_466 = arith.addi %mul3A_464, %add3A_465 : i32
        %get3A_467 = arith.index_cast %add3A_466 : i32 to index
        %get3A_468 = arith.constant 32 : index
        %get3A_469 = tpu.vector_load %arg6[%get3A_467, %get3A_468] {strides = array<i32>} : memref<208x128xf32, #tpu.memory_space<vmem>>, vector<16xf32>,
        %swap3A_470 = arith.index_cast %scan3A_164 : i32 to index
        %swap3A_471 = arith.constant 544 : index
        %swap3A_472 = tpu.vector_load %arg8[%swap3A_470, %swap3A_471] {strides = array<i32>} : memref<8x1728xf32, #tpu.memory_space<vmem>>, vector<16xf32>,
        tpu.vector_store %arg8[%swap3A_470, %swap3A_471], %get3A_469 {strides = array<i32>} : memref<8x1728xf32, #tpu.memory_space<vmem>>, vector<16xf32>,
        %mul3A_473 = arith.constant 26 : i32
        %mul3A_474 = arith.muli %scan3A_164, %mul3A_473 : i32
        %add3A_475 = arith.constant 7 : i32
        %add3A_476 = arith.addi %mul3A_474, %add3A_475 : i32
        %get3A_477 = arith.index_cast %add3A_476 : i32 to index
        %get3A_478 = arith.constant 48 : index
        %get3A_479 = tpu.vector_load %arg6[%get3A_477, %get3A_478] {strides = array<i32>} : memref<208x128xf32, #tpu.memory_space<vmem>>, vector<16xf32>,
        %swap3A_480 = arith.index_cast %scan3A_164 : i32 to index
        %swap3A_481 = arith.constant 560 : index
        %swap3A_482 = tpu.vector_load %arg8[%swap3A_480, %swap3A_481] {strides = array<i32>} : memref<8x1728xf32, #tpu.memory_space<vmem>>, vector<16xf32>,
        tpu.vector_store %arg8[%swap3A_480, %swap3A_481], %get3A_479 {strides = array<i32>} : memref<8x1728xf32, #tpu.memory_space<vmem>>, vector<16xf32>,
        %mul3A_483 = arith.constant 26 : i32
        %mul3A_484 = arith.muli %scan3A_164, %mul3A_483 : i32
        %add3A_485 = arith.constant 8 : i32
        %add3A_486 = arith.addi %mul3A_484, %add3A_485 : i32
        %get3A_487 = arith.index_cast %add3A_486 : i32 to index
        %get3A_488 = arith.constant 0 : index
        %get3A_489 = tpu.vector_load %arg6[%get3A_487, %get3A_488] {strides = array<i32>} : memref<208x128xf32, #tpu.memory_space<vmem>>, vector<16xf32>,
        %swap3A_490 = arith.index_cast %scan3A_164 : i32 to index
        %swap3A_491 = arith.constant 576 : index
        %swap3A_492 = tpu.vector_load %arg8[%swap3A_490, %swap3A_491] {strides = array<i32>} : memref<8x1728xf32, #tpu.memory_space<vmem>>, vector<16xf32>,
        tpu.vector_store %arg8[%swap3A_490, %swap3A_491], %get3A_489 {strides = array<i32>} : memref<8x1728xf32, #tpu.memory_space<vmem>>, vector<16xf32>,
        %mul3A_493 = arith.constant 26 : i32
        %mul3A_494 = arith.muli %scan3A_164, %mul3A_493 : i32
        %add3A_495 = arith.constant 8 : i32
        %add3A_496 = arith.addi %mul3A_494, %add3A_495 : i32
        %get3A_497 = arith.index_cast %add3A_496 : i32 to index
        %get3A_498 = arith.constant 16 : index
        %get3A_499 = tpu.vector_load %arg6[%get3A_497, %get3A_498] {strides = array<i32>} : memref<208x128xf32, #tpu.memory_space<vmem>>, vector<16xf32>,
        %swap3A_500 = arith.index_cast %scan3A_164 : i32 to index
        %swap3A_501 = arith.constant 592 : index
        %swap3A_502 = tpu.vector_load %arg8[%swap3A_500, %swap3A_501] {strides = array<i32>} : memref<8x1728xf32, #tpu.memory_space<vmem>>, vector<16xf32>,
        tpu.vector_store %arg8[%swap3A_500, %swap3A_501], %get3A_499 {strides = array<i32>} : memref<8x1728xf32, #tpu.memory_space<vmem>>, vector<16xf32>,
        %mul3A_503 = arith.constant 26 : i32
        %mul3A_504 = arith.muli %scan3A_164, %mul3A_503 : i32
        %add3A_505 = arith.constant 8 : i32
        %add3A_506 = arith.addi %mul3A_504, %add3A_505 : i32
        %get3A_507 = arith.index_cast %add3A_506 : i32 to index
        %get3A_508 = arith.constant 32 : index
        %get3A_509 = tpu.vector_load %arg6[%get3A_507, %get3A_508] {strides = array<i32>} : memref<208x128xf32, #tpu.memory_space<vmem>>, vector<16xf32>,
        %swap3A_510 = arith.index_cast %scan3A_164 : i32 to index
        %swap3A_511 = arith.constant 608 : index
        %swap3A_512 = tpu.vector_load %arg8[%swap3A_510, %swap3A_511] {strides = array<i32>} : memref<8x1728xf32, #tpu.memory_space<vmem>>, vector<16xf32>,
        tpu.vector_store %arg8[%swap3A_510, %swap3A_511], %get3A_509 {strides = array<i32>} : memref<8x1728xf32, #tpu.memory_space<vmem>>, vector<16xf32>,
        %mul3A_513 = arith.constant 26 : i32
        %mul3A_514 = arith.muli %scan3A_164, %mul3A_513 : i32
        %add3A_515 = arith.constant 8 : i32
        %add3A_516 = arith.addi %mul3A_514, %add3A_515 : i32
        %get3A_517 = arith.index_cast %add3A_516 : i32 to index
        %get3A_518 = arith.constant 48 : index
        %get3A_519 = tpu.vector_load %arg6[%get3A_517, %get3A_518] {strides = array<i32>} : memref<208x128xf32, #tpu.memory_space<vmem>>, vector<16xf32>,
        %swap3A_520 = arith.index_cast %scan3A_164 : i32 to index
        %swap3A_521 = arith.constant 624 : index
        %swap3A_522 = tpu.vector_load %arg8[%swap3A_520, %swap3A_521] {strides = array<i32>} : memref<8x1728xf32, #tpu.memory_space<vmem>>, vector<16xf32>,
        tpu.vector_store %arg8[%swap3A_520, %swap3A_521], %get3A_519 {strides = array<i32>} : memref<8x1728xf32, #tpu.memory_space<vmem>>, vector<16xf32>,
        %mul3A_523 = arith.constant 26 : i32
        %mul3A_524 = arith.muli %scan3A_164, %mul3A_523 : i32
        %add3A_525 = arith.constant 9 : i32
        %add3A_526 = arith.addi %mul3A_524, %add3A_525 : i32
        %get3A_527 = arith.index_cast %add3A_526 : i32 to index
        %get3A_528 = arith.constant 0 : index
        %get3A_529 = tpu.vector_load %arg6[%get3A_527, %get3A_528] {strides = array<i32>} : memref<208x128xf32, #tpu.memory_space<vmem>>, vector<16xf32>,
        %swap3A_530 = arith.index_cast %scan3A_164 : i32 to index
        %swap3A_531 = arith.constant 640 : index
        %swap3A_532 = tpu.vector_load %arg8[%swap3A_530, %swap3A_531] {strides = array<i32>} : memref<8x1728xf32, #tpu.memory_space<vmem>>, vector<16xf32>,
        tpu.vector_store %arg8[%swap3A_530, %swap3A_531], %get3A_529 {strides = array<i32>} : memref<8x1728xf32, #tpu.memory_space<vmem>>, vector<16xf32>,
        %mul3A_533 = arith.constant 26 : i32
        %mul3A_534 = arith.muli %scan3A_164, %mul3A_533 : i32
        %add3A_535 = arith.constant 9 : i32
        %add3A_536 = arith.addi %mul3A_534, %add3A_535 : i32
        %get3A_537 = arith.index_cast %add3A_536 : i32 to index
        %get3A_538 = arith.constant 16 : index
        %get3A_539 = tpu.vector_load %arg6[%get3A_537, %get3A_538] {strides = array<i32>} : memref<208x128xf32, #tpu.memory_space<vmem>>, vector<16xf32>,
        %swap3A_540 = arith.index_cast %scan3A_164 : i32 to index
        %swap3A_541 = arith.constant 656 : index
        %swap3A_542 = tpu.vector_load %arg8[%swap3A_540, %swap3A_541] {strides = array<i32>} : memref<8x1728xf32, #tpu.memory_space<vmem>>, vector<16xf32>,
        tpu.vector_store %arg8[%swap3A_540, %swap3A_541], %get3A_539 {strides = array<i32>} : memref<8x1728xf32, #tpu.memory_space<vmem>>, vector<16xf32>,
        %mul3A_543 = arith.constant 26 : i32
        %mul3A_544 = arith.muli %scan3A_164, %mul3A_543 : i32
        %add3A_545 = arith.constant 9 : i32
        %add3A_546 = arith.addi %mul3A_544, %add3A_545 : i32
        %get3A_547 = arith.index_cast %add3A_546 : i32 to index
        %get3A_548 = arith.constant 32 : index
        %get3A_549 = tpu.vector_load %arg6[%get3A_547, %get3A_548] {strides = array<i32>} : memref<208x128xf32, #tpu.memory_space<vmem>>, vector<16xf32>,
        %swap3A_550 = arith.index_cast %scan3A_164 : i32 to index
        %swap3A_551 = arith.constant 672 : index
        %swap3A_552 = tpu.vector_load %arg8[%swap3A_550, %swap3A_551] {strides = array<i32>} : memref<8x1728xf32, #tpu.memory_space<vmem>>, vector<16xf32>,
        tpu.vector_store %arg8[%swap3A_550, %swap3A_551], %get3A_549 {strides = array<i32>} : memref<8x1728xf32, #tpu.memory_space<vmem>>, vector<16xf32>,
        %mul3A_553 = arith.constant 26 : i32
        %mul3A_554 = arith.muli %scan3A_164, %mul3A_553 : i32
        %add3A_555 = arith.constant 9 : i32
        %add3A_556 = arith.addi %mul3A_554, %add3A_555 : i32
        %get3A_557 = arith.index_cast %add3A_556 : i32 to index
        %get3A_558 = arith.constant 48 : index
        %get3A_559 = tpu.vector_load %arg6[%get3A_557, %get3A_558] {strides = array<i32>} : memref<208x128xf32, #tpu.memory_space<vmem>>, vector<16xf32>,
        %swap3A_560 = arith.index_cast %scan3A_164 : i32 to index
        %swap3A_561 = arith.constant 688 : index
        %swap3A_562 = tpu.vector_load %arg8[%swap3A_560, %swap3A_561] {strides = array<i32>} : memref<8x1728xf32, #tpu.memory_space<vmem>>, vector<16xf32>,
        tpu.vector_store %arg8[%swap3A_560, %swap3A_561], %get3A_559 {strides = array<i32>} : memref<8x1728xf32, #tpu.memory_space<vmem>>, vector<16xf32>,
        %mul3A_563 = arith.constant 26 : i32
        %mul3A_564 = arith.muli %scan3A_164, %mul3A_563 : i32
        %add3A_565 = arith.constant 10 : i32
        %add3A_566 = arith.addi %mul3A_564, %add3A_565 : i32
        %get3A_567 = arith.index_cast %add3A_566 : i32 to index
        %get3A_568 = arith.constant 0 : index
        %get3A_569 = tpu.vector_load %arg6[%get3A_567, %get3A_568] {strides = array<i32>} : memref<208x128xf32, #tpu.memory_space<vmem>>, vector<16xf32>,
        %swap3A_570 = arith.index_cast %scan3A_164 : i32 to index
        %swap3A_571 = arith.constant 704 : index
        %swap3A_572 = tpu.vector_load %arg8[%swap3A_570, %swap3A_571] {strides = array<i32>} : memref<8x1728xf32, #tpu.memory_space<vmem>>, vector<16xf32>,
        tpu.vector_store %arg8[%swap3A_570, %swap3A_571], %get3A_569 {strides = array<i32>} : memref<8x1728xf32, #tpu.memory_space<vmem>>, vector<16xf32>,
        %mul3A_573 = arith.constant 26 : i32
        %mul3A_574 = arith.muli %scan3A_164, %mul3A_573 : i32
        %add3A_575 = arith.constant 10 : i32
        %add3A_576 = arith.addi %mul3A_574, %add3A_575 : i32
        %get3A_577 = arith.index_cast %add3A_576 : i32 to index
        %get3A_578 = arith.constant 16 : index
        %get3A_579 = tpu.vector_load %arg6[%get3A_577, %get3A_578] {strides = array<i32>} : memref<208x128xf32, #tpu.memory_space<vmem>>, vector<16xf32>,
        %swap3A_580 = arith.index_cast %scan3A_164 : i32 to index
        %swap3A_581 = arith.constant 720 : index
        %swap3A_582 = tpu.vector_load %arg8[%swap3A_580, %swap3A_581] {strides = array<i32>} : memref<8x1728xf32, #tpu.memory_space<vmem>>, vector<16xf32>,
        tpu.vector_store %arg8[%swap3A_580, %swap3A_581], %get3A_579 {strides = array<i32>} : memref<8x1728xf32, #tpu.memory_space<vmem>>, vector<16xf32>,
        %mul3A_583 = arith.constant 26 : i32
        %mul3A_584 = arith.muli %scan3A_164, %mul3A_583 : i32
        %add3A_585 = arith.constant 10 : i32
        %add3A_586 = arith.addi %mul3A_584, %add3A_585 : i32
        %get3A_587 = arith.index_cast %add3A_586 : i32 to index
        %get3A_588 = arith.constant 32 : index
        %get3A_589 = tpu.vector_load %arg6[%get3A_587, %get3A_588] {strides = array<i32>} : memref<208x128xf32, #tpu.memory_space<vmem>>, vector<16xf32>,
        %swap3A_590 = arith.index_cast %scan3A_164 : i32 to index
        %swap3A_591 = arith.constant 736 : index
        %swap3A_592 = tpu.vector_load %arg8[%swap3A_590, %swap3A_591] {strides = array<i32>} : memref<8x1728xf32, #tpu.memory_space<vmem>>, vector<16xf32>,
        tpu.vector_store %arg8[%swap3A_590, %swap3A_591], %get3A_589 {strides = array<i32>} : memref<8x1728xf32, #tpu.memory_space<vmem>>, vector<16xf32>,
        %mul3A_593 = arith.constant 26 : i32
        %mul3A_594 = arith.muli %scan3A_164, %mul3A_593 : i32
        %add3A_595 = arith.constant 10 : i32
        %add3A_596 = arith.addi %mul3A_594, %add3A_595 : i32
        %get3A_597 = arith.index_cast %add3A_596 : i32 to index
        %get3A_598 = arith.constant 48 : index
        %get3A_599 = tpu.vector_load %arg6[%get3A_597, %get3A_598] {strides = array<i32>} : memref<208x128xf32, #tpu.memory_space<vmem>>, vector<16xf32>,
        %swap3A_600 = arith.index_cast %scan3A_164 : i32 to index
        %swap3A_601 = arith.constant 752 : index
        %swap3A_602 = tpu.vector_load %arg8[%swap3A_600, %swap3A_601] {strides = array<i32>} : memref<8x1728xf32, #tpu.memory_space<vmem>>, vector<16xf32>,
        tpu.vector_store %arg8[%swap3A_600, %swap3A_601], %get3A_599 {strides = array<i32>} : memref<8x1728xf32, #tpu.memory_space<vmem>>, vector<16xf32>,
        %mul3A_603 = arith.constant 26 : i32
        %mul3A_604 = arith.muli %scan3A_164, %mul3A_603 : i32
        %add3A_605 = arith.constant 11 : i32
        %add3A_606 = arith.addi %mul3A_604, %add3A_605 : i32
        %get3A_607 = arith.index_cast %add3A_606 : i32 to index
        %get3A_608 = arith.constant 0 : index
        %get3A_609 = tpu.vector_load %arg6[%get3A_607, %get3A_608] {strides = array<i32>} : memref<208x128xf32, #tpu.memory_space<vmem>>, vector<16xf32>,
        %swap3A_610 = arith.index_cast %scan3A_164 : i32 to index
        %swap3A_611 = arith.constant 768 : index
        %swap3A_612 = tpu.vector_load %arg8[%swap3A_610, %swap3A_611] {strides = array<i32>} : memref<8x1728xf32, #tpu.memory_space<vmem>>, vector<16xf32>,
        tpu.vector_store %arg8[%swap3A_610, %swap3A_611], %get3A_609 {strides = array<i32>} : memref<8x1728xf32, #tpu.memory_space<vmem>>, vector<16xf32>,
        %mul3A_613 = arith.constant 26 : i32
        %mul3A_614 = arith.muli %scan3A_164, %mul3A_613 : i32
        %add3A_615 = arith.constant 11 : i32
        %add3A_616 = arith.addi %mul3A_614, %add3A_615 : i32
        %get3A_617 = arith.index_cast %add3A_616 : i32 to index
        %get3A_618 = arith.constant 16 : index
        %get3A_619 = tpu.vector_load %arg6[%get3A_617, %get3A_618] {strides = array<i32>} : memref<208x128xf32, #tpu.memory_space<vmem>>, vector<16xf32>,
        %swap3A_620 = arith.index_cast %scan3A_164 : i32 to index
        %swap3A_621 = arith.constant 784 : index
        %swap3A_622 = tpu.vector_load %arg8[%swap3A_620, %swap3A_621] {strides = array<i32>} : memref<8x1728xf32, #tpu.memory_space<vmem>>, vector<16xf32>,
        tpu.vector_store %arg8[%swap3A_620, %swap3A_621], %get3A_619 {strides = array<i32>} : memref<8x1728xf32, #tpu.memory_space<vmem>>, vector<16xf32>,
        %mul3A_623 = arith.constant 26 : i32
        %mul3A_624 = arith.muli %scan3A_164, %mul3A_623 : i32
        %add3A_625 = arith.constant 11 : i32
        %add3A_626 = arith.addi %mul3A_624, %add3A_625 : i32
        %get3A_627 = arith.index_cast %add3A_626 : i32 to index
        %get3A_628 = arith.constant 32 : index
        %get3A_629 = tpu.vector_load %arg6[%get3A_627, %get3A_628] {strides = array<i32>} : memref<208x128xf32, #tpu.memory_space<vmem>>, vector<16xf32>,
        %swap3A_630 = arith.index_cast %scan3A_164 : i32 to index
        %swap3A_631 = arith.constant 800 : index
        %swap3A_632 = tpu.vector_load %arg8[%swap3A_630, %swap3A_631] {strides = array<i32>} : memref<8x1728xf32, #tpu.memory_space<vmem>>, vector<16xf32>,
        tpu.vector_store %arg8[%swap3A_630, %swap3A_631], %get3A_629 {strides = array<i32>} : memref<8x1728xf32, #tpu.memory_space<vmem>>, vector<16xf32>,
        %mul3A_633 = arith.constant 26 : i32
        %mul3A_634 = arith.muli %scan3A_164, %mul3A_633 : i32
        %add3A_635 = arith.constant 11 : i32
        %add3A_636 = arith.addi %mul3A_634, %add3A_635 : i32
        %get3A_637 = arith.index_cast %add3A_636 : i32 to index
        %get3A_638 = arith.constant 48 : index
        %get3A_639 = tpu.vector_load %arg6[%get3A_637, %get3A_638] {strides = array<i32>} : memref<208x128xf32, #tpu.memory_space<vmem>>, vector<16xf32>,
        %swap3A_640 = arith.index_cast %scan3A_164 : i32 to index
        %swap3A_641 = arith.constant 816 : index
        %swap3A_642 = tpu.vector_load %arg8[%swap3A_640, %swap3A_641] {strides = array<i32>} : memref<8x1728xf32, #tpu.memory_space<vmem>>, vector<16xf32>,
        tpu.vector_store %arg8[%swap3A_640, %swap3A_641], %get3A_639 {strides = array<i32>} : memref<8x1728xf32, #tpu.memory_space<vmem>>, vector<16xf32>,
        %mul3A_643 = arith.constant 26 : i32
        %mul3A_644 = arith.muli %scan3A_164, %mul3A_643 : i32
        %add3A_645 = arith.constant 12 : i32
        %add3A_646 = arith.addi %mul3A_644, %add3A_645 : i32
        %get3A_647 = arith.index_cast %add3A_646 : i32 to index
        %get3A_648 = arith.constant 0 : index
        %get3A_649 = tpu.vector_load %arg6[%get3A_647, %get3A_648] {strides = array<i32>} : memref<208x128xf32, #tpu.memory_space<vmem>>, vector<16xf32>,
        %swap3A_650 = arith.index_cast %scan3A_164 : i32 to index
        %swap3A_651 = arith.constant 832 : index
        %swap3A_652 = tpu.vector_load %arg8[%swap3A_650, %swap3A_651] {strides = array<i32>} : memref<8x1728xf32, #tpu.memory_space<vmem>>, vector<16xf32>,
        tpu.vector_store %arg8[%swap3A_650, %swap3A_651], %get3A_649 {strides = array<i32>} : memref<8x1728xf32, #tpu.memory_space<vmem>>, vector<16xf32>,
        %mul3A_653 = arith.constant 26 : i32
        %mul3A_654 = arith.muli %scan3A_164, %mul3A_653 : i32
        %add3A_655 = arith.constant 12 : i32
        %add3A_656 = arith.addi %mul3A_654, %add3A_655 : i32
        %get3A_657 = arith.index_cast %add3A_656 : i32 to index
        %get3A_658 = arith.constant 16 : index
        %get3A_659 = tpu.vector_load %arg6[%get3A_657, %get3A_658] {strides = array<i32>} : memref<208x128xf32, #tpu.memory_space<vmem>>, vector<16xf32>,
        %swap3A_660 = arith.index_cast %scan3A_164 : i32 to index
        %swap3A_661 = arith.constant 848 : index
        %swap3A_662 = tpu.vector_load %arg8[%swap3A_660, %swap3A_661] {strides = array<i32>} : memref<8x1728xf32, #tpu.memory_space<vmem>>, vector<16xf32>,
        tpu.vector_store %arg8[%swap3A_660, %swap3A_661], %get3A_659 {strides = array<i32>} : memref<8x1728xf32, #tpu.memory_space<vmem>>, vector<16xf32>,
        %mul3A_663 = arith.constant 26 : i32
        %mul3A_664 = arith.muli %scan3A_164, %mul3A_663 : i32
        %add3A_665 = arith.constant 12 : i32
        %add3A_666 = arith.addi %mul3A_664, %add3A_665 : i32
        %get3A_667 = arith.index_cast %add3A_666 : i32 to index
        %get3A_668 = arith.constant 32 : index
        %get3A_669 = tpu.vector_load %arg6[%get3A_667, %get3A_668] {strides = array<i32>} : memref<208x128xf32, #tpu.memory_space<vmem>>, vector<16xf32>,
        %swap3A_670 = arith.index_cast %scan3A_164 : i32 to index
        %swap3A_671 = arith.constant 864 : index
        %swap3A_672 = tpu.vector_load %arg8[%swap3A_670, %swap3A_671] {strides = array<i32>} : memref<8x1728xf32, #tpu.memory_space<vmem>>, vector<16xf32>,
        tpu.vector_store %arg8[%swap3A_670, %swap3A_671], %get3A_669 {strides = array<i32>} : memref<8x1728xf32, #tpu.memory_space<vmem>>, vector<16xf32>,
        %mul3A_673 = arith.constant 26 : i32
        %mul3A_674 = arith.muli %scan3A_164, %mul3A_673 : i32
        %add3A_675 = arith.constant 12 : i32
        %add3A_676 = arith.addi %mul3A_674, %add3A_675 : i32
        %get3A_677 = arith.index_cast %add3A_676 : i32 to index
        %get3A_678 = arith.constant 48 : index
        %get3A_679 = tpu.vector_load %arg6[%get3A_677, %get3A_678] {strides = array<i32>} : memref<208x128xf32, #tpu.memory_space<vmem>>, vector<16xf32>,
        %swap3A_680 = arith.index_cast %scan3A_164 : i32 to index
        %swap3A_681 = arith.constant 880 : index
        %swap3A_682 = tpu.vector_load %arg8[%swap3A_680, %swap3A_681] {strides = array<i32>} : memref<8x1728xf32, #tpu.memory_space<vmem>>, vector<16xf32>,
        tpu.vector_store %arg8[%swap3A_680, %swap3A_681], %get3A_679 {strides = array<i32>} : memref<8x1728xf32, #tpu.memory_space<vmem>>, vector<16xf32>,
        %mul3A_683 = arith.constant 26 : i32
        %mul3A_684 = arith.muli %scan3A_164, %mul3A_683 : i32
        %add3A_685 = arith.constant 13 : i32
        %add3A_686 = arith.addi %mul3A_684, %add3A_685 : i32
        %get3A_687 = arith.index_cast %add3A_686 : i32 to index
        %get3A_688 = arith.constant 0 : index
        %get3A_689 = tpu.vector_load %arg6[%get3A_687, %get3A_688] {strides = array<i32>} : memref<208x128xf32, #tpu.memory_space<vmem>>, vector<16xf32>,
        %swap3A_690 = arith.index_cast %scan3A_164 : i32 to index
        %swap3A_691 = arith.constant 896 : index
        %swap3A_692 = tpu.vector_load %arg8[%swap3A_690, %swap3A_691] {strides = array<i32>} : memref<8x1728xf32, #tpu.memory_space<vmem>>, vector<16xf32>,
        tpu.vector_store %arg8[%swap3A_690, %swap3A_691], %get3A_689 {strides = array<i32>} : memref<8x1728xf32, #tpu.memory_space<vmem>>, vector<16xf32>,
        %mul3A_693 = arith.constant 26 : i32
        %mul3A_694 = arith.muli %scan3A_164, %mul3A_693 : i32
        %add3A_695 = arith.constant 13 : i32
        %add3A_696 = arith.addi %mul3A_694, %add3A_695 : i32
        %get3A_697 = arith.index_cast %add3A_696 : i32 to index
        %get3A_698 = arith.constant 16 : index
        %get3A_699 = tpu.vector_load %arg6[%get3A_697, %get3A_698] {strides = array<i32>} : memref<208x128xf32, #tpu.memory_space<vmem>>, vector<16xf32>,
        %swap3A_700 = arith.index_cast %scan3A_164 : i32 to index
        %swap3A_701 = arith.constant 912 : index
        %swap3A_702 = tpu.vector_load %arg8[%swap3A_700, %swap3A_701] {strides = array<i32>} : memref<8x1728xf32, #tpu.memory_space<vmem>>, vector<16xf32>,
        tpu.vector_store %arg8[%swap3A_700, %swap3A_701], %get3A_699 {strides = array<i32>} : memref<8x1728xf32, #tpu.memory_space<vmem>>, vector<16xf32>,
        %mul3A_703 = arith.constant 26 : i32
        %mul3A_704 = arith.muli %scan3A_164, %mul3A_703 : i32
        %add3A_705 = arith.constant 13 : i32
        %add3A_706 = arith.addi %mul3A_704, %add3A_705 : i32
        %get3A_707 = arith.index_cast %add3A_706 : i32 to index
        %get3A_708 = arith.constant 32 : index
        %get3A_709 = tpu.vector_load %arg6[%get3A_707, %get3A_708] {strides = array<i32>} : memref<208x128xf32, #tpu.memory_space<vmem>>, vector<16xf32>,
        %swap3A_710 = arith.index_cast %scan3A_164 : i32 to index
        %swap3A_711 = arith.constant 928 : index
        %swap3A_712 = tpu.vector_load %arg8[%swap3A_710, %swap3A_711] {strides = array<i32>} : memref<8x1728xf32, #tpu.memory_space<vmem>>, vector<16xf32>,
        tpu.vector_store %arg8[%swap3A_710, %swap3A_711], %get3A_709 {strides = array<i32>} : memref<8x1728xf32, #tpu.memory_space<vmem>>, vector<16xf32>,
        %mul3A_713 = arith.constant 26 : i32
        %mul3A_714 = arith.muli %scan3A_164, %mul3A_713 : i32
        %add3A_715 = arith.constant 13 : i32
        %add3A_716 = arith.addi %mul3A_714, %add3A_715 : i32
        %get3A_717 = arith.index_cast %add3A_716 : i32 to index
        %get3A_718 = arith.constant 48 : index
        %get3A_719 = tpu.vector_load %arg6[%get3A_717, %get3A_718] {strides = array<i32>} : memref<208x128xf32, #tpu.memory_space<vmem>>, vector<16xf32>,
        %swap3A_720 = arith.index_cast %scan3A_164 : i32 to index
        %swap3A_721 = arith.constant 944 : index
        %swap3A_722 = tpu.vector_load %arg8[%swap3A_720, %swap3A_721] {strides = array<i32>} : memref<8x1728xf32, #tpu.memory_space<vmem>>, vector<16xf32>,
        tpu.vector_store %arg8[%swap3A_720, %swap3A_721], %get3A_719 {strides = array<i32>} : memref<8x1728xf32, #tpu.memory_space<vmem>>, vector<16xf32>,
        %mul3A_723 = arith.constant 26 : i32
        %mul3A_724 = arith.muli %scan3A_164, %mul3A_723 : i32
        %add3A_725 = arith.constant 14 : i32
        %add3A_726 = arith.addi %mul3A_724, %add3A_725 : i32
        %get3A_727 = arith.index_cast %add3A_726 : i32 to index
        %get3A_728 = arith.constant 0 : index
        %get3A_729 = tpu.vector_load %arg6[%get3A_727, %get3A_728] {strides = array<i32>} : memref<208x128xf32, #tpu.memory_space<vmem>>, vector<16xf32>,
        %swap3A_730 = arith.index_cast %scan3A_164 : i32 to index
        %swap3A_731 = arith.constant 960 : index
        %swap3A_732 = tpu.vector_load %arg8[%swap3A_730, %swap3A_731] {strides = array<i32>} : memref<8x1728xf32, #tpu.memory_space<vmem>>, vector<16xf32>,
        tpu.vector_store %arg8[%swap3A_730, %swap3A_731], %get3A_729 {strides = array<i32>} : memref<8x1728xf32, #tpu.memory_space<vmem>>, vector<16xf32>,
        %mul3A_733 = arith.constant 26 : i32
        %mul3A_734 = arith.muli %scan3A_164, %mul3A_733 : i32
        %add3A_735 = arith.constant 14 : i32
        %add3A_736 = arith.addi %mul3A_734, %add3A_735 : i32
        %get3A_737 = arith.index_cast %add3A_736 : i32 to index
        %get3A_738 = arith.constant 16 : index
        %get3A_739 = tpu.vector_load %arg6[%get3A_737, %get3A_738] {strides = array<i32>} : memref<208x128xf32, #tpu.memory_space<vmem>>, vector<16xf32>,
        %swap3A_740 = arith.index_cast %scan3A_164 : i32 to index
        %swap3A_741 = arith.constant 976 : index
        %swap3A_742 = tpu.vector_load %arg8[%swap3A_740, %swap3A_741] {strides = array<i32>} : memref<8x1728xf32, #tpu.memory_space<vmem>>, vector<16xf32>,
        tpu.vector_store %arg8[%swap3A_740, %swap3A_741], %get3A_739 {strides = array<i32>} : memref<8x1728xf32, #tpu.memory_space<vmem>>, vector<16xf32>,
        %mul3A_743 = arith.constant 26 : i32
        %mul3A_744 = arith.muli %scan3A_164, %mul3A_743 : i32
        %add3A_745 = arith.constant 14 : i32
        %add3A_746 = arith.addi %mul3A_744, %add3A_745 : i32
        %get3A_747 = arith.index_cast %add3A_746 : i32 to index
        %get3A_748 = arith.constant 32 : index
        %get3A_749 = tpu.vector_load %arg6[%get3A_747, %get3A_748] {strides = array<i32>} : memref<208x128xf32, #tpu.memory_space<vmem>>, vector<16xf32>,
        %swap3A_750 = arith.index_cast %scan3A_164 : i32 to index
        %swap3A_751 = arith.constant 992 : index
        %swap3A_752 = tpu.vector_load %arg8[%swap3A_750, %swap3A_751] {strides = array<i32>} : memref<8x1728xf32, #tpu.memory_space<vmem>>, vector<16xf32>,
        tpu.vector_store %arg8[%swap3A_750, %swap3A_751], %get3A_749 {strides = array<i32>} : memref<8x1728xf32, #tpu.memory_space<vmem>>, vector<16xf32>,
        %mul3A_753 = arith.constant 26 : i32
        %mul3A_754 = arith.muli %scan3A_164, %mul3A_753 : i32
        %add3A_755 = arith.constant 14 : i32
        %add3A_756 = arith.addi %mul3A_754, %add3A_755 : i32
        %get3A_757 = arith.index_cast %add3A_756 : i32 to index
        %get3A_758 = arith.constant 48 : index
        %get3A_759 = tpu.vector_load %arg6[%get3A_757, %get3A_758] {strides = array<i32>} : memref<208x128xf32, #tpu.memory_space<vmem>>, vector<16xf32>,
        %swap3A_760 = arith.index_cast %scan3A_164 : i32 to index
        %swap3A_761 = arith.constant 1008 : index
        %swap3A_762 = tpu.vector_load %arg8[%swap3A_760, %swap3A_761] {strides = array<i32>} : memref<8x1728xf32, #tpu.memory_space<vmem>>, vector<16xf32>,
        tpu.vector_store %arg8[%swap3A_760, %swap3A_761], %get3A_759 {strides = array<i32>} : memref<8x1728xf32, #tpu.memory_space<vmem>>, vector<16xf32>,
        %mul3A_763 = arith.constant 26 : i32
        %mul3A_764 = arith.muli %scan3A_164, %mul3A_763 : i32
        %add3A_765 = arith.constant 15 : i32
        %add3A_766 = arith.addi %mul3A_764, %add3A_765 : i32
        %get3A_767 = arith.index_cast %add3A_766 : i32 to index
        %get3A_768 = arith.constant 0 : index
        %get3A_769 = tpu.vector_load %arg6[%get3A_767, %get3A_768] {strides = array<i32>} : memref<208x128xf32, #tpu.memory_space<vmem>>, vector<16xf32>,
        %swap3A_770 = arith.index_cast %scan3A_164 : i32 to index
        %swap3A_771 = arith.constant 1024 : index
        %swap3A_772 = tpu.vector_load %arg8[%swap3A_770, %swap3A_771] {strides = array<i32>} : memref<8x1728xf32, #tpu.memory_space<vmem>>, vector<16xf32>,
        tpu.vector_store %arg8[%swap3A_770, %swap3A_771], %get3A_769 {strides = array<i32>} : memref<8x1728xf32, #tpu.memory_space<vmem>>, vector<16xf32>,
        %mul3A_773 = arith.constant 26 : i32
        %mul3A_774 = arith.muli %scan3A_164, %mul3A_773 : i32
        %add3A_775 = arith.constant 15 : i32
        %add3A_776 = arith.addi %mul3A_774, %add3A_775 : i32
        %get3A_777 = arith.index_cast %add3A_776 : i32 to index
        %get3A_778 = arith.constant 16 : index
        %get3A_779 = tpu.vector_load %arg6[%get3A_777, %get3A_778] {strides = array<i32>} : memref<208x128xf32, #tpu.memory_space<vmem>>, vector<16xf32>,
        %swap3A_780 = arith.index_cast %scan3A_164 : i32 to index
        %swap3A_781 = arith.constant 1040 : index
        %swap3A_782 = tpu.vector_load %arg8[%swap3A_780, %swap3A_781] {strides = array<i32>} : memref<8x1728xf32, #tpu.memory_space<vmem>>, vector<16xf32>,
        tpu.vector_store %arg8[%swap3A_780, %swap3A_781], %get3A_779 {strides = array<i32>} : memref<8x1728xf32, #tpu.memory_space<vmem>>, vector<16xf32>,
        %mul3A_783 = arith.constant 26 : i32
        %mul3A_784 = arith.muli %scan3A_164, %mul3A_783 : i32
        %add3A_785 = arith.constant 15 : i32
        %add3A_786 = arith.addi %mul3A_784, %add3A_785 : i32
        %get3A_787 = arith.index_cast %add3A_786 : i32 to index
        %get3A_788 = arith.constant 32 : index
        %get3A_789 = tpu.vector_load %arg6[%get3A_787, %get3A_788] {strides = array<i32>} : memref<208x128xf32, #tpu.memory_space<vmem>>, vector<16xf32>,
        %swap3A_790 = arith.index_cast %scan3A_164 : i32 to index
        %swap3A_791 = arith.constant 1056 : index
        %swap3A_792 = tpu.vector_load %arg8[%swap3A_790, %swap3A_791] {strides = array<i32>} : memref<8x1728xf32, #tpu.memory_space<vmem>>, vector<16xf32>,
        tpu.vector_store %arg8[%swap3A_790, %swap3A_791], %get3A_789 {strides = array<i32>} : memref<8x1728xf32, #tpu.memory_space<vmem>>, vector<16xf32>,
        %mul3A_793 = arith.constant 26 : i32
        %mul3A_794 = arith.muli %scan3A_164, %mul3A_793 : i32
        %add3A_795 = arith.constant 15 : i32
        %add3A_796 = arith.addi %mul3A_794, %add3A_795 : i32
        %get3A_797 = arith.index_cast %add3A_796 : i32 to index
        %get3A_798 = arith.constant 48 : index
        %get3A_799 = tpu.vector_load %arg6[%get3A_797, %get3A_798] {strides = array<i32>} : memref<208x128xf32, #tpu.memory_space<vmem>>, vector<16xf32>,
        %swap3A_800 = arith.index_cast %scan3A_164 : i32 to index
        %swap3A_801 = arith.constant 1072 : index
        %swap3A_802 = tpu.vector_load %arg8[%swap3A_800, %swap3A_801] {strides = array<i32>} : memref<8x1728xf32, #tpu.memory_space<vmem>>, vector<16xf32>,
        tpu.vector_store %arg8[%swap3A_800, %swap3A_801], %get3A_799 {strides = array<i32>} : memref<8x1728xf32, #tpu.memory_space<vmem>>, vector<16xf32>,
        %mul3A_803 = arith.constant 26 : i32
        %mul3A_804 = arith.muli %scan3A_164, %mul3A_803 : i32
        %add3A_805 = arith.constant 16 : i32
        %add3A_806 = arith.addi %mul3A_804, %add3A_805 : i32
        %get3A_807 = arith.index_cast %add3A_806 : i32 to index
        %get3A_808 = arith.constant 0 : index
        %get3A_809 = tpu.vector_load %arg6[%get3A_807, %get3A_808] {strides = array<i32>} : memref<208x128xf32, #tpu.memory_space<vmem>>, vector<16xf32>,
        %swap3A_810 = arith.index_cast %scan3A_164 : i32 to index
        %swap3A_811 = arith.constant 1088 : index
        %swap3A_812 = tpu.vector_load %arg8[%swap3A_810, %swap3A_811] {strides = array<i32>} : memref<8x1728xf32, #tpu.memory_space<vmem>>, vector<16xf32>,
        tpu.vector_store %arg8[%swap3A_810, %swap3A_811], %get3A_809 {strides = array<i32>} : memref<8x1728xf32, #tpu.memory_space<vmem>>, vector<16xf32>,
        %mul3A_813 = arith.constant 26 : i32
        %mul3A_814 = arith.muli %scan3A_164, %mul3A_813 : i32
        %add3A_815 = arith.constant 16 : i32
        %add3A_816 = arith.addi %mul3A_814, %add3A_815 : i32
        %get3A_817 = arith.index_cast %add3A_816 : i32 to index
        %get3A_818 = arith.constant 16 : index
        %get3A_819 = tpu.vector_load %arg6[%get3A_817, %get3A_818] {strides = array<i32>} : memref<208x128xf32, #tpu.memory_space<vmem>>, vector<16xf32>,
        %swap3A_820 = arith.index_cast %scan3A_164 : i32 to index
        %swap3A_821 = arith.constant 1104 : index
        %swap3A_822 = tpu.vector_load %arg8[%swap3A_820, %swap3A_821] {strides = array<i32>} : memref<8x1728xf32, #tpu.memory_space<vmem>>, vector<16xf32>,
        tpu.vector_store %arg8[%swap3A_820, %swap3A_821], %get3A_819 {strides = array<i32>} : memref<8x1728xf32, #tpu.memory_space<vmem>>, vector<16xf32>,
        %mul3A_823 = arith.constant 26 : i32
        %mul3A_824 = arith.muli %scan3A_164, %mul3A_823 : i32
        %add3A_825 = arith.constant 16 : i32
        %add3A_826 = arith.addi %mul3A_824, %add3A_825 : i32
        %get3A_827 = arith.index_cast %add3A_826 : i32 to index
        %get3A_828 = arith.constant 32 : index
        %get3A_829 = tpu.vector_load %arg6[%get3A_827, %get3A_828] {strides = array<i32>} : memref<208x128xf32, #tpu.memory_space<vmem>>, vector<16xf32>,
        %swap3A_830 = arith.index_cast %scan3A_164 : i32 to index
        %swap3A_831 = arith.constant 1120 : index
        %swap3A_832 = tpu.vector_load %arg8[%swap3A_830, %swap3A_831] {strides = array<i32>} : memref<8x1728xf32, #tpu.memory_space<vmem>>, vector<16xf32>,
        tpu.vector_store %arg8[%swap3A_830, %swap3A_831], %get3A_829 {strides = array<i32>} : memref<8x1728xf32, #tpu.memory_space<vmem>>, vector<16xf32>,
        %mul3A_833 = arith.constant 26 : i32
        %mul3A_834 = arith.muli %scan3A_164, %mul3A_833 : i32
        %add3A_835 = arith.constant 16 : i32
        %add3A_836 = arith.addi %mul3A_834, %add3A_835 : i32
        %get3A_837 = arith.index_cast %add3A_836 : i32 to index
        %get3A_838 = arith.constant 48 : index
        %get3A_839 = tpu.vector_load %arg6[%get3A_837, %get3A_838] {strides = array<i32>} : memref<208x128xf32, #tpu.memory_space<vmem>>, vector<16xf32>,
        %swap3A_840 = arith.index_cast %scan3A_164 : i32 to index
        %swap3A_841 = arith.constant 1136 : index
        %swap3A_842 = tpu.vector_load %arg8[%swap3A_840, %swap3A_841] {strides = array<i32>} : memref<8x1728xf32, #tpu.memory_space<vmem>>, vector<16xf32>,
        tpu.vector_store %arg8[%swap3A_840, %swap3A_841], %get3A_839 {strides = array<i32>} : memref<8x1728xf32, #tpu.memory_space<vmem>>, vector<16xf32>,
        %mul3A_843 = arith.constant 26 : i32
        %mul3A_844 = arith.muli %scan3A_164, %mul3A_843 : i32
        %add3A_845 = arith.constant 17 : i32
        %add3A_846 = arith.addi %mul3A_844, %add3A_845 : i32
        %get3A_847 = arith.index_cast %add3A_846 : i32 to index
        %get3A_848 = arith.constant 0 : index
        %get3A_849 = tpu.vector_load %arg6[%get3A_847, %get3A_848] {strides = array<i32>} : memref<208x128xf32, #tpu.memory_space<vmem>>, vector<16xf32>,
        %swap3A_850 = arith.index_cast %scan3A_164 : i32 to index
        %swap3A_851 = arith.constant 1152 : index
        %swap3A_852 = tpu.vector_load %arg8[%swap3A_850, %swap3A_851] {strides = array<i32>} : memref<8x1728xf32, #tpu.memory_space<vmem>>, vector<16xf32>,
        tpu.vector_store %arg8[%swap3A_850, %swap3A_851], %get3A_849 {strides = array<i32>} : memref<8x1728xf32, #tpu.memory_space<vmem>>, vector<16xf32>,
        %mul3A_853 = arith.constant 26 : i32
        %mul3A_854 = arith.muli %scan3A_164, %mul3A_853 : i32
        %add3A_855 = arith.constant 17 : i32
        %add3A_856 = arith.addi %mul3A_854, %add3A_855 : i32
        %get3A_857 = arith.index_cast %add3A_856 : i32 to index
        %get3A_858 = arith.constant 16 : index
        %get3A_859 = tpu.vector_load %arg6[%get3A_857, %get3A_858] {strides = array<i32>} : memref<208x128xf32, #tpu.memory_space<vmem>>, vector<16xf32>,
        %swap3A_860 = arith.index_cast %scan3A_164 : i32 to index
        %swap3A_861 = arith.constant 1168 : index
        %swap3A_862 = tpu.vector_load %arg8[%swap3A_860, %swap3A_861] {strides = array<i32>} : memref<8x1728xf32, #tpu.memory_space<vmem>>, vector<16xf32>,
        tpu.vector_store %arg8[%swap3A_860, %swap3A_861], %get3A_859 {strides = array<i32>} : memref<8x1728xf32, #tpu.memory_space<vmem>>, vector<16xf32>,
        %mul3A_863 = arith.constant 26 : i32
        %mul3A_864 = arith.muli %scan3A_164, %mul3A_863 : i32
        %add3A_865 = arith.constant 17 : i32
        %add3A_866 = arith.addi %mul3A_864, %add3A_865 : i32
        %get3A_867 = arith.index_cast %add3A_866 : i32 to index
        %get3A_868 = arith.constant 32 : index
        %get3A_869 = tpu.vector_load %arg6[%get3A_867, %get3A_868] {strides = array<i32>} : memref<208x128xf32, #tpu.memory_space<vmem>>, vector<16xf32>,
        %swap3A_870 = arith.index_cast %scan3A_164 : i32 to index
        %swap3A_871 = arith.constant 1184 : index
        %swap3A_872 = tpu.vector_load %arg8[%swap3A_870, %swap3A_871] {strides = array<i32>} : memref<8x1728xf32, #tpu.memory_space<vmem>>, vector<16xf32>,
        tpu.vector_store %arg8[%swap3A_870, %swap3A_871], %get3A_869 {strides = array<i32>} : memref<8x1728xf32, #tpu.memory_space<vmem>>, vector<16xf32>,
        %mul3A_873 = arith.constant 26 : i32
        %mul3A_874 = arith.muli %scan3A_164, %mul3A_873 : i32
        %add3A_875 = arith.constant 17 : i32
        %add3A_876 = arith.addi %mul3A_874, %add3A_875 : i32
        %get3A_877 = arith.index_cast %add3A_876 : i32 to index
        %get3A_878 = arith.constant 48 : index
        %get3A_879 = tpu.vector_load %arg6[%get3A_877, %get3A_878] {strides = array<i32>} : memref<208x128xf32, #tpu.memory_space<vmem>>, vector<16xf32>,
        %swap3A_880 = arith.index_cast %scan3A_164 : i32 to index
        %swap3A_881 = arith.constant 1200 : index
        %swap3A_882 = tpu.vector_load %arg8[%swap3A_880, %swap3A_881] {strides = array<i32>} : memref<8x1728xf32, #tpu.memory_space<vmem>>, vector<16xf32>,
        tpu.vector_store %arg8[%swap3A_880, %swap3A_881], %get3A_879 {strides = array<i32>} : memref<8x1728xf32, #tpu.memory_space<vmem>>, vector<16xf32>,
        %mul3A_883 = arith.constant 26 : i32
        %mul3A_884 = arith.muli %scan3A_164, %mul3A_883 : i32
        %add3A_885 = arith.constant 18 : i32
        %add3A_886 = arith.addi %mul3A_884, %add3A_885 : i32
        %get3A_887 = arith.index_cast %add3A_886 : i32 to index
        %get3A_888 = arith.constant 0 : index
        %get3A_889 = tpu.vector_load %arg6[%get3A_887, %get3A_888] {strides = array<i32>} : memref<208x128xf32, #tpu.memory_space<vmem>>, vector<16xf32>,
        %swap3A_890 = arith.index_cast %scan3A_164 : i32 to index
        %swap3A_891 = arith.constant 1216 : index
        %swap3A_892 = tpu.vector_load %arg8[%swap3A_890, %swap3A_891] {strides = array<i32>} : memref<8x1728xf32, #tpu.memory_space<vmem>>, vector<16xf32>,
        tpu.vector_store %arg8[%swap3A_890, %swap3A_891], %get3A_889 {strides = array<i32>} : memref<8x1728xf32, #tpu.memory_space<vmem>>, vector<16xf32>,
        %mul3A_893 = arith.constant 26 : i32
        %mul3A_894 = arith.muli %scan3A_164, %mul3A_893 : i32
        %add3A_895 = arith.constant 18 : i32
        %add3A_896 = arith.addi %mul3A_894, %add3A_895 : i32
        %get3A_897 = arith.index_cast %add3A_896 : i32 to index
        %get3A_898 = arith.constant 16 : index
        %get3A_899 = tpu.vector_load %arg6[%get3A_897, %get3A_898] {strides = array<i32>} : memref<208x128xf32, #tpu.memory_space<vmem>>, vector<16xf32>,
        %swap3A_900 = arith.index_cast %scan3A_164 : i32 to index
        %swap3A_901 = arith.constant 1232 : index
        %swap3A_902 = tpu.vector_load %arg8[%swap3A_900, %swap3A_901] {strides = array<i32>} : memref<8x1728xf32, #tpu.memory_space<vmem>>, vector<16xf32>,
        tpu.vector_store %arg8[%swap3A_900, %swap3A_901], %get3A_899 {strides = array<i32>} : memref<8x1728xf32, #tpu.memory_space<vmem>>, vector<16xf32>,
        %mul3A_903 = arith.constant 26 : i32
        %mul3A_904 = arith.muli %scan3A_164, %mul3A_903 : i32
        %add3A_905 = arith.constant 18 : i32
        %add3A_906 = arith.addi %mul3A_904, %add3A_905 : i32
        %get3A_907 = arith.index_cast %add3A_906 : i32 to index
        %get3A_908 = arith.constant 32 : index
        %get3A_909 = tpu.vector_load %arg6[%get3A_907, %get3A_908] {strides = array<i32>} : memref<208x128xf32, #tpu.memory_space<vmem>>, vector<16xf32>,
        %swap3A_910 = arith.index_cast %scan3A_164 : i32 to index
        %swap3A_911 = arith.constant 1248 : index
        %swap3A_912 = tpu.vector_load %arg8[%swap3A_910, %swap3A_911] {strides = array<i32>} : memref<8x1728xf32, #tpu.memory_space<vmem>>, vector<16xf32>,
        tpu.vector_store %arg8[%swap3A_910, %swap3A_911], %get3A_909 {strides = array<i32>} : memref<8x1728xf32, #tpu.memory_space<vmem>>, vector<16xf32>,
        %mul3A_913 = arith.constant 26 : i32
        %mul3A_914 = arith.muli %scan3A_164, %mul3A_913 : i32
        %add3A_915 = arith.constant 18 : i32
        %add3A_916 = arith.addi %mul3A_914, %add3A_915 : i32
        %get3A_917 = arith.index_cast %add3A_916 : i32 to index
        %get3A_918 = arith.constant 48 : index
        %get3A_919 = tpu.vector_load %arg6[%get3A_917, %get3A_918] {strides = array<i32>} : memref<208x128xf32, #tpu.memory_space<vmem>>, vector<16xf32>,
        %swap3A_920 = arith.index_cast %scan3A_164 : i32 to index
        %swap3A_921 = arith.constant 1264 : index
        %swap3A_922 = tpu.vector_load %arg8[%swap3A_920, %swap3A_921] {strides = array<i32>} : memref<8x1728xf32, #tpu.memory_space<vmem>>, vector<16xf32>,
        tpu.vector_store %arg8[%swap3A_920, %swap3A_921], %get3A_919 {strides = array<i32>} : memref<8x1728xf32, #tpu.memory_space<vmem>>, vector<16xf32>,
        %mul3A_923 = arith.constant 26 : i32
        %mul3A_924 = arith.muli %scan3A_164, %mul3A_923 : i32
        %add3A_925 = arith.constant 19 : i32
        %add3A_926 = arith.addi %mul3A_924, %add3A_925 : i32
        %get3A_927 = arith.index_cast %add3A_926 : i32 to index
        %get3A_928 = arith.constant 0 : index
        %get3A_929 = tpu.vector_load %arg6[%get3A_927, %get3A_928] {strides = array<i32>} : memref<208x128xf32, #tpu.memory_space<vmem>>, vector<16xf32>,
        %swap3A_930 = arith.index_cast %scan3A_164 : i32 to index
        %swap3A_931 = arith.constant 1280 : index
        %swap3A_932 = tpu.vector_load %arg8[%swap3A_930, %swap3A_931] {strides = array<i32>} : memref<8x1728xf32, #tpu.memory_space<vmem>>, vector<16xf32>,
        tpu.vector_store %arg8[%swap3A_930, %swap3A_931], %get3A_929 {strides = array<i32>} : memref<8x1728xf32, #tpu.memory_space<vmem>>, vector<16xf32>,
        %mul3A_933 = arith.constant 26 : i32
        %mul3A_934 = arith.muli %scan3A_164, %mul3A_933 : i32
        %add3A_935 = arith.constant 19 : i32
        %add3A_936 = arith.addi %mul3A_934, %add3A_935 : i32
        %get3A_937 = arith.index_cast %add3A_936 : i32 to index
        %get3A_938 = arith.constant 16 : index
        %get3A_939 = tpu.vector_load %arg6[%get3A_937, %get3A_938] {strides = array<i32>} : memref<208x128xf32, #tpu.memory_space<vmem>>, vector<16xf32>,
        %swap3A_940 = arith.index_cast %scan3A_164 : i32 to index
        %swap3A_941 = arith.constant 1296 : index
        %swap3A_942 = tpu.vector_load %arg8[%swap3A_940, %swap3A_941] {strides = array<i32>} : memref<8x1728xf32, #tpu.memory_space<vmem>>, vector<16xf32>,
        tpu.vector_store %arg8[%swap3A_940, %swap3A_941], %get3A_939 {strides = array<i32>} : memref<8x1728xf32, #tpu.memory_space<vmem>>, vector<16xf32>,
        %mul3A_943 = arith.constant 26 : i32
        %mul3A_944 = arith.muli %scan3A_164, %mul3A_943 : i32
        %add3A_945 = arith.constant 19 : i32
        %add3A_946 = arith.addi %mul3A_944, %add3A_945 : i32
        %get3A_947 = arith.index_cast %add3A_946 : i32 to index
        %get3A_948 = arith.constant 32 : index
        %get3A_949 = tpu.vector_load %arg6[%get3A_947, %get3A_948] {strides = array<i32>} : memref<208x128xf32, #tpu.memory_space<vmem>>, vector<16xf32>,
        %swap3A_950 = arith.index_cast %scan3A_164 : i32 to index
        %swap3A_951 = arith.constant 1312 : index
        %swap3A_952 = tpu.vector_load %arg8[%swap3A_950, %swap3A_951] {strides = array<i32>} : memref<8x1728xf32, #tpu.memory_space<vmem>>, vector<16xf32>,
        tpu.vector_store %arg8[%swap3A_950, %swap3A_951], %get3A_949 {strides = array<i32>} : memref<8x1728xf32, #tpu.memory_space<vmem>>, vector<16xf32>,
        %mul3A_953 = arith.constant 26 : i32
        %mul3A_954 = arith.muli %scan3A_164, %mul3A_953 : i32
        %add3A_955 = arith.constant 19 : i32
        %add3A_956 = arith.addi %mul3A_954, %add3A_955 : i32
        %get3A_957 = arith.index_cast %add3A_956 : i32 to index
        %get3A_958 = arith.constant 48 : index
        %get3A_959 = tpu.vector_load %arg6[%get3A_957, %get3A_958] {strides = array<i32>} : memref<208x128xf32, #tpu.memory_space<vmem>>, vector<16xf32>,
        %swap3A_960 = arith.index_cast %scan3A_164 : i32 to index
        %swap3A_961 = arith.constant 1328 : index
        %swap3A_962 = tpu.vector_load %arg8[%swap3A_960, %swap3A_961] {strides = array<i32>} : memref<8x1728xf32, #tpu.memory_space<vmem>>, vector<16xf32>,
        tpu.vector_store %arg8[%swap3A_960, %swap3A_961], %get3A_959 {strides = array<i32>} : memref<8x1728xf32, #tpu.memory_space<vmem>>, vector<16xf32>,
        %mul3A_963 = arith.constant 26 : i32
        %mul3A_964 = arith.muli %scan3A_164, %mul3A_963 : i32
        %add3A_965 = arith.constant 20 : i32
        %add3A_966 = arith.addi %mul3A_964, %add3A_965 : i32
        %get3A_967 = arith.index_cast %add3A_966 : i32 to index
        %get3A_968 = arith.constant 0 : index
        %get3A_969 = tpu.vector_load %arg6[%get3A_967, %get3A_968] {strides = array<i32>} : memref<208x128xf32, #tpu.memory_space<vmem>>, vector<16xf32>,
        %swap3A_970 = arith.index_cast %scan3A_164 : i32 to index
        %swap3A_971 = arith.constant 1344 : index
        %swap3A_972 = tpu.vector_load %arg8[%swap3A_970, %swap3A_971] {strides = array<i32>} : memref<8x1728xf32, #tpu.memory_space<vmem>>, vector<16xf32>,
        tpu.vector_store %arg8[%swap3A_970, %swap3A_971], %get3A_969 {strides = array<i32>} : memref<8x1728xf32, #tpu.memory_space<vmem>>, vector<16xf32>,
        %mul3A_973 = arith.constant 26 : i32
        %mul3A_974 = arith.muli %scan3A_164, %mul3A_973 : i32
        %add3A_975 = arith.constant 20 : i32
        %add3A_976 = arith.addi %mul3A_974, %add3A_975 : i32
        %get3A_977 = arith.index_cast %add3A_976 : i32 to index
        %get3A_978 = arith.constant 16 : index
        %get3A_979 = tpu.vector_load %arg6[%get3A_977, %get3A_978] {strides = array<i32>} : memref<208x128xf32, #tpu.memory_space<vmem>>, vector<16xf32>,
        %swap3A_980 = arith.index_cast %scan3A_164 : i32 to index
        %swap3A_981 = arith.constant 1360 : index
        %swap3A_982 = tpu.vector_load %arg8[%swap3A_980, %swap3A_981] {strides = array<i32>} : memref<8x1728xf32, #tpu.memory_space<vmem>>, vector<16xf32>,
        tpu.vector_store %arg8[%swap3A_980, %swap3A_981], %get3A_979 {strides = array<i32>} : memref<8x1728xf32, #tpu.memory_space<vmem>>, vector<16xf32>,
        %mul3A_983 = arith.constant 26 : i32
        %mul3A_984 = arith.muli %scan3A_164, %mul3A_983 : i32
        %add3A_985 = arith.constant 20 : i32
        %add3A_986 = arith.addi %mul3A_984, %add3A_985 : i32
        %get3A_987 = arith.index_cast %add3A_986 : i32 to index
        %get3A_988 = arith.constant 32 : index
        %get3A_989 = tpu.vector_load %arg6[%get3A_987, %get3A_988] {strides = array<i32>} : memref<208x128xf32, #tpu.memory_space<vmem>>, vector<16xf32>,
        %swap3A_990 = arith.index_cast %scan3A_164 : i32 to index
        %swap3A_991 = arith.constant 1376 : index
        %swap3A_992 = tpu.vector_load %arg8[%swap3A_990, %swap3A_991] {strides = array<i32>} : memref<8x1728xf32, #tpu.memory_space<vmem>>, vector<16xf32>,
        tpu.vector_store %arg8[%swap3A_990, %swap3A_991], %get3A_989 {strides = array<i32>} : memref<8x1728xf32, #tpu.memory_space<vmem>>, vector<16xf32>,
        %mul3A_993 = arith.constant 26 : i32
        %mul3A_994 = arith.muli %scan3A_164, %mul3A_993 : i32
        %add3A_995 = arith.constant 20 : i32
        %add3A_996 = arith.addi %mul3A_994, %add3A_995 : i32
        %get3A_997 = arith.index_cast %add3A_996 : i32 to index
        %get3A_998 = arith.constant 48 : index
        %get3A_999 = tpu.vector_load %arg6[%get3A_997, %get3A_998] {strides = array<i32>} : memref<208x128xf32, #tpu.memory_space<vmem>>, vector<16xf32>,
        %swap3A_1000 = arith.index_cast %scan3A_164 : i32 to index
        %swap3A_1001 = arith.constant 1392 : index
        %swap3A_1002 = tpu.vector_load %arg8[%swap3A_1000, %swap3A_1001] {strides = array<i32>} : memref<8x1728xf32, #tpu.memory_space<vmem>>, vector<16xf32>,
        tpu.vector_store %arg8[%swap3A_1000, %swap3A_1001], %get3A_999 {strides = array<i32>} : memref<8x1728xf32, #tpu.memory_space<vmem>>, vector<16xf32>,
        %mul3A_1003 = arith.constant 26 : i32
        %mul3A_1004 = arith.muli %scan3A_164, %mul3A_1003 : i32
        %add3A_1005 = arith.constant 21 : i32
        %add3A_1006 = arith.addi %mul3A_1004, %add3A_1005 : i32
        %get3A_1007 = arith.index_cast %add3A_1006 : i32 to index
        %get3A_1008 = arith.constant 0 : index
        %get3A_1009 = tpu.vector_load %arg6[%get3A_1007, %get3A_1008] {strides = array<i32>} : memref<208x128xf32, #tpu.memory_space<vmem>>, vector<16xf32>,
        %swap3A_1010 = arith.index_cast %scan3A_164 : i32 to index
        %swap3A_1011 = arith.constant 1408 : index
        %swap3A_1012 = tpu.vector_load %arg8[%swap3A_1010, %swap3A_1011] {strides = array<i32>} : memref<8x1728xf32, #tpu.memory_space<vmem>>, vector<16xf32>,
        tpu.vector_store %arg8[%swap3A_1010, %swap3A_1011], %get3A_1009 {strides = array<i32>} : memref<8x1728xf32, #tpu.memory_space<vmem>>, vector<16xf32>,
        %mul3A_1013 = arith.constant 26 : i32
        %mul3A_1014 = arith.muli %scan3A_164, %mul3A_1013 : i32
        %add3A_1015 = arith.constant 21 : i32
        %add3A_1016 = arith.addi %mul3A_1014, %add3A_1015 : i32
        %get3A_1017 = arith.index_cast %add3A_1016 : i32 to index
        %get3A_1018 = arith.constant 16 : index
        %get3A_1019 = tpu.vector_load %arg6[%get3A_1017, %get3A_1018] {strides = array<i32>} : memref<208x128xf32, #tpu.memory_space<vmem>>, vector<16xf32>,
        %swap3A_1020 = arith.index_cast %scan3A_164 : i32 to index
        %swap3A_1021 = arith.constant 1424 : index
        %swap3A_1022 = tpu.vector_load %arg8[%swap3A_1020, %swap3A_1021] {strides = array<i32>} : memref<8x1728xf32, #tpu.memory_space<vmem>>, vector<16xf32>,
        tpu.vector_store %arg8[%swap3A_1020, %swap3A_1021], %get3A_1019 {strides = array<i32>} : memref<8x1728xf32, #tpu.memory_space<vmem>>, vector<16xf32>,
        %mul3A_1023 = arith.constant 26 : i32
        %mul3A_1024 = arith.muli %scan3A_164, %mul3A_1023 : i32
        %add3A_1025 = arith.constant 21 : i32
        %add3A_1026 = arith.addi %mul3A_1024, %add3A_1025 : i32
        %get3A_1027 = arith.index_cast %add3A_1026 : i32 to index
        %get3A_1028 = arith.constant 32 : index
        %get3A_1029 = tpu.vector_load %arg6[%get3A_1027, %get3A_1028] {strides = array<i32>} : memref<208x128xf32, #tpu.memory_space<vmem>>, vector<16xf32>,
        %swap3A_1030 = arith.index_cast %scan3A_164 : i32 to index
        %swap3A_1031 = arith.constant 1440 : index
        %swap3A_1032 = tpu.vector_load %arg8[%swap3A_1030, %swap3A_1031] {strides = array<i32>} : memref<8x1728xf32, #tpu.memory_space<vmem>>, vector<16xf32>,
        tpu.vector_store %arg8[%swap3A_1030, %swap3A_1031], %get3A_1029 {strides = array<i32>} : memref<8x1728xf32, #tpu.memory_space<vmem>>, vector<16xf32>,
        %mul3A_1033 = arith.constant 26 : i32
        %mul3A_1034 = arith.muli %scan3A_164, %mul3A_1033 : i32
        %add3A_1035 = arith.constant 21 : i32
        %add3A_1036 = arith.addi %mul3A_1034, %add3A_1035 : i32
        %get3A_1037 = arith.index_cast %add3A_1036 : i32 to index
        %get3A_1038 = arith.constant 48 : index
        %get3A_1039 = tpu.vector_load %arg6[%get3A_1037, %get3A_1038] {strides = array<i32>} : memref<208x128xf32, #tpu.memory_space<vmem>>, vector<16xf32>,
        %swap3A_1040 = arith.index_cast %scan3A_164 : i32 to index
        %swap3A_1041 = arith.constant 1456 : index
        %swap3A_1042 = tpu.vector_load %arg8[%swap3A_1040, %swap3A_1041] {strides = array<i32>} : memref<8x1728xf32, #tpu.memory_space<vmem>>, vector<16xf32>,
        tpu.vector_store %arg8[%swap3A_1040, %swap3A_1041], %get3A_1039 {strides = array<i32>} : memref<8x1728xf32, #tpu.memory_space<vmem>>, vector<16xf32>,
        %mul3A_1043 = arith.constant 26 : i32
        %mul3A_1044 = arith.muli %scan3A_164, %mul3A_1043 : i32
        %add3A_1045 = arith.constant 22 : i32
        %add3A_1046 = arith.addi %mul3A_1044, %add3A_1045 : i32
        %get3A_1047 = arith.index_cast %add3A_1046 : i32 to index
        %get3A_1048 = arith.constant 0 : index
        %get3A_1049 = tpu.vector_load %arg6[%get3A_1047, %get3A_1048] {strides = array<i32>} : memref<208x128xf32, #tpu.memory_space<vmem>>, vector<16xf32>,
        %swap3A_1050 = arith.index_cast %scan3A_164 : i32 to index
        %swap3A_1051 = arith.constant 1472 : index
        %swap3A_1052 = tpu.vector_load %arg8[%swap3A_1050, %swap3A_1051] {strides = array<i32>} : memref<8x1728xf32, #tpu.memory_space<vmem>>, vector<16xf32>,
        tpu.vector_store %arg8[%swap3A_1050, %swap3A_1051], %get3A_1049 {strides = array<i32>} : memref<8x1728xf32, #tpu.memory_space<vmem>>, vector<16xf32>,
        %mul3A_1053 = arith.constant 26 : i32
        %mul3A_1054 = arith.muli %scan3A_164, %mul3A_1053 : i32
        %add3A_1055 = arith.constant 22 : i32
        %add3A_1056 = arith.addi %mul3A_1054, %add3A_1055 : i32
        %get3A_1057 = arith.index_cast %add3A_1056 : i32 to index
        %get3A_1058 = arith.constant 16 : index
        %get3A_1059 = tpu.vector_load %arg6[%get3A_1057, %get3A_1058] {strides = array<i32>} : memref<208x128xf32, #tpu.memory_space<vmem>>, vector<16xf32>,
        %swap3A_1060 = arith.index_cast %scan3A_164 : i32 to index
        %swap3A_1061 = arith.constant 1488 : index
        %swap3A_1062 = tpu.vector_load %arg8[%swap3A_1060, %swap3A_1061] {strides = array<i32>} : memref<8x1728xf32, #tpu.memory_space<vmem>>, vector<16xf32>,
        tpu.vector_store %arg8[%swap3A_1060, %swap3A_1061], %get3A_1059 {strides = array<i32>} : memref<8x1728xf32, #tpu.memory_space<vmem>>, vector<16xf32>,
        %mul3A_1063 = arith.constant 26 : i32
        %mul3A_1064 = arith.muli %scan3A_164, %mul3A_1063 : i32
        %add3A_1065 = arith.constant 22 : i32
        %add3A_1066 = arith.addi %mul3A_1064, %add3A_1065 : i32
        %get3A_1067 = arith.index_cast %add3A_1066 : i32 to index
        %get3A_1068 = arith.constant 32 : index
        %get3A_1069 = tpu.vector_load %arg6[%get3A_1067, %get3A_1068] {strides = array<i32>} : memref<208x128xf32, #tpu.memory_space<vmem>>, vector<16xf32>,
        %swap3A_1070 = arith.index_cast %scan3A_164 : i32 to index
        %swap3A_1071 = arith.constant 1504 : index
        %swap3A_1072 = tpu.vector_load %arg8[%swap3A_1070, %swap3A_1071] {strides = array<i32>} : memref<8x1728xf32, #tpu.memory_space<vmem>>, vector<16xf32>,
        tpu.vector_store %arg8[%swap3A_1070, %swap3A_1071], %get3A_1069 {strides = array<i32>} : memref<8x1728xf32, #tpu.memory_space<vmem>>, vector<16xf32>,
        %mul3A_1073 = arith.constant 26 : i32
        %mul3A_1074 = arith.muli %scan3A_164, %mul3A_1073 : i32
        %add3A_1075 = arith.constant 22 : i32
        %add3A_1076 = arith.addi %mul3A_1074, %add3A_1075 : i32
        %get3A_1077 = arith.index_cast %add3A_1076 : i32 to index
        %get3A_1078 = arith.constant 48 : index
        %get3A_1079 = tpu.vector_load %arg6[%get3A_1077, %get3A_1078] {strides = array<i32>} : memref<208x128xf32, #tpu.memory_space<vmem>>, vector<16xf32>,
        %swap3A_1080 = arith.index_cast %scan3A_164 : i32 to index
        %swap3A_1081 = arith.constant 1520 : index
        %swap3A_1082 = tpu.vector_load %arg8[%swap3A_1080, %swap3A_1081] {strides = array<i32>} : memref<8x1728xf32, #tpu.memory_space<vmem>>, vector<16xf32>,
        tpu.vector_store %arg8[%swap3A_1080, %swap3A_1081], %get3A_1079 {strides = array<i32>} : memref<8x1728xf32, #tpu.memory_space<vmem>>, vector<16xf32>,
        %mul3A_1083 = arith.constant 26 : i32
        %mul3A_1084 = arith.muli %scan3A_164, %mul3A_1083 : i32
        %add3A_1085 = arith.constant 23 : i32
        %add3A_1086 = arith.addi %mul3A_1084, %add3A_1085 : i32
        %get3A_1087 = arith.index_cast %add3A_1086 : i32 to index
        %get3A_1088 = arith.constant 0 : index
        %get3A_1089 = tpu.vector_load %arg6[%get3A_1087, %get3A_1088] {strides = array<i32>} : memref<208x128xf32, #tpu.memory_space<vmem>>, vector<16xf32>,
        %swap3A_1090 = arith.index_cast %scan3A_164 : i32 to index
        %swap3A_1091 = arith.constant 1536 : index
        %swap3A_1092 = tpu.vector_load %arg8[%swap3A_1090, %swap3A_1091] {strides = array<i32>} : memref<8x1728xf32, #tpu.memory_space<vmem>>, vector<16xf32>,
        tpu.vector_store %arg8[%swap3A_1090, %swap3A_1091], %get3A_1089 {strides = array<i32>} : memref<8x1728xf32, #tpu.memory_space<vmem>>, vector<16xf32>,
        %mul3A_1093 = arith.constant 26 : i32
        %mul3A_1094 = arith.muli %scan3A_164, %mul3A_1093 : i32
        %add3A_1095 = arith.constant 23 : i32
        %add3A_1096 = arith.addi %mul3A_1094, %add3A_1095 : i32
        %get3A_1097 = arith.index_cast %add3A_1096 : i32 to index
        %get3A_1098 = arith.constant 16 : index
        %get3A_1099 = tpu.vector_load %arg6[%get3A_1097, %get3A_1098] {strides = array<i32>} : memref<208x128xf32, #tpu.memory_space<vmem>>, vector<16xf32>,
        %swap3A_1100 = arith.index_cast %scan3A_164 : i32 to index
        %swap3A_1101 = arith.constant 1552 : index
        %swap3A_1102 = tpu.vector_load %arg8[%swap3A_1100, %swap3A_1101] {strides = array<i32>} : memref<8x1728xf32, #tpu.memory_space<vmem>>, vector<16xf32>,
        tpu.vector_store %arg8[%swap3A_1100, %swap3A_1101], %get3A_1099 {strides = array<i32>} : memref<8x1728xf32, #tpu.memory_space<vmem>>, vector<16xf32>,
        %mul3A_1103 = arith.constant 26 : i32
        %mul3A_1104 = arith.muli %scan3A_164, %mul3A_1103 : i32
        %add3A_1105 = arith.constant 23 : i32
        %add3A_1106 = arith.addi %mul3A_1104, %add3A_1105 : i32
        %get3A_1107 = arith.index_cast %add3A_1106 : i32 to index
        %get3A_1108 = arith.constant 32 : index
        %get3A_1109 = tpu.vector_load %arg6[%get3A_1107, %get3A_1108] {strides = array<i32>} : memref<208x128xf32, #tpu.memory_space<vmem>>, vector<16xf32>,
        %swap3A_1110 = arith.index_cast %scan3A_164 : i32 to index
        %swap3A_1111 = arith.constant 1568 : index
        %swap3A_1112 = tpu.vector_load %arg8[%swap3A_1110, %swap3A_1111] {strides = array<i32>} : memref<8x1728xf32, #tpu.memory_space<vmem>>, vector<16xf32>,
        tpu.vector_store %arg8[%swap3A_1110, %swap3A_1111], %get3A_1109 {strides = array<i32>} : memref<8x1728xf32, #tpu.memory_space<vmem>>, vector<16xf32>,
        %mul3A_1113 = arith.constant 26 : i32
        %mul3A_1114 = arith.muli %scan3A_164, %mul3A_1113 : i32
        %add3A_1115 = arith.constant 23 : i32
        %add3A_1116 = arith.addi %mul3A_1114, %add3A_1115 : i32
        %get3A_1117 = arith.index_cast %add3A_1116 : i32 to index
        %get3A_1118 = arith.constant 48 : index
        %get3A_1119 = tpu.vector_load %arg6[%get3A_1117, %get3A_1118] {strides = array<i32>} : memref<208x128xf32, #tpu.memory_space<vmem>>, vector<16xf32>,
        %swap3A_1120 = arith.index_cast %scan3A_164 : i32 to index
        %swap3A_1121 = arith.constant 1584 : index
        %swap3A_1122 = tpu.vector_load %arg8[%swap3A_1120, %swap3A_1121] {strides = array<i32>} : memref<8x1728xf32, #tpu.memory_space<vmem>>, vector<16xf32>,
        tpu.vector_store %arg8[%swap3A_1120, %swap3A_1121], %get3A_1119 {strides = array<i32>} : memref<8x1728xf32, #tpu.memory_space<vmem>>, vector<16xf32>,
        %mul3A_1123 = arith.constant 26 : i32
        %mul3A_1124 = arith.muli %scan3A_164, %mul3A_1123 : i32
        %add3A_1125 = arith.constant 24 : i32
        %add3A_1126 = arith.addi %mul3A_1124, %add3A_1125 : i32
        %get3A_1127 = arith.index_cast %add3A_1126 : i32 to index
        %get3A_1128 = arith.constant 0 : index
        %get3A_1129 = tpu.vector_load %arg6[%get3A_1127, %get3A_1128] {strides = array<i32>} : memref<208x128xf32, #tpu.memory_space<vmem>>, vector<16xf32>,
        %swap3A_1130 = arith.index_cast %scan3A_164 : i32 to index
        %swap3A_1131 = arith.constant 1600 : index
        %swap3A_1132 = tpu.vector_load %arg8[%swap3A_1130, %swap3A_1131] {strides = array<i32>} : memref<8x1728xf32, #tpu.memory_space<vmem>>, vector<16xf32>,
        tpu.vector_store %arg8[%swap3A_1130, %swap3A_1131], %get3A_1129 {strides = array<i32>} : memref<8x1728xf32, #tpu.memory_space<vmem>>, vector<16xf32>,
        %mul3A_1133 = arith.constant 26 : i32
        %mul3A_1134 = arith.muli %scan3A_164, %mul3A_1133 : i32
        %add3A_1135 = arith.constant 24 : i32
        %add3A_1136 = arith.addi %mul3A_1134, %add3A_1135 : i32
        %get3A_1137 = arith.index_cast %add3A_1136 : i32 to index
        %get3A_1138 = arith.constant 16 : index
        %get3A_1139 = tpu.vector_load %arg6[%get3A_1137, %get3A_1138] {strides = array<i32>} : memref<208x128xf32, #tpu.memory_space<vmem>>, vector<16xf32>,
        %swap3A_1140 = arith.index_cast %scan3A_164 : i32 to index
        %swap3A_1141 = arith.constant 1616 : index
        %swap3A_1142 = tpu.vector_load %arg8[%swap3A_1140, %swap3A_1141] {strides = array<i32>} : memref<8x1728xf32, #tpu.memory_space<vmem>>, vector<16xf32>,
        tpu.vector_store %arg8[%swap3A_1140, %swap3A_1141], %get3A_1139 {strides = array<i32>} : memref<8x1728xf32, #tpu.memory_space<vmem>>, vector<16xf32>,
        %mul3A_1143 = arith.constant 26 : i32
        %mul3A_1144 = arith.muli %scan3A_164, %mul3A_1143 : i32
        %add3A_1145 = arith.constant 24 : i32
        %add3A_1146 = arith.addi %mul3A_1144, %add3A_1145 : i32
        %get3A_1147 = arith.index_cast %add3A_1146 : i32 to index
        %get3A_1148 = arith.constant 32 : index
        %get3A_1149 = tpu.vector_load %arg6[%get3A_1147, %get3A_1148] {strides = array<i32>} : memref<208x128xf32, #tpu.memory_space<vmem>>, vector<16xf32>,
        %swap3A_1150 = arith.index_cast %scan3A_164 : i32 to index
        %swap3A_1151 = arith.constant 1632 : index
        %swap3A_1152 = tpu.vector_load %arg8[%swap3A_1150, %swap3A_1151] {strides = array<i32>} : memref<8x1728xf32, #tpu.memory_space<vmem>>, vector<16xf32>,
        tpu.vector_store %arg8[%swap3A_1150, %swap3A_1151], %get3A_1149 {strides = array<i32>} : memref<8x1728xf32, #tpu.memory_space<vmem>>, vector<16xf32>,
        %mul3A_1153 = arith.constant 26 : i32
        %mul3A_1154 = arith.muli %scan3A_164, %mul3A_1153 : i32
        %add3A_1155 = arith.constant 24 : i32
        %add3A_1156 = arith.addi %mul3A_1154, %add3A_1155 : i32
        %get3A_1157 = arith.index_cast %add3A_1156 : i32 to index
        %get3A_1158 = arith.constant 48 : index
        %get3A_1159 = tpu.vector_load %arg6[%get3A_1157, %get3A_1158] {strides = array<i32>} : memref<208x128xf32, #tpu.memory_space<vmem>>, vector<16xf32>,
        %swap3A_1160 = arith.index_cast %scan3A_164 : i32 to index
        %swap3A_1161 = arith.constant 1648 : index
        %swap3A_1162 = tpu.vector_load %arg8[%swap3A_1160, %swap3A_1161] {strides = array<i32>} : memref<8x1728xf32, #tpu.memory_space<vmem>>, vector<16xf32>,
        tpu.vector_store %arg8[%swap3A_1160, %swap3A_1161], %get3A_1159 {strides = array<i32>} : memref<8x1728xf32, #tpu.memory_space<vmem>>, vector<16xf32>,
        %mul3A_1163 = arith.constant 26 : i32
        %mul3A_1164 = arith.muli %scan3A_164, %mul3A_1163 : i32
        %add3A_1165 = arith.constant 25 : i32
        %add3A_1166 = arith.addi %mul3A_1164, %add3A_1165 : i32
        %get3A_1167 = arith.index_cast %add3A_1166 : i32 to index
        %get3A_1168 = arith.constant 0 : index
        %get3A_1169 = tpu.vector_load %arg6[%get3A_1167, %get3A_1168] {strides = array<i32>} : memref<208x128xf32, #tpu.memory_space<vmem>>, vector<16xf32>,
        %swap3A_1170 = arith.index_cast %scan3A_164 : i32 to index
        %swap3A_1171 = arith.constant 1664 : index
        %swap3A_1172 = tpu.vector_load %arg8[%swap3A_1170, %swap3A_1171] {strides = array<i32>} : memref<8x1728xf32, #tpu.memory_space<vmem>>, vector<16xf32>,
        tpu.vector_store %arg8[%swap3A_1170, %swap3A_1171], %get3A_1169 {strides = array<i32>} : memref<8x1728xf32, #tpu.memory_space<vmem>>, vector<16xf32>,
        %mul3A_1173 = arith.constant 26 : i32
        %mul3A_1174 = arith.muli %scan3A_164, %mul3A_1173 : i32
        %add3A_1175 = arith.constant 25 : i32
        %add3A_1176 = arith.addi %mul3A_1174, %add3A_1175 : i32
        %get3A_1177 = arith.index_cast %add3A_1176 : i32 to index
        %get3A_1178 = arith.constant 16 : index
        %get3A_1179 = tpu.vector_load %arg6[%get3A_1177, %get3A_1178] {strides = array<i32>} : memref<208x128xf32, #tpu.memory_space<vmem>>, vector<16xf32>,
        %swap3A_1180 = arith.index_cast %scan3A_164 : i32 to index
        %swap3A_1181 = arith.constant 1680 : index
        %swap3A_1182 = tpu.vector_load %arg8[%swap3A_1180, %swap3A_1181] {strides = array<i32>} : memref<8x1728xf32, #tpu.memory_space<vmem>>, vector<16xf32>,
        tpu.vector_store %arg8[%swap3A_1180, %swap3A_1181], %get3A_1179 {strides = array<i32>} : memref<8x1728xf32, #tpu.memory_space<vmem>>, vector<16xf32>,
        %mul3A_1183 = arith.constant 26 : i32
        %mul3A_1184 = arith.muli %scan3A_164, %mul3A_1183 : i32
        %add3A_1185 = arith.constant 25 : i32
        %add3A_1186 = arith.addi %mul3A_1184, %add3A_1185 : i32
        %get3A_1187 = arith.index_cast %add3A_1186 : i32 to index
        %get3A_1188 = arith.constant 32 : index
        %get3A_1189 = tpu.vector_load %arg6[%get3A_1187, %get3A_1188] {strides = array<i32>} : memref<208x128xf32, #tpu.memory_space<vmem>>, vector<16xf32>,
        %swap3A_1190 = arith.index_cast %scan3A_164 : i32 to index
        %swap3A_1191 = arith.constant 1696 : index
        %swap3A_1192 = tpu.vector_load %arg8[%swap3A_1190, %swap3A_1191] {strides = array<i32>} : memref<8x1728xf32, #tpu.memory_space<vmem>>, vector<16xf32>,
        tpu.vector_store %arg8[%swap3A_1190, %swap3A_1191], %get3A_1189 {strides = array<i32>} : memref<8x1728xf32, #tpu.memory_space<vmem>>, vector<16xf32>,
        %mul3A_1193 = arith.constant 26 : i32
        %mul3A_1194 = arith.muli %scan3A_164, %mul3A_1193 : i32
        %add3A_1195 = arith.constant 25 : i32
        %add3A_1196 = arith.addi %mul3A_1194, %add3A_1195 : i32
        %get3A_1197 = arith.index_cast %add3A_1196 : i32 to index
        %get3A_1198 = arith.constant 48 : index
        %get3A_1199 = tpu.vector_load %arg6[%get3A_1197, %get3A_1198] {strides = array<i32>} : memref<208x128xf32, #tpu.memory_space<vmem>>, vector<16xf32>,
        %swap3A_1200 = arith.index_cast %scan3A_164 : i32 to index
        %swap3A_1201 = arith.constant 1712 : index
        %swap3A_1202 = tpu.vector_load %arg8[%swap3A_1200, %swap3A_1201] {strides = array<i32>} : memref<8x1728xf32, #tpu.memory_space<vmem>>, vector<16xf32>,
        tpu.vector_store %arg8[%swap3A_1200, %swap3A_1201], %get3A_1199 {strides = array<i32>} : memref<8x1728xf32, #tpu.memory_space<vmem>>, vector<16xf32>,
      }
      %scan3A_101 = arith.constant 8 : i32
      %mul3A_102 = arith.constant 8 : i32
      %mul3A_103 = arith.muli %add3A_68, %mul3A_102 : i32
      %add3A_104 = arith.addi %mul3A_2, %mul3A_103 : i32
      %dma_start3A_105 = arith.constant 0 : i32
      %dma_start3A_106 = tpu.memref_slice %arg4[%add3A_104, %dma_start3A_105] : memref<16384x1728xf32, #tpu.memory_space<hbm>> -> memref<8x1728xf32, #tpu.memory_space<hbm>>
      %dma_start3A_107 = arith.constant 0 : i32
      %dma_start3A_108 = tpu.memref_slice %arg4[%add3A_104, %dma_start3A_107] : memref<16384x1728xf32, #tpu.memory_space<hbm>> -> memref<8x1728xf32, #tpu.memory_space<hbm>>
      tpu.enqueue_dma source(%arg8 : memref<8x1728xf32, #tpu.memory_space<vmem>>) target(%dma_start3A_108 : memref<8x1728xf32, #tpu.memory_space<hbm>>) target_semaphore(%arg12 : memref<!tpu.dma_semaphore, #tpu.memory_space<semaphore_mem>>)
      %add3A_109 = arith.constant 2 : i32
      %add3A_110 = arith.addi %add3A_68, %add3A_109 : i32
      %lt3A = arith.constant 64 : i32
      %lt3A_111 = arith.cmpi slt, %add3A_110, %lt3A : i32
      %convert_element_type3A = arith.extui %lt3A_111 : i1 to i32
      %cond3A = arith.constant 0 : i32
      %cond3A_112 = arith.cmpi ne, %convert_element_type3A, %cond3A : i32
      scf.if %cond3A_112 {
        %add3A_164 = arith.constant 2 : i32
        %add3A_165 = arith.addi %add3A_68, %add3A_164 : i32
        %mul3A_166 = arith.constant 208 : i32
        %mul3A_167 = arith.muli %add3A_165, %mul3A_166 : i32
        %dma_start3A_168 = arith.constant 0 : i32
        %dma_start3A_169 = arith.constant 0 : i32
        %dma_start3A_170 = tpu.memref_slice %arg6[%dma_start3A_168, %dma_start3A_169] : memref<208x128xf32, #tpu.memory_space<vmem>> -> memref<104x128xf32, #tpu.memory_space<vmem>>
        %dma_start3A_171 = tpu.memref_slice %arg5[%mul3A_167] : memref<13312xi32, #tpu.memory_space<vmem>> -> memref<104xi32, #tpu.memory_space<vmem>>
        %dma_start3A_172 = arith.constant 0 : i32
        %dma_start3A_173 = arith.constant 0 : i32
        %dma_start3A_174 = tpu.memref_slice %arg2[%dma_start3A_172, %dma_start3A_173] : memref<100000x128xf32, #tpu.memory_space<hbm>> -> memref<100000x128xf32, #tpu.memory_space<hbm>>
        tpu.enqueue_indirect_dma source(%dma_start3A_174 : memref<100000x128xf32, #tpu.memory_space<hbm>>) target(%dma_start3A_170 : memref<104x128xf32, #tpu.memory_space<vmem>>) offsets(%dma_start3A_171 : memref<104xi32, #tpu.memory_space<vmem>>) semaphore(%arg10 : memref<!tpu.dma_semaphore, #tpu.memory_space<semaphore_mem>>)
        %mul3A_175 = arith.constant 208 : i32
        %mul3A_176 = arith.muli %add3A_165, %mul3A_175 : i32
        %add3A_177 = arith.constant 104 : i32
        %add3A_178 = arith.addi %mul3A_176, %add3A_177 : i32
        %dma_start3A_179 = arith.constant 104 : i32
        %dma_start3A_180 = arith.constant 0 : i32
        %dma_start3A_181 = tpu.memref_slice %arg6[%dma_start3A_179, %dma_start3A_180] : memref<208x128xf32, #tpu.memory_space<vmem>> -> memref<104x128xf32, #tpu.memory_space<vmem>>
        %dma_start3A_182 = tpu.memref_slice %arg5[%add3A_178] : memref<13312xi32, #tpu.memory_space<vmem>> -> memref<104xi32, #tpu.memory_space<vmem>>
        %dma_start3A_183 = arith.constant 0 : i32
        %dma_start3A_184 = arith.constant 0 : i32
        %dma_start3A_185 = tpu.memref_slice %arg2[%dma_start3A_183, %dma_start3A_184] : memref<100000x128xf32, #tpu.memory_space<hbm>> -> memref<100000x128xf32, #tpu.memory_space<hbm>>
        tpu.enqueue_indirect_dma source(%dma_start3A_185 : memref<100000x128xf32, #tpu.memory_space<hbm>>) target(%dma_start3A_181 : memref<104x128xf32, #tpu.memory_space<vmem>>) offsets(%dma_start3A_182 : memref<104xi32, #tpu.memory_space<vmem>>) semaphore(%arg10 : memref<!tpu.dma_semaphore, #tpu.memory_space<semaphore_mem>>)
      } else {
      }
      %mul3A_113 = arith.constant 2 : i32
      %mul3A_114 = arith.muli %mul3A_113, %scan3A_64 : i32
      %add3A_115 = arith.constant 1 : i32
      %add3A_116 = arith.addi %mul3A_114, %add3A_115 : i32
      %mul3A_117 = arith.constant 8 : i32
      %mul3A_118 = arith.muli %add3A_116, %mul3A_117 : i32
      %add3A_119 = arith.addi %mul3A_2, %mul3A_118 : i32
      %dma_wait3A_120 = arith.constant 0 : i32
      %dma_wait3A_121 = tpu.memref_slice %arg4[%add3A_119, %dma_wait3A_120] : memref<16384x1728xf32, #tpu.memory_space<hbm>> -> memref<8x1728xf32, #tpu.memory_space<hbm>>
      %dma_wait3A_122 = arith.constant 0 : i32
      %dma_wait3A_123 = tpu.memref_slice %arg4[%add3A_119, %dma_wait3A_122] : memref<16384x1728xf32, #tpu.memory_space<hbm>> -> memref<8x1728xf32, #tpu.memory_space<hbm>>
      tpu.wait_dma2 semaphore(%arg13 : memref<!tpu.dma_semaphore, #tpu.memory_space<semaphore_mem>>) src(%arg9 : memref<8x1728xf32, #tpu.memory_space<vmem>>) dst(%dma_wait3A_123 : memref<8x1728xf32, #tpu.memory_space<hbm>>)
      %mul3A_124 = arith.constant 208 : i32
      %mul3A_125 = arith.muli %add3A_116, %mul3A_124 : i32
      %dma_wait3A_126 = arith.constant 0 : i32
      %dma_wait3A_127 = arith.constant 0 : i32
      %dma_wait3A_128 = tpu.memref_slice %arg7[%dma_wait3A_126, %dma_wait3A_127] : memref<208x128xf32, #tpu.memory_space<vmem>> -> memref<104x128xf32, #tpu.memory_space<vmem>>
      %dma_wait3A_129 = tpu.memref_slice %arg5[%mul3A_125] : memref<13312xi32, #tpu.memory_space<vmem>> -> memref<104xi32, #tpu.memory_space<vmem>>
      %dma_wait3A_130 = arith.constant 0 : i32
      %dma_wait3A_131 = arith.constant 0 : i32
      %dma_wait3A_132 = tpu.memref_slice %arg2[%dma_wait3A_130, %dma_wait3A_131] : memref<100000x128xf32, #tpu.memory_space<hbm>> -> memref<100000x128xf32, #tpu.memory_space<hbm>>
      tpu.wait_indirect_dma semaphore(%arg11 : memref<!tpu.dma_semaphore, #tpu.memory_space<semaphore_mem>>) src(%dma_wait3A_132 : memref<100000x128xf32, #tpu.memory_space<hbm>>) dst(%dma_wait3A_128 : memref<104x128xf32, #tpu.memory_space<vmem>>)
      %mul3A_133 = arith.constant 208 : i32
      %mul3A_134 = arith.muli %add3A_116, %mul3A_133 : i32
      %add3A_135 = arith.constant 104 : i32
      %add3A_136 = arith.addi %mul3A_134, %add3A_135 : i32
      %dma_wait3A_137 = arith.constant 104 : i32
      %dma_wait3A_138 = arith.constant 0 : i32
      %dma_wait3A_139 = tpu.memref_slice %arg7[%dma_wait3A_137, %dma_wait3A_138] : memref<208x128xf32, #tpu.memory_space<vmem>> -> memref<104x128xf32, #tpu.memory_space<vmem>>
      %dma_wait3A_140 = tpu.memref_slice %arg5[%add3A_136] : memref<13312xi32, #tpu.memory_space<vmem>> -> memref<104xi32, #tpu.memory_space<vmem>>
      %dma_wait3A_141 = arith.constant 0 : i32
      %dma_wait3A_142 = arith.constant 0 : i32
      %dma_wait3A_143 = tpu.memref_slice %arg2[%dma_wait3A_141, %dma_wait3A_142] : memref<100000x128xf32, #tpu.memory_space<hbm>> -> memref<100000x128xf32, #tpu.memory_space<hbm>>
      tpu.wait_indirect_dma semaphore(%arg11 : memref<!tpu.dma_semaphore, #tpu.memory_space<semaphore_mem>>) src(%dma_wait3A_143 : memref<100000x128xf32, #tpu.memory_space<hbm>>) dst(%dma_wait3A_139 : memref<104x128xf32, #tpu.memory_space<vmem>>)
      %scan3A_144 = arith.constant 0 : i32
      %scan3A_145 = arith.constant 0 : i32
      %scan3A_146 = arith.constant 8 : i32
      %scan3A_147 = arith.addi %scan3A_145, %scan3A_146 : i32
      %scan3A_148 = arith.constant 1 : i32
      scf.for %scan3A_164 = %scan3A_145 to %scan3A_147 step %scan3A_148  : i32 {
        %mul3A_165 = arith.constant 26 : i32
        %mul3A_166 = arith.muli %scan3A_164, %mul3A_165 : i32
        %add3A_167 = arith.constant 0 : i32
        %add3A_168 = arith.addi %mul3A_166, %add3A_167 : i32
        %get3A = arith.index_cast %add3A_168 : i32 to index
        %get3A_169 = arith.constant 0 : index
        %get3A_170 = tpu.vector_load %arg7[%get3A, %get3A_169] {strides = array<i32>} : memref<208x128xf32, #tpu.memory_space<vmem>>, vector<16xf32>,
        %swap3A = arith.index_cast %scan3A_164 : i32 to index
        %swap3A_171 = arith.constant 64 : index
        %swap3A_172 = tpu.vector_load %arg9[%swap3A, %swap3A_171] {strides = array<i32>} : memref<8x1728xf32, #tpu.memory_space<vmem>>, vector<16xf32>,
        tpu.vector_store %arg9[%swap3A, %swap3A_171], %get3A_170 {strides = array<i32>} : memref<8x1728xf32, #tpu.memory_space<vmem>>, vector<16xf32>,
        %mul3A_173 = arith.constant 26 : i32
        %mul3A_174 = arith.muli %scan3A_164, %mul3A_173 : i32
        %add3A_175 = arith.constant 0 : i32
        %add3A_176 = arith.addi %mul3A_174, %add3A_175 : i32
        %get3A_177 = arith.index_cast %add3A_176 : i32 to index
        %get3A_178 = arith.constant 16 : index
        %get3A_179 = tpu.vector_load %arg7[%get3A_177, %get3A_178] {strides = array<i32>} : memref<208x128xf32, #tpu.memory_space<vmem>>, vector<16xf32>,
        %swap3A_180 = arith.index_cast %scan3A_164 : i32 to index
        %swap3A_181 = arith.constant 80 : index
        %swap3A_182 = tpu.vector_load %arg9[%swap3A_180, %swap3A_181] {strides = array<i32>} : memref<8x1728xf32, #tpu.memory_space<vmem>>, vector<16xf32>,
        tpu.vector_store %arg9[%swap3A_180, %swap3A_181], %get3A_179 {strides = array<i32>} : memref<8x1728xf32, #tpu.memory_space<vmem>>, vector<16xf32>,
        %mul3A_183 = arith.constant 26 : i32
        %mul3A_184 = arith.muli %scan3A_164, %mul3A_183 : i32
        %add3A_185 = arith.constant 0 : i32
        %add3A_186 = arith.addi %mul3A_184, %add3A_185 : i32
        %get3A_187 = arith.index_cast %add3A_186 : i32 to index
        %get3A_188 = arith.constant 32 : index
        %get3A_189 = tpu.vector_load %arg7[%get3A_187, %get3A_188] {strides = array<i32>} : memref<208x128xf32, #tpu.memory_space<vmem>>, vector<16xf32>,
        %swap3A_190 = arith.index_cast %scan3A_164 : i32 to index
        %swap3A_191 = arith.constant 96 : index
        %swap3A_192 = tpu.vector_load %arg9[%swap3A_190, %swap3A_191] {strides = array<i32>} : memref<8x1728xf32, #tpu.memory_space<vmem>>, vector<16xf32>,
        tpu.vector_store %arg9[%swap3A_190, %swap3A_191], %get3A_189 {strides = array<i32>} : memref<8x1728xf32, #tpu.memory_space<vmem>>, vector<16xf32>,
        %mul3A_193 = arith.constant 26 : i32
        %mul3A_194 = arith.muli %scan3A_164, %mul3A_193 : i32
        %add3A_195 = arith.constant 0 : i32
        %add3A_196 = arith.addi %mul3A_194, %add3A_195 : i32
        %get3A_197 = arith.index_cast %add3A_196 : i32 to index
        %get3A_198 = arith.constant 48 : index
        %get3A_199 = tpu.vector_load %arg7[%get3A_197, %get3A_198] {strides = array<i32>} : memref<208x128xf32, #tpu.memory_space<vmem>>, vector<16xf32>,
        %swap3A_200 = arith.index_cast %scan3A_164 : i32 to index
        %swap3A_201 = arith.constant 112 : index
        %swap3A_202 = tpu.vector_load %arg9[%swap3A_200, %swap3A_201] {strides = array<i32>} : memref<8x1728xf32, #tpu.memory_space<vmem>>, vector<16xf32>,
        tpu.vector_store %arg9[%swap3A_200, %swap3A_201], %get3A_199 {strides = array<i32>} : memref<8x1728xf32, #tpu.memory_space<vmem>>, vector<16xf32>,
        %mul3A_203 = arith.constant 26 : i32
        %mul3A_204 = arith.muli %scan3A_164, %mul3A_203 : i32
        %add3A_205 = arith.constant 1 : i32
        %add3A_206 = arith.addi %mul3A_204, %add3A_205 : i32
        %get3A_207 = arith.index_cast %add3A_206 : i32 to index
        %get3A_208 = arith.constant 0 : index
        %get3A_209 = tpu.vector_load %arg7[%get3A_207, %get3A_208] {strides = array<i32>} : memref<208x128xf32, #tpu.memory_space<vmem>>, vector<16xf32>,
        %swap3A_210 = arith.index_cast %scan3A_164 : i32 to index
        %swap3A_211 = arith.constant 128 : index
        %swap3A_212 = tpu.vector_load %arg9[%swap3A_210, %swap3A_211] {strides = array<i32>} : memref<8x1728xf32, #tpu.memory_space<vmem>>, vector<16xf32>,
        tpu.vector_store %arg9[%swap3A_210, %swap3A_211], %get3A_209 {strides = array<i32>} : memref<8x1728xf32, #tpu.memory_space<vmem>>, vector<16xf32>,
        %mul3A_213 = arith.constant 26 : i32
        %mul3A_214 = arith.muli %scan3A_164, %mul3A_213 : i32
        %add3A_215 = arith.constant 1 : i32
        %add3A_216 = arith.addi %mul3A_214, %add3A_215 : i32
        %get3A_217 = arith.index_cast %add3A_216 : i32 to index
        %get3A_218 = arith.constant 16 : index
        %get3A_219 = tpu.vector_load %arg7[%get3A_217, %get3A_218] {strides = array<i32>} : memref<208x128xf32, #tpu.memory_space<vmem>>, vector<16xf32>,
        %swap3A_220 = arith.index_cast %scan3A_164 : i32 to index
        %swap3A_221 = arith.constant 144 : index
        %swap3A_222 = tpu.vector_load %arg9[%swap3A_220, %swap3A_221] {strides = array<i32>} : memref<8x1728xf32, #tpu.memory_space<vmem>>, vector<16xf32>,
        tpu.vector_store %arg9[%swap3A_220, %swap3A_221], %get3A_219 {strides = array<i32>} : memref<8x1728xf32, #tpu.memory_space<vmem>>, vector<16xf32>,
        %mul3A_223 = arith.constant 26 : i32
        %mul3A_224 = arith.muli %scan3A_164, %mul3A_223 : i32
        %add3A_225 = arith.constant 1 : i32
        %add3A_226 = arith.addi %mul3A_224, %add3A_225 : i32
        %get3A_227 = arith.index_cast %add3A_226 : i32 to index
        %get3A_228 = arith.constant 32 : index
        %get3A_229 = tpu.vector_load %arg7[%get3A_227, %get3A_228] {strides = array<i32>} : memref<208x128xf32, #tpu.memory_space<vmem>>, vector<16xf32>,
        %swap3A_230 = arith.index_cast %scan3A_164 : i32 to index
        %swap3A_231 = arith.constant 160 : index
        %swap3A_232 = tpu.vector_load %arg9[%swap3A_230, %swap3A_231] {strides = array<i32>} : memref<8x1728xf32, #tpu.memory_space<vmem>>, vector<16xf32>,
        tpu.vector_store %arg9[%swap3A_230, %swap3A_231], %get3A_229 {strides = array<i32>} : memref<8x1728xf32, #tpu.memory_space<vmem>>, vector<16xf32>,
        %mul3A_233 = arith.constant 26 : i32
        %mul3A_234 = arith.muli %scan3A_164, %mul3A_233 : i32
        %add3A_235 = arith.constant 1 : i32
        %add3A_236 = arith.addi %mul3A_234, %add3A_235 : i32
        %get3A_237 = arith.index_cast %add3A_236 : i32 to index
        %get3A_238 = arith.constant 48 : index
        %get3A_239 = tpu.vector_load %arg7[%get3A_237, %get3A_238] {strides = array<i32>} : memref<208x128xf32, #tpu.memory_space<vmem>>, vector<16xf32>,
        %swap3A_240 = arith.index_cast %scan3A_164 : i32 to index
        %swap3A_241 = arith.constant 176 : index
        %swap3A_242 = tpu.vector_load %arg9[%swap3A_240, %swap3A_241] {strides = array<i32>} : memref<8x1728xf32, #tpu.memory_space<vmem>>, vector<16xf32>,
        tpu.vector_store %arg9[%swap3A_240, %swap3A_241], %get3A_239 {strides = array<i32>} : memref<8x1728xf32, #tpu.memory_space<vmem>>, vector<16xf32>,
        %mul3A_243 = arith.constant 26 : i32
        %mul3A_244 = arith.muli %scan3A_164, %mul3A_243 : i32
        %add3A_245 = arith.constant 2 : i32
        %add3A_246 = arith.addi %mul3A_244, %add3A_245 : i32
        %get3A_247 = arith.index_cast %add3A_246 : i32 to index
        %get3A_248 = arith.constant 0 : index
        %get3A_249 = tpu.vector_load %arg7[%get3A_247, %get3A_248] {strides = array<i32>} : memref<208x128xf32, #tpu.memory_space<vmem>>, vector<16xf32>,
        %swap3A_250 = arith.index_cast %scan3A_164 : i32 to index
        %swap3A_251 = arith.constant 192 : index
        %swap3A_252 = tpu.vector_load %arg9[%swap3A_250, %swap3A_251] {strides = array<i32>} : memref<8x1728xf32, #tpu.memory_space<vmem>>, vector<16xf32>,
        tpu.vector_store %arg9[%swap3A_250, %swap3A_251], %get3A_249 {strides = array<i32>} : memref<8x1728xf32, #tpu.memory_space<vmem>>, vector<16xf32>,
        %mul3A_253 = arith.constant 26 : i32
        %mul3A_254 = arith.muli %scan3A_164, %mul3A_253 : i32
        %add3A_255 = arith.constant 2 : i32
        %add3A_256 = arith.addi %mul3A_254, %add3A_255 : i32
        %get3A_257 = arith.index_cast %add3A_256 : i32 to index
        %get3A_258 = arith.constant 16 : index
        %get3A_259 = tpu.vector_load %arg7[%get3A_257, %get3A_258] {strides = array<i32>} : memref<208x128xf32, #tpu.memory_space<vmem>>, vector<16xf32>,
        %swap3A_260 = arith.index_cast %scan3A_164 : i32 to index
        %swap3A_261 = arith.constant 208 : index
        %swap3A_262 = tpu.vector_load %arg9[%swap3A_260, %swap3A_261] {strides = array<i32>} : memref<8x1728xf32, #tpu.memory_space<vmem>>, vector<16xf32>,
        tpu.vector_store %arg9[%swap3A_260, %swap3A_261], %get3A_259 {strides = array<i32>} : memref<8x1728xf32, #tpu.memory_space<vmem>>, vector<16xf32>,
        %mul3A_263 = arith.constant 26 : i32
        %mul3A_264 = arith.muli %scan3A_164, %mul3A_263 : i32
        %add3A_265 = arith.constant 2 : i32
        %add3A_266 = arith.addi %mul3A_264, %add3A_265 : i32
        %get3A_267 = arith.index_cast %add3A_266 : i32 to index
        %get3A_268 = arith.constant 32 : index
        %get3A_269 = tpu.vector_load %arg7[%get3A_267, %get3A_268] {strides = array<i32>} : memref<208x128xf32, #tpu.memory_space<vmem>>, vector<16xf32>,
        %swap3A_270 = arith.index_cast %scan3A_164 : i32 to index
        %swap3A_271 = arith.constant 224 : index
        %swap3A_272 = tpu.vector_load %arg9[%swap3A_270, %swap3A_271] {strides = array<i32>} : memref<8x1728xf32, #tpu.memory_space<vmem>>, vector<16xf32>,
        tpu.vector_store %arg9[%swap3A_270, %swap3A_271], %get3A_269 {strides = array<i32>} : memref<8x1728xf32, #tpu.memory_space<vmem>>, vector<16xf32>,
        %mul3A_273 = arith.constant 26 : i32
        %mul3A_274 = arith.muli %scan3A_164, %mul3A_273 : i32
        %add3A_275 = arith.constant 2 : i32
        %add3A_276 = arith.addi %mul3A_274, %add3A_275 : i32
        %get3A_277 = arith.index_cast %add3A_276 : i32 to index
        %get3A_278 = arith.constant 48 : index
        %get3A_279 = tpu.vector_load %arg7[%get3A_277, %get3A_278] {strides = array<i32>} : memref<208x128xf32, #tpu.memory_space<vmem>>, vector<16xf32>,
        %swap3A_280 = arith.index_cast %scan3A_164 : i32 to index
        %swap3A_281 = arith.constant 240 : index
        %swap3A_282 = tpu.vector_load %arg9[%swap3A_280, %swap3A_281] {strides = array<i32>} : memref<8x1728xf32, #tpu.memory_space<vmem>>, vector<16xf32>,
        tpu.vector_store %arg9[%swap3A_280, %swap3A_281], %get3A_279 {strides = array<i32>} : memref<8x1728xf32, #tpu.memory_space<vmem>>, vector<16xf32>,
        %mul3A_283 = arith.constant 26 : i32
        %mul3A_284 = arith.muli %scan3A_164, %mul3A_283 : i32
        %add3A_285 = arith.constant 3 : i32
        %add3A_286 = arith.addi %mul3A_284, %add3A_285 : i32
        %get3A_287 = arith.index_cast %add3A_286 : i32 to index
        %get3A_288 = arith.constant 0 : index
        %get3A_289 = tpu.vector_load %arg7[%get3A_287, %get3A_288] {strides = array<i32>} : memref<208x128xf32, #tpu.memory_space<vmem>>, vector<16xf32>,
        %swap3A_290 = arith.index_cast %scan3A_164 : i32 to index
        %swap3A_291 = arith.constant 256 : index
        %swap3A_292 = tpu.vector_load %arg9[%swap3A_290, %swap3A_291] {strides = array<i32>} : memref<8x1728xf32, #tpu.memory_space<vmem>>, vector<16xf32>,
        tpu.vector_store %arg9[%swap3A_290, %swap3A_291], %get3A_289 {strides = array<i32>} : memref<8x1728xf32, #tpu.memory_space<vmem>>, vector<16xf32>,
        %mul3A_293 = arith.constant 26 : i32
        %mul3A_294 = arith.muli %scan3A_164, %mul3A_293 : i32
        %add3A_295 = arith.constant 3 : i32
        %add3A_296 = arith.addi %mul3A_294, %add3A_295 : i32
        %get3A_297 = arith.index_cast %add3A_296 : i32 to index
        %get3A_298 = arith.constant 16 : index
        %get3A_299 = tpu.vector_load %arg7[%get3A_297, %get3A_298] {strides = array<i32>} : memref<208x128xf32, #tpu.memory_space<vmem>>, vector<16xf32>,
        %swap3A_300 = arith.index_cast %scan3A_164 : i32 to index
        %swap3A_301 = arith.constant 272 : index
        %swap3A_302 = tpu.vector_load %arg9[%swap3A_300, %swap3A_301] {strides = array<i32>} : memref<8x1728xf32, #tpu.memory_space<vmem>>, vector<16xf32>,
        tpu.vector_store %arg9[%swap3A_300, %swap3A_301], %get3A_299 {strides = array<i32>} : memref<8x1728xf32, #tpu.memory_space<vmem>>, vector<16xf32>,
        %mul3A_303 = arith.constant 26 : i32
        %mul3A_304 = arith.muli %scan3A_164, %mul3A_303 : i32
        %add3A_305 = arith.constant 3 : i32
        %add3A_306 = arith.addi %mul3A_304, %add3A_305 : i32
        %get3A_307 = arith.index_cast %add3A_306 : i32 to index
        %get3A_308 = arith.constant 32 : index
        %get3A_309 = tpu.vector_load %arg7[%get3A_307, %get3A_308] {strides = array<i32>} : memref<208x128xf32, #tpu.memory_space<vmem>>, vector<16xf32>,
        %swap3A_310 = arith.index_cast %scan3A_164 : i32 to index
        %swap3A_311 = arith.constant 288 : index
        %swap3A_312 = tpu.vector_load %arg9[%swap3A_310, %swap3A_311] {strides = array<i32>} : memref<8x1728xf32, #tpu.memory_space<vmem>>, vector<16xf32>,
        tpu.vector_store %arg9[%swap3A_310, %swap3A_311], %get3A_309 {strides = array<i32>} : memref<8x1728xf32, #tpu.memory_space<vmem>>, vector<16xf32>,
        %mul3A_313 = arith.constant 26 : i32
        %mul3A_314 = arith.muli %scan3A_164, %mul3A_313 : i32
        %add3A_315 = arith.constant 3 : i32
        %add3A_316 = arith.addi %mul3A_314, %add3A_315 : i32
        %get3A_317 = arith.index_cast %add3A_316 : i32 to index
        %get3A_318 = arith.constant 48 : index
        %get3A_319 = tpu.vector_load %arg7[%get3A_317, %get3A_318] {strides = array<i32>} : memref<208x128xf32, #tpu.memory_space<vmem>>, vector<16xf32>,
        %swap3A_320 = arith.index_cast %scan3A_164 : i32 to index
        %swap3A_321 = arith.constant 304 : index
        %swap3A_322 = tpu.vector_load %arg9[%swap3A_320, %swap3A_321] {strides = array<i32>} : memref<8x1728xf32, #tpu.memory_space<vmem>>, vector<16xf32>,
        tpu.vector_store %arg9[%swap3A_320, %swap3A_321], %get3A_319 {strides = array<i32>} : memref<8x1728xf32, #tpu.memory_space<vmem>>, vector<16xf32>,
        %mul3A_323 = arith.constant 26 : i32
        %mul3A_324 = arith.muli %scan3A_164, %mul3A_323 : i32
        %add3A_325 = arith.constant 4 : i32
        %add3A_326 = arith.addi %mul3A_324, %add3A_325 : i32
        %get3A_327 = arith.index_cast %add3A_326 : i32 to index
        %get3A_328 = arith.constant 0 : index
        %get3A_329 = tpu.vector_load %arg7[%get3A_327, %get3A_328] {strides = array<i32>} : memref<208x128xf32, #tpu.memory_space<vmem>>, vector<16xf32>,
        %swap3A_330 = arith.index_cast %scan3A_164 : i32 to index
        %swap3A_331 = arith.constant 320 : index
        %swap3A_332 = tpu.vector_load %arg9[%swap3A_330, %swap3A_331] {strides = array<i32>} : memref<8x1728xf32, #tpu.memory_space<vmem>>, vector<16xf32>,
        tpu.vector_store %arg9[%swap3A_330, %swap3A_331], %get3A_329 {strides = array<i32>} : memref<8x1728xf32, #tpu.memory_space<vmem>>, vector<16xf32>,
        %mul3A_333 = arith.constant 26 : i32
        %mul3A_334 = arith.muli %scan3A_164, %mul3A_333 : i32
        %add3A_335 = arith.constant 4 : i32
        %add3A_336 = arith.addi %mul3A_334, %add3A_335 : i32
        %get3A_337 = arith.index_cast %add3A_336 : i32 to index
        %get3A_338 = arith.constant 16 : index
        %get3A_339 = tpu.vector_load %arg7[%get3A_337, %get3A_338] {strides = array<i32>} : memref<208x128xf32, #tpu.memory_space<vmem>>, vector<16xf32>,
        %swap3A_340 = arith.index_cast %scan3A_164 : i32 to index
        %swap3A_341 = arith.constant 336 : index
        %swap3A_342 = tpu.vector_load %arg9[%swap3A_340, %swap3A_341] {strides = array<i32>} : memref<8x1728xf32, #tpu.memory_space<vmem>>, vector<16xf32>,
        tpu.vector_store %arg9[%swap3A_340, %swap3A_341], %get3A_339 {strides = array<i32>} : memref<8x1728xf32, #tpu.memory_space<vmem>>, vector<16xf32>,
        %mul3A_343 = arith.constant 26 : i32
        %mul3A_344 = arith.muli %scan3A_164, %mul3A_343 : i32
        %add3A_345 = arith.constant 4 : i32
        %add3A_346 = arith.addi %mul3A_344, %add3A_345 : i32
        %get3A_347 = arith.index_cast %add3A_346 : i32 to index
        %get3A_348 = arith.constant 32 : index
        %get3A_349 = tpu.vector_load %arg7[%get3A_347, %get3A_348] {strides = array<i32>} : memref<208x128xf32, #tpu.memory_space<vmem>>, vector<16xf32>,
        %swap3A_350 = arith.index_cast %scan3A_164 : i32 to index
        %swap3A_351 = arith.constant 352 : index
        %swap3A_352 = tpu.vector_load %arg9[%swap3A_350, %swap3A_351] {strides = array<i32>} : memref<8x1728xf32, #tpu.memory_space<vmem>>, vector<16xf32>,
        tpu.vector_store %arg9[%swap3A_350, %swap3A_351], %get3A_349 {strides = array<i32>} : memref<8x1728xf32, #tpu.memory_space<vmem>>, vector<16xf32>,
        %mul3A_353 = arith.constant 26 : i32
        %mul3A_354 = arith.muli %scan3A_164, %mul3A_353 : i32
        %add3A_355 = arith.constant 4 : i32
        %add3A_356 = arith.addi %mul3A_354, %add3A_355 : i32
        %get3A_357 = arith.index_cast %add3A_356 : i32 to index
        %get3A_358 = arith.constant 48 : index
        %get3A_359 = tpu.vector_load %arg7[%get3A_357, %get3A_358] {strides = array<i32>} : memref<208x128xf32, #tpu.memory_space<vmem>>, vector<16xf32>,
        %swap3A_360 = arith.index_cast %scan3A_164 : i32 to index
        %swap3A_361 = arith.constant 368 : index
        %swap3A_362 = tpu.vector_load %arg9[%swap3A_360, %swap3A_361] {strides = array<i32>} : memref<8x1728xf32, #tpu.memory_space<vmem>>, vector<16xf32>,
        tpu.vector_store %arg9[%swap3A_360, %swap3A_361], %get3A_359 {strides = array<i32>} : memref<8x1728xf32, #tpu.memory_space<vmem>>, vector<16xf32>,
        %mul3A_363 = arith.constant 26 : i32
        %mul3A_364 = arith.muli %scan3A_164, %mul3A_363 : i32
        %add3A_365 = arith.constant 5 : i32
        %add3A_366 = arith.addi %mul3A_364, %add3A_365 : i32
        %get3A_367 = arith.index_cast %add3A_366 : i32 to index
        %get3A_368 = arith.constant 0 : index
        %get3A_369 = tpu.vector_load %arg7[%get3A_367, %get3A_368] {strides = array<i32>} : memref<208x128xf32, #tpu.memory_space<vmem>>, vector<16xf32>,
        %swap3A_370 = arith.index_cast %scan3A_164 : i32 to index
        %swap3A_371 = arith.constant 384 : index
        %swap3A_372 = tpu.vector_load %arg9[%swap3A_370, %swap3A_371] {strides = array<i32>} : memref<8x1728xf32, #tpu.memory_space<vmem>>, vector<16xf32>,
        tpu.vector_store %arg9[%swap3A_370, %swap3A_371], %get3A_369 {strides = array<i32>} : memref<8x1728xf32, #tpu.memory_space<vmem>>, vector<16xf32>,
        %mul3A_373 = arith.constant 26 : i32
        %mul3A_374 = arith.muli %scan3A_164, %mul3A_373 : i32
        %add3A_375 = arith.constant 5 : i32
        %add3A_376 = arith.addi %mul3A_374, %add3A_375 : i32
        %get3A_377 = arith.index_cast %add3A_376 : i32 to index
        %get3A_378 = arith.constant 16 : index
        %get3A_379 = tpu.vector_load %arg7[%get3A_377, %get3A_378] {strides = array<i32>} : memref<208x128xf32, #tpu.memory_space<vmem>>, vector<16xf32>,
        %swap3A_380 = arith.index_cast %scan3A_164 : i32 to index
        %swap3A_381 = arith.constant 400 : index
        %swap3A_382 = tpu.vector_load %arg9[%swap3A_380, %swap3A_381] {strides = array<i32>} : memref<8x1728xf32, #tpu.memory_space<vmem>>, vector<16xf32>,
        tpu.vector_store %arg9[%swap3A_380, %swap3A_381], %get3A_379 {strides = array<i32>} : memref<8x1728xf32, #tpu.memory_space<vmem>>, vector<16xf32>,
        %mul3A_383 = arith.constant 26 : i32
        %mul3A_384 = arith.muli %scan3A_164, %mul3A_383 : i32
        %add3A_385 = arith.constant 5 : i32
        %add3A_386 = arith.addi %mul3A_384, %add3A_385 : i32
        %get3A_387 = arith.index_cast %add3A_386 : i32 to index
        %get3A_388 = arith.constant 32 : index
        %get3A_389 = tpu.vector_load %arg7[%get3A_387, %get3A_388] {strides = array<i32>} : memref<208x128xf32, #tpu.memory_space<vmem>>, vector<16xf32>,
        %swap3A_390 = arith.index_cast %scan3A_164 : i32 to index
        %swap3A_391 = arith.constant 416 : index
        %swap3A_392 = tpu.vector_load %arg9[%swap3A_390, %swap3A_391] {strides = array<i32>} : memref<8x1728xf32, #tpu.memory_space<vmem>>, vector<16xf32>,
        tpu.vector_store %arg9[%swap3A_390, %swap3A_391], %get3A_389 {strides = array<i32>} : memref<8x1728xf32, #tpu.memory_space<vmem>>, vector<16xf32>,
        %mul3A_393 = arith.constant 26 : i32
        %mul3A_394 = arith.muli %scan3A_164, %mul3A_393 : i32
        %add3A_395 = arith.constant 5 : i32
        %add3A_396 = arith.addi %mul3A_394, %add3A_395 : i32
        %get3A_397 = arith.index_cast %add3A_396 : i32 to index
        %get3A_398 = arith.constant 48 : index
        %get3A_399 = tpu.vector_load %arg7[%get3A_397, %get3A_398] {strides = array<i32>} : memref<208x128xf32, #tpu.memory_space<vmem>>, vector<16xf32>,
        %swap3A_400 = arith.index_cast %scan3A_164 : i32 to index
        %swap3A_401 = arith.constant 432 : index
        %swap3A_402 = tpu.vector_load %arg9[%swap3A_400, %swap3A_401] {strides = array<i32>} : memref<8x1728xf32, #tpu.memory_space<vmem>>, vector<16xf32>,
        tpu.vector_store %arg9[%swap3A_400, %swap3A_401], %get3A_399 {strides = array<i32>} : memref<8x1728xf32, #tpu.memory_space<vmem>>, vector<16xf32>,
        %mul3A_403 = arith.constant 26 : i32
        %mul3A_404 = arith.muli %scan3A_164, %mul3A_403 : i32
        %add3A_405 = arith.constant 6 : i32
        %add3A_406 = arith.addi %mul3A_404, %add3A_405 : i32
        %get3A_407 = arith.index_cast %add3A_406 : i32 to index
        %get3A_408 = arith.constant 0 : index
        %get3A_409 = tpu.vector_load %arg7[%get3A_407, %get3A_408] {strides = array<i32>} : memref<208x128xf32, #tpu.memory_space<vmem>>, vector<16xf32>,
        %swap3A_410 = arith.index_cast %scan3A_164 : i32 to index
        %swap3A_411 = arith.constant 448 : index
        %swap3A_412 = tpu.vector_load %arg9[%swap3A_410, %swap3A_411] {strides = array<i32>} : memref<8x1728xf32, #tpu.memory_space<vmem>>, vector<16xf32>,
        tpu.vector_store %arg9[%swap3A_410, %swap3A_411], %get3A_409 {strides = array<i32>} : memref<8x1728xf32, #tpu.memory_space<vmem>>, vector<16xf32>,
        %mul3A_413 = arith.constant 26 : i32
        %mul3A_414 = arith.muli %scan3A_164, %mul3A_413 : i32
        %add3A_415 = arith.constant 6 : i32
        %add3A_416 = arith.addi %mul3A_414, %add3A_415 : i32
        %get3A_417 = arith.index_cast %add3A_416 : i32 to index
        %get3A_418 = arith.constant 16 : index
        %get3A_419 = tpu.vector_load %arg7[%get3A_417, %get3A_418] {strides = array<i32>} : memref<208x128xf32, #tpu.memory_space<vmem>>, vector<16xf32>,
        %swap3A_420 = arith.index_cast %scan3A_164 : i32 to index
        %swap3A_421 = arith.constant 464 : index
        %swap3A_422 = tpu.vector_load %arg9[%swap3A_420, %swap3A_421] {strides = array<i32>} : memref<8x1728xf32, #tpu.memory_space<vmem>>, vector<16xf32>,
        tpu.vector_store %arg9[%swap3A_420, %swap3A_421], %get3A_419 {strides = array<i32>} : memref<8x1728xf32, #tpu.memory_space<vmem>>, vector<16xf32>,
        %mul3A_423 = arith.constant 26 : i32
        %mul3A_424 = arith.muli %scan3A_164, %mul3A_423 : i32
        %add3A_425 = arith.constant 6 : i32
        %add3A_426 = arith.addi %mul3A_424, %add3A_425 : i32
        %get3A_427 = arith.index_cast %add3A_426 : i32 to index
        %get3A_428 = arith.constant 32 : index
        %get3A_429 = tpu.vector_load %arg7[%get3A_427, %get3A_428] {strides = array<i32>} : memref<208x128xf32, #tpu.memory_space<vmem>>, vector<16xf32>,
        %swap3A_430 = arith.index_cast %scan3A_164 : i32 to index
        %swap3A_431 = arith.constant 480 : index
        %swap3A_432 = tpu.vector_load %arg9[%swap3A_430, %swap3A_431] {strides = array<i32>} : memref<8x1728xf32, #tpu.memory_space<vmem>>, vector<16xf32>,
        tpu.vector_store %arg9[%swap3A_430, %swap3A_431], %get3A_429 {strides = array<i32>} : memref<8x1728xf32, #tpu.memory_space<vmem>>, vector<16xf32>,
        %mul3A_433 = arith.constant 26 : i32
        %mul3A_434 = arith.muli %scan3A_164, %mul3A_433 : i32
        %add3A_435 = arith.constant 6 : i32
        %add3A_436 = arith.addi %mul3A_434, %add3A_435 : i32
        %get3A_437 = arith.index_cast %add3A_436 : i32 to index
        %get3A_438 = arith.constant 48 : index
        %get3A_439 = tpu.vector_load %arg7[%get3A_437, %get3A_438] {strides = array<i32>} : memref<208x128xf32, #tpu.memory_space<vmem>>, vector<16xf32>,
        %swap3A_440 = arith.index_cast %scan3A_164 : i32 to index
        %swap3A_441 = arith.constant 496 : index
        %swap3A_442 = tpu.vector_load %arg9[%swap3A_440, %swap3A_441] {strides = array<i32>} : memref<8x1728xf32, #tpu.memory_space<vmem>>, vector<16xf32>,
        tpu.vector_store %arg9[%swap3A_440, %swap3A_441], %get3A_439 {strides = array<i32>} : memref<8x1728xf32, #tpu.memory_space<vmem>>, vector<16xf32>,
        %mul3A_443 = arith.constant 26 : i32
        %mul3A_444 = arith.muli %scan3A_164, %mul3A_443 : i32
        %add3A_445 = arith.constant 7 : i32
        %add3A_446 = arith.addi %mul3A_444, %add3A_445 : i32
        %get3A_447 = arith.index_cast %add3A_446 : i32 to index
        %get3A_448 = arith.constant 0 : index
        %get3A_449 = tpu.vector_load %arg7[%get3A_447, %get3A_448] {strides = array<i32>} : memref<208x128xf32, #tpu.memory_space<vmem>>, vector<16xf32>,
        %swap3A_450 = arith.index_cast %scan3A_164 : i32 to index
        %swap3A_451 = arith.constant 512 : index
        %swap3A_452 = tpu.vector_load %arg9[%swap3A_450, %swap3A_451] {strides = array<i32>} : memref<8x1728xf32, #tpu.memory_space<vmem>>, vector<16xf32>,
        tpu.vector_store %arg9[%swap3A_450, %swap3A_451], %get3A_449 {strides = array<i32>} : memref<8x1728xf32, #tpu.memory_space<vmem>>, vector<16xf32>,
        %mul3A_453 = arith.constant 26 : i32
        %mul3A_454 = arith.muli %scan3A_164, %mul3A_453 : i32
        %add3A_455 = arith.constant 7 : i32
        %add3A_456 = arith.addi %mul3A_454, %add3A_455 : i32
        %get3A_457 = arith.index_cast %add3A_456 : i32 to index
        %get3A_458 = arith.constant 16 : index
        %get3A_459 = tpu.vector_load %arg7[%get3A_457, %get3A_458] {strides = array<i32>} : memref<208x128xf32, #tpu.memory_space<vmem>>, vector<16xf32>,
        %swap3A_460 = arith.index_cast %scan3A_164 : i32 to index
        %swap3A_461 = arith.constant 528 : index
        %swap3A_462 = tpu.vector_load %arg9[%swap3A_460, %swap3A_461] {strides = array<i32>} : memref<8x1728xf32, #tpu.memory_space<vmem>>, vector<16xf32>,
        tpu.vector_store %arg9[%swap3A_460, %swap3A_461], %get3A_459 {strides = array<i32>} : memref<8x1728xf32, #tpu.memory_space<vmem>>, vector<16xf32>,
        %mul3A_463 = arith.constant 26 : i32
        %mul3A_464 = arith.muli %scan3A_164, %mul3A_463 : i32
        %add3A_465 = arith.constant 7 : i32
        %add3A_466 = arith.addi %mul3A_464, %add3A_465 : i32
        %get3A_467 = arith.index_cast %add3A_466 : i32 to index
        %get3A_468 = arith.constant 32 : index
        %get3A_469 = tpu.vector_load %arg7[%get3A_467, %get3A_468] {strides = array<i32>} : memref<208x128xf32, #tpu.memory_space<vmem>>, vector<16xf32>,
        %swap3A_470 = arith.index_cast %scan3A_164 : i32 to index
        %swap3A_471 = arith.constant 544 : index
        %swap3A_472 = tpu.vector_load %arg9[%swap3A_470, %swap3A_471] {strides = array<i32>} : memref<8x1728xf32, #tpu.memory_space<vmem>>, vector<16xf32>,
        tpu.vector_store %arg9[%swap3A_470, %swap3A_471], %get3A_469 {strides = array<i32>} : memref<8x1728xf32, #tpu.memory_space<vmem>>, vector<16xf32>,
        %mul3A_473 = arith.constant 26 : i32
        %mul3A_474 = arith.muli %scan3A_164, %mul3A_473 : i32
        %add3A_475 = arith.constant 7 : i32
        %add3A_476 = arith.addi %mul3A_474, %add3A_475 : i32
        %get3A_477 = arith.index_cast %add3A_476 : i32 to index
        %get3A_478 = arith.constant 48 : index
        %get3A_479 = tpu.vector_load %arg7[%get3A_477, %get3A_478] {strides = array<i32>} : memref<208x128xf32, #tpu.memory_space<vmem>>, vector<16xf32>,
        %swap3A_480 = arith.index_cast %scan3A_164 : i32 to index
        %swap3A_481 = arith.constant 560 : index
        %swap3A_482 = tpu.vector_load %arg9[%swap3A_480, %swap3A_481] {strides = array<i32>} : memref<8x1728xf32, #tpu.memory_space<vmem>>, vector<16xf32>,
        tpu.vector_store %arg9[%swap3A_480, %swap3A_481], %get3A_479 {strides = array<i32>} : memref<8x1728xf32, #tpu.memory_space<vmem>>, vector<16xf32>,
        %mul3A_483 = arith.constant 26 : i32
        %mul3A_484 = arith.muli %scan3A_164, %mul3A_483 : i32
        %add3A_485 = arith.constant 8 : i32
        %add3A_486 = arith.addi %mul3A_484, %add3A_485 : i32
        %get3A_487 = arith.index_cast %add3A_486 : i32 to index
        %get3A_488 = arith.constant 0 : index
        %get3A_489 = tpu.vector_load %arg7[%get3A_487, %get3A_488] {strides = array<i32>} : memref<208x128xf32, #tpu.memory_space<vmem>>, vector<16xf32>,
        %swap3A_490 = arith.index_cast %scan3A_164 : i32 to index
        %swap3A_491 = arith.constant 576 : index
        %swap3A_492 = tpu.vector_load %arg9[%swap3A_490, %swap3A_491] {strides = array<i32>} : memref<8x1728xf32, #tpu.memory_space<vmem>>, vector<16xf32>,
        tpu.vector_store %arg9[%swap3A_490, %swap3A_491], %get3A_489 {strides = array<i32>} : memref<8x1728xf32, #tpu.memory_space<vmem>>, vector<16xf32>,
        %mul3A_493 = arith.constant 26 : i32
        %mul3A_494 = arith.muli %scan3A_164, %mul3A_493 : i32
        %add3A_495 = arith.constant 8 : i32
        %add3A_496 = arith.addi %mul3A_494, %add3A_495 : i32
        %get3A_497 = arith.index_cast %add3A_496 : i32 to index
        %get3A_498 = arith.constant 16 : index
        %get3A_499 = tpu.vector_load %arg7[%get3A_497, %get3A_498] {strides = array<i32>} : memref<208x128xf32, #tpu.memory_space<vmem>>, vector<16xf32>,
        %swap3A_500 = arith.index_cast %scan3A_164 : i32 to index
        %swap3A_501 = arith.constant 592 : index
        %swap3A_502 = tpu.vector_load %arg9[%swap3A_500, %swap3A_501] {strides = array<i32>} : memref<8x1728xf32, #tpu.memory_space<vmem>>, vector<16xf32>,
        tpu.vector_store %arg9[%swap3A_500, %swap3A_501], %get3A_499 {strides = array<i32>} : memref<8x1728xf32, #tpu.memory_space<vmem>>, vector<16xf32>,
        %mul3A_503 = arith.constant 26 : i32
        %mul3A_504 = arith.muli %scan3A_164, %mul3A_503 : i32
        %add3A_505 = arith.constant 8 : i32
        %add3A_506 = arith.addi %mul3A_504, %add3A_505 : i32
        %get3A_507 = arith.index_cast %add3A_506 : i32 to index
        %get3A_508 = arith.constant 32 : index
        %get3A_509 = tpu.vector_load %arg7[%get3A_507, %get3A_508] {strides = array<i32>} : memref<208x128xf32, #tpu.memory_space<vmem>>, vector<16xf32>,
        %swap3A_510 = arith.index_cast %scan3A_164 : i32 to index
        %swap3A_511 = arith.constant 608 : index
        %swap3A_512 = tpu.vector_load %arg9[%swap3A_510, %swap3A_511] {strides = array<i32>} : memref<8x1728xf32, #tpu.memory_space<vmem>>, vector<16xf32>,
        tpu.vector_store %arg9[%swap3A_510, %swap3A_511], %get3A_509 {strides = array<i32>} : memref<8x1728xf32, #tpu.memory_space<vmem>>, vector<16xf32>,
        %mul3A_513 = arith.constant 26 : i32
        %mul3A_514 = arith.muli %scan3A_164, %mul3A_513 : i32
        %add3A_515 = arith.constant 8 : i32
        %add3A_516 = arith.addi %mul3A_514, %add3A_515 : i32
        %get3A_517 = arith.index_cast %add3A_516 : i32 to index
        %get3A_518 = arith.constant 48 : index
        %get3A_519 = tpu.vector_load %arg7[%get3A_517, %get3A_518] {strides = array<i32>} : memref<208x128xf32, #tpu.memory_space<vmem>>, vector<16xf32>,
        %swap3A_520 = arith.index_cast %scan3A_164 : i32 to index
        %swap3A_521 = arith.constant 624 : index
        %swap3A_522 = tpu.vector_load %arg9[%swap3A_520, %swap3A_521] {strides = array<i32>} : memref<8x1728xf32, #tpu.memory_space<vmem>>, vector<16xf32>,
        tpu.vector_store %arg9[%swap3A_520, %swap3A_521], %get3A_519 {strides = array<i32>} : memref<8x1728xf32, #tpu.memory_space<vmem>>, vector<16xf32>,
        %mul3A_523 = arith.constant 26 : i32
        %mul3A_524 = arith.muli %scan3A_164, %mul3A_523 : i32
        %add3A_525 = arith.constant 9 : i32
        %add3A_526 = arith.addi %mul3A_524, %add3A_525 : i32
        %get3A_527 = arith.index_cast %add3A_526 : i32 to index
        %get3A_528 = arith.constant 0 : index
        %get3A_529 = tpu.vector_load %arg7[%get3A_527, %get3A_528] {strides = array<i32>} : memref<208x128xf32, #tpu.memory_space<vmem>>, vector<16xf32>,
        %swap3A_530 = arith.index_cast %scan3A_164 : i32 to index
        %swap3A_531 = arith.constant 640 : index
        %swap3A_532 = tpu.vector_load %arg9[%swap3A_530, %swap3A_531] {strides = array<i32>} : memref<8x1728xf32, #tpu.memory_space<vmem>>, vector<16xf32>,
        tpu.vector_store %arg9[%swap3A_530, %swap3A_531], %get3A_529 {strides = array<i32>} : memref<8x1728xf32, #tpu.memory_space<vmem>>, vector<16xf32>,
        %mul3A_533 = arith.constant 26 : i32
        %mul3A_534 = arith.muli %scan3A_164, %mul3A_533 : i32
        %add3A_535 = arith.constant 9 : i32
        %add3A_536 = arith.addi %mul3A_534, %add3A_535 : i32
        %get3A_537 = arith.index_cast %add3A_536 : i32 to index
        %get3A_538 = arith.constant 16 : index
        %get3A_539 = tpu.vector_load %arg7[%get3A_537, %get3A_538] {strides = array<i32>} : memref<208x128xf32, #tpu.memory_space<vmem>>, vector<16xf32>,
        %swap3A_540 = arith.index_cast %scan3A_164 : i32 to index
        %swap3A_541 = arith.constant 656 : index
        %swap3A_542 = tpu.vector_load %arg9[%swap3A_540, %swap3A_541] {strides = array<i32>} : memref<8x1728xf32, #tpu.memory_space<vmem>>, vector<16xf32>,
        tpu.vector_store %arg9[%swap3A_540, %swap3A_541], %get3A_539 {strides = array<i32>} : memref<8x1728xf32, #tpu.memory_space<vmem>>, vector<16xf32>,
        %mul3A_543 = arith.constant 26 : i32
        %mul3A_544 = arith.muli %scan3A_164, %mul3A_543 : i32
        %add3A_545 = arith.constant 9 : i32
        %add3A_546 = arith.addi %mul3A_544, %add3A_545 : i32
        %get3A_547 = arith.index_cast %add3A_546 : i32 to index
        %get3A_548 = arith.constant 32 : index
        %get3A_549 = tpu.vector_load %arg7[%get3A_547, %get3A_548] {strides = array<i32>} : memref<208x128xf32, #tpu.memory_space<vmem>>, vector<16xf32>,
        %swap3A_550 = arith.index_cast %scan3A_164 : i32 to index
        %swap3A_551 = arith.constant 672 : index
        %swap3A_552 = tpu.vector_load %arg9[%swap3A_550, %swap3A_551] {strides = array<i32>} : memref<8x1728xf32, #tpu.memory_space<vmem>>, vector<16xf32>,
        tpu.vector_store %arg9[%swap3A_550, %swap3A_551], %get3A_549 {strides = array<i32>} : memref<8x1728xf32, #tpu.memory_space<vmem>>, vector<16xf32>,
        %mul3A_553 = arith.constant 26 : i32
        %mul3A_554 = arith.muli %scan3A_164, %mul3A_553 : i32
        %add3A_555 = arith.constant 9 : i32
        %add3A_556 = arith.addi %mul3A_554, %add3A_555 : i32
        %get3A_557 = arith.index_cast %add3A_556 : i32 to index
        %get3A_558 = arith.constant 48 : index
        %get3A_559 = tpu.vector_load %arg7[%get3A_557, %get3A_558] {strides = array<i32>} : memref<208x128xf32, #tpu.memory_space<vmem>>, vector<16xf32>,
        %swap3A_560 = arith.index_cast %scan3A_164 : i32 to index
        %swap3A_561 = arith.constant 688 : index
        %swap3A_562 = tpu.vector_load %arg9[%swap3A_560, %swap3A_561] {strides = array<i32>} : memref<8x1728xf32, #tpu.memory_space<vmem>>, vector<16xf32>,
        tpu.vector_store %arg9[%swap3A_560, %swap3A_561], %get3A_559 {strides = array<i32>} : memref<8x1728xf32, #tpu.memory_space<vmem>>, vector<16xf32>,
        %mul3A_563 = arith.constant 26 : i32
        %mul3A_564 = arith.muli %scan3A_164, %mul3A_563 : i32
        %add3A_565 = arith.constant 10 : i32
        %add3A_566 = arith.addi %mul3A_564, %add3A_565 : i32
        %get3A_567 = arith.index_cast %add3A_566 : i32 to index
        %get3A_568 = arith.constant 0 : index
        %get3A_569 = tpu.vector_load %arg7[%get3A_567, %get3A_568] {strides = array<i32>} : memref<208x128xf32, #tpu.memory_space<vmem>>, vector<16xf32>,
        %swap3A_570 = arith.index_cast %scan3A_164 : i32 to index
        %swap3A_571 = arith.constant 704 : index
        %swap3A_572 = tpu.vector_load %arg9[%swap3A_570, %swap3A_571] {strides = array<i32>} : memref<8x1728xf32, #tpu.memory_space<vmem>>, vector<16xf32>,
        tpu.vector_store %arg9[%swap3A_570, %swap3A_571], %get3A_569 {strides = array<i32>} : memref<8x1728xf32, #tpu.memory_space<vmem>>, vector<16xf32>,
        %mul3A_573 = arith.constant 26 : i32
        %mul3A_574 = arith.muli %scan3A_164, %mul3A_573 : i32
        %add3A_575 = arith.constant 10 : i32
        %add3A_576 = arith.addi %mul3A_574, %add3A_575 : i32
        %get3A_577 = arith.index_cast %add3A_576 : i32 to index
        %get3A_578 = arith.constant 16 : index
        %get3A_579 = tpu.vector_load %arg7[%get3A_577, %get3A_578] {strides = array<i32>} : memref<208x128xf32, #tpu.memory_space<vmem>>, vector<16xf32>,
        %swap3A_580 = arith.index_cast %scan3A_164 : i32 to index
        %swap3A_581 = arith.constant 720 : index
        %swap3A_582 = tpu.vector_load %arg9[%swap3A_580, %swap3A_581] {strides = array<i32>} : memref<8x1728xf32, #tpu.memory_space<vmem>>, vector<16xf32>,
        tpu.vector_store %arg9[%swap3A_580, %swap3A_581], %get3A_579 {strides = array<i32>} : memref<8x1728xf32, #tpu.memory_space<vmem>>, vector<16xf32>,
        %mul3A_583 = arith.constant 26 : i32
        %mul3A_584 = arith.muli %scan3A_164, %mul3A_583 : i32
        %add3A_585 = arith.constant 10 : i32
        %add3A_586 = arith.addi %mul3A_584, %add3A_585 : i32
        %get3A_587 = arith.index_cast %add3A_586 : i32 to index
        %get3A_588 = arith.constant 32 : index
        %get3A_589 = tpu.vector_load %arg7[%get3A_587, %get3A_588] {strides = array<i32>} : memref<208x128xf32, #tpu.memory_space<vmem>>, vector<16xf32>,
        %swap3A_590 = arith.index_cast %scan3A_164 : i32 to index
        %swap3A_591 = arith.constant 736 : index
        %swap3A_592 = tpu.vector_load %arg9[%swap3A_590, %swap3A_591] {strides = array<i32>} : memref<8x1728xf32, #tpu.memory_space<vmem>>, vector<16xf32>,
        tpu.vector_store %arg9[%swap3A_590, %swap3A_591], %get3A_589 {strides = array<i32>} : memref<8x1728xf32, #tpu.memory_space<vmem>>, vector<16xf32>,
        %mul3A_593 = arith.constant 26 : i32
        %mul3A_594 = arith.muli %scan3A_164, %mul3A_593 : i32
        %add3A_595 = arith.constant 10 : i32
        %add3A_596 = arith.addi %mul3A_594, %add3A_595 : i32
        %get3A_597 = arith.index_cast %add3A_596 : i32 to index
        %get3A_598 = arith.constant 48 : index
        %get3A_599 = tpu.vector_load %arg7[%get3A_597, %get3A_598] {strides = array<i32>} : memref<208x128xf32, #tpu.memory_space<vmem>>, vector<16xf32>,
        %swap3A_600 = arith.index_cast %scan3A_164 : i32 to index
        %swap3A_601 = arith.constant 752 : index
        %swap3A_602 = tpu.vector_load %arg9[%swap3A_600, %swap3A_601] {strides = array<i32>} : memref<8x1728xf32, #tpu.memory_space<vmem>>, vector<16xf32>,
        tpu.vector_store %arg9[%swap3A_600, %swap3A_601], %get3A_599 {strides = array<i32>} : memref<8x1728xf32, #tpu.memory_space<vmem>>, vector<16xf32>,
        %mul3A_603 = arith.constant 26 : i32
        %mul3A_604 = arith.muli %scan3A_164, %mul3A_603 : i32
        %add3A_605 = arith.constant 11 : i32
        %add3A_606 = arith.addi %mul3A_604, %add3A_605 : i32
        %get3A_607 = arith.index_cast %add3A_606 : i32 to index
        %get3A_608 = arith.constant 0 : index
        %get3A_609 = tpu.vector_load %arg7[%get3A_607, %get3A_608] {strides = array<i32>} : memref<208x128xf32, #tpu.memory_space<vmem>>, vector<16xf32>,
        %swap3A_610 = arith.index_cast %scan3A_164 : i32 to index
        %swap3A_611 = arith.constant 768 : index
        %swap3A_612 = tpu.vector_load %arg9[%swap3A_610, %swap3A_611] {strides = array<i32>} : memref<8x1728xf32, #tpu.memory_space<vmem>>, vector<16xf32>,
        tpu.vector_store %arg9[%swap3A_610, %swap3A_611], %get3A_609 {strides = array<i32>} : memref<8x1728xf32, #tpu.memory_space<vmem>>, vector<16xf32>,
        %mul3A_613 = arith.constant 26 : i32
        %mul3A_614 = arith.muli %scan3A_164, %mul3A_613 : i32
        %add3A_615 = arith.constant 11 : i32
        %add3A_616 = arith.addi %mul3A_614, %add3A_615 : i32
        %get3A_617 = arith.index_cast %add3A_616 : i32 to index
        %get3A_618 = arith.constant 16 : index
        %get3A_619 = tpu.vector_load %arg7[%get3A_617, %get3A_618] {strides = array<i32>} : memref<208x128xf32, #tpu.memory_space<vmem>>, vector<16xf32>,
        %swap3A_620 = arith.index_cast %scan3A_164 : i32 to index
        %swap3A_621 = arith.constant 784 : index
        %swap3A_622 = tpu.vector_load %arg9[%swap3A_620, %swap3A_621] {strides = array<i32>} : memref<8x1728xf32, #tpu.memory_space<vmem>>, vector<16xf32>,
        tpu.vector_store %arg9[%swap3A_620, %swap3A_621], %get3A_619 {strides = array<i32>} : memref<8x1728xf32, #tpu.memory_space<vmem>>, vector<16xf32>,
        %mul3A_623 = arith.constant 26 : i32
        %mul3A_624 = arith.muli %scan3A_164, %mul3A_623 : i32
        %add3A_625 = arith.constant 11 : i32
        %add3A_626 = arith.addi %mul3A_624, %add3A_625 : i32
        %get3A_627 = arith.index_cast %add3A_626 : i32 to index
        %get3A_628 = arith.constant 32 : index
        %get3A_629 = tpu.vector_load %arg7[%get3A_627, %get3A_628] {strides = array<i32>} : memref<208x128xf32, #tpu.memory_space<vmem>>, vector<16xf32>,
        %swap3A_630 = arith.index_cast %scan3A_164 : i32 to index
        %swap3A_631 = arith.constant 800 : index
        %swap3A_632 = tpu.vector_load %arg9[%swap3A_630, %swap3A_631] {strides = array<i32>} : memref<8x1728xf32, #tpu.memory_space<vmem>>, vector<16xf32>,
        tpu.vector_store %arg9[%swap3A_630, %swap3A_631], %get3A_629 {strides = array<i32>} : memref<8x1728xf32, #tpu.memory_space<vmem>>, vector<16xf32>,
        %mul3A_633 = arith.constant 26 : i32
        %mul3A_634 = arith.muli %scan3A_164, %mul3A_633 : i32
        %add3A_635 = arith.constant 11 : i32
        %add3A_636 = arith.addi %mul3A_634, %add3A_635 : i32
        %get3A_637 = arith.index_cast %add3A_636 : i32 to index
        %get3A_638 = arith.constant 48 : index
        %get3A_639 = tpu.vector_load %arg7[%get3A_637, %get3A_638] {strides = array<i32>} : memref<208x128xf32, #tpu.memory_space<vmem>>, vector<16xf32>,
        %swap3A_640 = arith.index_cast %scan3A_164 : i32 to index
        %swap3A_641 = arith.constant 816 : index
        %swap3A_642 = tpu.vector_load %arg9[%swap3A_640, %swap3A_641] {strides = array<i32>} : memref<8x1728xf32, #tpu.memory_space<vmem>>, vector<16xf32>,
        tpu.vector_store %arg9[%swap3A_640, %swap3A_641], %get3A_639 {strides = array<i32>} : memref<8x1728xf32, #tpu.memory_space<vmem>>, vector<16xf32>,
        %mul3A_643 = arith.constant 26 : i32
        %mul3A_644 = arith.muli %scan3A_164, %mul3A_643 : i32
        %add3A_645 = arith.constant 12 : i32
        %add3A_646 = arith.addi %mul3A_644, %add3A_645 : i32
        %get3A_647 = arith.index_cast %add3A_646 : i32 to index
        %get3A_648 = arith.constant 0 : index
        %get3A_649 = tpu.vector_load %arg7[%get3A_647, %get3A_648] {strides = array<i32>} : memref<208x128xf32, #tpu.memory_space<vmem>>, vector<16xf32>,
        %swap3A_650 = arith.index_cast %scan3A_164 : i32 to index
        %swap3A_651 = arith.constant 832 : index
        %swap3A_652 = tpu.vector_load %arg9[%swap3A_650, %swap3A_651] {strides = array<i32>} : memref<8x1728xf32, #tpu.memory_space<vmem>>, vector<16xf32>,
        tpu.vector_store %arg9[%swap3A_650, %swap3A_651], %get3A_649 {strides = array<i32>} : memref<8x1728xf32, #tpu.memory_space<vmem>>, vector<16xf32>,
        %mul3A_653 = arith.constant 26 : i32
        %mul3A_654 = arith.muli %scan3A_164, %mul3A_653 : i32
        %add3A_655 = arith.constant 12 : i32
        %add3A_656 = arith.addi %mul3A_654, %add3A_655 : i32
        %get3A_657 = arith.index_cast %add3A_656 : i32 to index
        %get3A_658 = arith.constant 16 : index
        %get3A_659 = tpu.vector_load %arg7[%get3A_657, %get3A_658] {strides = array<i32>} : memref<208x128xf32, #tpu.memory_space<vmem>>, vector<16xf32>,
        %swap3A_660 = arith.index_cast %scan3A_164 : i32 to index
        %swap3A_661 = arith.constant 848 : index
        %swap3A_662 = tpu.vector_load %arg9[%swap3A_660, %swap3A_661] {strides = array<i32>} : memref<8x1728xf32, #tpu.memory_space<vmem>>, vector<16xf32>,
        tpu.vector_store %arg9[%swap3A_660, %swap3A_661], %get3A_659 {strides = array<i32>} : memref<8x1728xf32, #tpu.memory_space<vmem>>, vector<16xf32>,
        %mul3A_663 = arith.constant 26 : i32
        %mul3A_664 = arith.muli %scan3A_164, %mul3A_663 : i32
        %add3A_665 = arith.constant 12 : i32
        %add3A_666 = arith.addi %mul3A_664, %add3A_665 : i32
        %get3A_667 = arith.index_cast %add3A_666 : i32 to index
        %get3A_668 = arith.constant 32 : index
        %get3A_669 = tpu.vector_load %arg7[%get3A_667, %get3A_668] {strides = array<i32>} : memref<208x128xf32, #tpu.memory_space<vmem>>, vector<16xf32>,
        %swap3A_670 = arith.index_cast %scan3A_164 : i32 to index
        %swap3A_671 = arith.constant 864 : index
        %swap3A_672 = tpu.vector_load %arg9[%swap3A_670, %swap3A_671] {strides = array<i32>} : memref<8x1728xf32, #tpu.memory_space<vmem>>, vector<16xf32>,
        tpu.vector_store %arg9[%swap3A_670, %swap3A_671], %get3A_669 {strides = array<i32>} : memref<8x1728xf32, #tpu.memory_space<vmem>>, vector<16xf32>,
        %mul3A_673 = arith.constant 26 : i32
        %mul3A_674 = arith.muli %scan3A_164, %mul3A_673 : i32
        %add3A_675 = arith.constant 12 : i32
        %add3A_676 = arith.addi %mul3A_674, %add3A_675 : i32
        %get3A_677 = arith.index_cast %add3A_676 : i32 to index
        %get3A_678 = arith.constant 48 : index
        %get3A_679 = tpu.vector_load %arg7[%get3A_677, %get3A_678] {strides = array<i32>} : memref<208x128xf32, #tpu.memory_space<vmem>>, vector<16xf32>,
        %swap3A_680 = arith.index_cast %scan3A_164 : i32 to index
        %swap3A_681 = arith.constant 880 : index
        %swap3A_682 = tpu.vector_load %arg9[%swap3A_680, %swap3A_681] {strides = array<i32>} : memref<8x1728xf32, #tpu.memory_space<vmem>>, vector<16xf32>,
        tpu.vector_store %arg9[%swap3A_680, %swap3A_681], %get3A_679 {strides = array<i32>} : memref<8x1728xf32, #tpu.memory_space<vmem>>, vector<16xf32>,
        %mul3A_683 = arith.constant 26 : i32
        %mul3A_684 = arith.muli %scan3A_164, %mul3A_683 : i32
        %add3A_685 = arith.constant 13 : i32
        %add3A_686 = arith.addi %mul3A_684, %add3A_685 : i32
        %get3A_687 = arith.index_cast %add3A_686 : i32 to index
        %get3A_688 = arith.constant 0 : index
        %get3A_689 = tpu.vector_load %arg7[%get3A_687, %get3A_688] {strides = array<i32>} : memref<208x128xf32, #tpu.memory_space<vmem>>, vector<16xf32>,
        %swap3A_690 = arith.index_cast %scan3A_164 : i32 to index
        %swap3A_691 = arith.constant 896 : index
        %swap3A_692 = tpu.vector_load %arg9[%swap3A_690, %swap3A_691] {strides = array<i32>} : memref<8x1728xf32, #tpu.memory_space<vmem>>, vector<16xf32>,
        tpu.vector_store %arg9[%swap3A_690, %swap3A_691], %get3A_689 {strides = array<i32>} : memref<8x1728xf32, #tpu.memory_space<vmem>>, vector<16xf32>,
        %mul3A_693 = arith.constant 26 : i32
        %mul3A_694 = arith.muli %scan3A_164, %mul3A_693 : i32
        %add3A_695 = arith.constant 13 : i32
        %add3A_696 = arith.addi %mul3A_694, %add3A_695 : i32
        %get3A_697 = arith.index_cast %add3A_696 : i32 to index
        %get3A_698 = arith.constant 16 : index
        %get3A_699 = tpu.vector_load %arg7[%get3A_697, %get3A_698] {strides = array<i32>} : memref<208x128xf32, #tpu.memory_space<vmem>>, vector<16xf32>,
        %swap3A_700 = arith.index_cast %scan3A_164 : i32 to index
        %swap3A_701 = arith.constant 912 : index
        %swap3A_702 = tpu.vector_load %arg9[%swap3A_700, %swap3A_701] {strides = array<i32>} : memref<8x1728xf32, #tpu.memory_space<vmem>>, vector<16xf32>,
        tpu.vector_store %arg9[%swap3A_700, %swap3A_701], %get3A_699 {strides = array<i32>} : memref<8x1728xf32, #tpu.memory_space<vmem>>, vector<16xf32>,
        %mul3A_703 = arith.constant 26 : i32
        %mul3A_704 = arith.muli %scan3A_164, %mul3A_703 : i32
        %add3A_705 = arith.constant 13 : i32
        %add3A_706 = arith.addi %mul3A_704, %add3A_705 : i32
        %get3A_707 = arith.index_cast %add3A_706 : i32 to index
        %get3A_708 = arith.constant 32 : index
        %get3A_709 = tpu.vector_load %arg7[%get3A_707, %get3A_708] {strides = array<i32>} : memref<208x128xf32, #tpu.memory_space<vmem>>, vector<16xf32>,
        %swap3A_710 = arith.index_cast %scan3A_164 : i32 to index
        %swap3A_711 = arith.constant 928 : index
        %swap3A_712 = tpu.vector_load %arg9[%swap3A_710, %swap3A_711] {strides = array<i32>} : memref<8x1728xf32, #tpu.memory_space<vmem>>, vector<16xf32>,
        tpu.vector_store %arg9[%swap3A_710, %swap3A_711], %get3A_709 {strides = array<i32>} : memref<8x1728xf32, #tpu.memory_space<vmem>>, vector<16xf32>,
        %mul3A_713 = arith.constant 26 : i32
        %mul3A_714 = arith.muli %scan3A_164, %mul3A_713 : i32
        %add3A_715 = arith.constant 13 : i32
        %add3A_716 = arith.addi %mul3A_714, %add3A_715 : i32
        %get3A_717 = arith.index_cast %add3A_716 : i32 to index
        %get3A_718 = arith.constant 48 : index
        %get3A_719 = tpu.vector_load %arg7[%get3A_717, %get3A_718] {strides = array<i32>} : memref<208x128xf32, #tpu.memory_space<vmem>>, vector<16xf32>,
        %swap3A_720 = arith.index_cast %scan3A_164 : i32 to index
        %swap3A_721 = arith.constant 944 : index
        %swap3A_722 = tpu.vector_load %arg9[%swap3A_720, %swap3A_721] {strides = array<i32>} : memref<8x1728xf32, #tpu.memory_space<vmem>>, vector<16xf32>,
        tpu.vector_store %arg9[%swap3A_720, %swap3A_721], %get3A_719 {strides = array<i32>} : memref<8x1728xf32, #tpu.memory_space<vmem>>, vector<16xf32>,
        %mul3A_723 = arith.constant 26 : i32
        %mul3A_724 = arith.muli %scan3A_164, %mul3A_723 : i32
        %add3A_725 = arith.constant 14 : i32
        %add3A_726 = arith.addi %mul3A_724, %add3A_725 : i32
        %get3A_727 = arith.index_cast %add3A_726 : i32 to index
        %get3A_728 = arith.constant 0 : index
        %get3A_729 = tpu.vector_load %arg7[%get3A_727, %get3A_728] {strides = array<i32>} : memref<208x128xf32, #tpu.memory_space<vmem>>, vector<16xf32>,
        %swap3A_730 = arith.index_cast %scan3A_164 : i32 to index
        %swap3A_731 = arith.constant 960 : index
        %swap3A_732 = tpu.vector_load %arg9[%swap3A_730, %swap3A_731] {strides = array<i32>} : memref<8x1728xf32, #tpu.memory_space<vmem>>, vector<16xf32>,
        tpu.vector_store %arg9[%swap3A_730, %swap3A_731], %get3A_729 {strides = array<i32>} : memref<8x1728xf32, #tpu.memory_space<vmem>>, vector<16xf32>,
        %mul3A_733 = arith.constant 26 : i32
        %mul3A_734 = arith.muli %scan3A_164, %mul3A_733 : i32
        %add3A_735 = arith.constant 14 : i32
        %add3A_736 = arith.addi %mul3A_734, %add3A_735 : i32
        %get3A_737 = arith.index_cast %add3A_736 : i32 to index
        %get3A_738 = arith.constant 16 : index
        %get3A_739 = tpu.vector_load %arg7[%get3A_737, %get3A_738] {strides = array<i32>} : memref<208x128xf32, #tpu.memory_space<vmem>>, vector<16xf32>,
        %swap3A_740 = arith.index_cast %scan3A_164 : i32 to index
        %swap3A_741 = arith.constant 976 : index
        %swap3A_742 = tpu.vector_load %arg9[%swap3A_740, %swap3A_741] {strides = array<i32>} : memref<8x1728xf32, #tpu.memory_space<vmem>>, vector<16xf32>,
        tpu.vector_store %arg9[%swap3A_740, %swap3A_741], %get3A_739 {strides = array<i32>} : memref<8x1728xf32, #tpu.memory_space<vmem>>, vector<16xf32>,
        %mul3A_743 = arith.constant 26 : i32
        %mul3A_744 = arith.muli %scan3A_164, %mul3A_743 : i32
        %add3A_745 = arith.constant 14 : i32
        %add3A_746 = arith.addi %mul3A_744, %add3A_745 : i32
        %get3A_747 = arith.index_cast %add3A_746 : i32 to index
        %get3A_748 = arith.constant 32 : index
        %get3A_749 = tpu.vector_load %arg7[%get3A_747, %get3A_748] {strides = array<i32>} : memref<208x128xf32, #tpu.memory_space<vmem>>, vector<16xf32>,
        %swap3A_750 = arith.index_cast %scan3A_164 : i32 to index
        %swap3A_751 = arith.constant 992 : index
        %swap3A_752 = tpu.vector_load %arg9[%swap3A_750, %swap3A_751] {strides = array<i32>} : memref<8x1728xf32, #tpu.memory_space<vmem>>, vector<16xf32>,
        tpu.vector_store %arg9[%swap3A_750, %swap3A_751], %get3A_749 {strides = array<i32>} : memref<8x1728xf32, #tpu.memory_space<vmem>>, vector<16xf32>,
        %mul3A_753 = arith.constant 26 : i32
        %mul3A_754 = arith.muli %scan3A_164, %mul3A_753 : i32
        %add3A_755 = arith.constant 14 : i32
        %add3A_756 = arith.addi %mul3A_754, %add3A_755 : i32
        %get3A_757 = arith.index_cast %add3A_756 : i32 to index
        %get3A_758 = arith.constant 48 : index
        %get3A_759 = tpu.vector_load %arg7[%get3A_757, %get3A_758] {strides = array<i32>} : memref<208x128xf32, #tpu.memory_space<vmem>>, vector<16xf32>,
        %swap3A_760 = arith.index_cast %scan3A_164 : i32 to index
        %swap3A_761 = arith.constant 1008 : index
        %swap3A_762 = tpu.vector_load %arg9[%swap3A_760, %swap3A_761] {strides = array<i32>} : memref<8x1728xf32, #tpu.memory_space<vmem>>, vector<16xf32>,
        tpu.vector_store %arg9[%swap3A_760, %swap3A_761], %get3A_759 {strides = array<i32>} : memref<8x1728xf32, #tpu.memory_space<vmem>>, vector<16xf32>,
        %mul3A_763 = arith.constant 26 : i32
        %mul3A_764 = arith.muli %scan3A_164, %mul3A_763 : i32
        %add3A_765 = arith.constant 15 : i32
        %add3A_766 = arith.addi %mul3A_764, %add3A_765 : i32
        %get3A_767 = arith.index_cast %add3A_766 : i32 to index
        %get3A_768 = arith.constant 0 : index
        %get3A_769 = tpu.vector_load %arg7[%get3A_767, %get3A_768] {strides = array<i32>} : memref<208x128xf32, #tpu.memory_space<vmem>>, vector<16xf32>,
        %swap3A_770 = arith.index_cast %scan3A_164 : i32 to index
        %swap3A_771 = arith.constant 1024 : index
        %swap3A_772 = tpu.vector_load %arg9[%swap3A_770, %swap3A_771] {strides = array<i32>} : memref<8x1728xf32, #tpu.memory_space<vmem>>, vector<16xf32>,
        tpu.vector_store %arg9[%swap3A_770, %swap3A_771], %get3A_769 {strides = array<i32>} : memref<8x1728xf32, #tpu.memory_space<vmem>>, vector<16xf32>,
        %mul3A_773 = arith.constant 26 : i32
        %mul3A_774 = arith.muli %scan3A_164, %mul3A_773 : i32
        %add3A_775 = arith.constant 15 : i32
        %add3A_776 = arith.addi %mul3A_774, %add3A_775 : i32
        %get3A_777 = arith.index_cast %add3A_776 : i32 to index
        %get3A_778 = arith.constant 16 : index
        %get3A_779 = tpu.vector_load %arg7[%get3A_777, %get3A_778] {strides = array<i32>} : memref<208x128xf32, #tpu.memory_space<vmem>>, vector<16xf32>,
        %swap3A_780 = arith.index_cast %scan3A_164 : i32 to index
        %swap3A_781 = arith.constant 1040 : index
        %swap3A_782 = tpu.vector_load %arg9[%swap3A_780, %swap3A_781] {strides = array<i32>} : memref<8x1728xf32, #tpu.memory_space<vmem>>, vector<16xf32>,
        tpu.vector_store %arg9[%swap3A_780, %swap3A_781], %get3A_779 {strides = array<i32>} : memref<8x1728xf32, #tpu.memory_space<vmem>>, vector<16xf32>,
        %mul3A_783 = arith.constant 26 : i32
        %mul3A_784 = arith.muli %scan3A_164, %mul3A_783 : i32
        %add3A_785 = arith.constant 15 : i32
        %add3A_786 = arith.addi %mul3A_784, %add3A_785 : i32
        %get3A_787 = arith.index_cast %add3A_786 : i32 to index
        %get3A_788 = arith.constant 32 : index
        %get3A_789 = tpu.vector_load %arg7[%get3A_787, %get3A_788] {strides = array<i32>} : memref<208x128xf32, #tpu.memory_space<vmem>>, vector<16xf32>,
        %swap3A_790 = arith.index_cast %scan3A_164 : i32 to index
        %swap3A_791 = arith.constant 1056 : index
        %swap3A_792 = tpu.vector_load %arg9[%swap3A_790, %swap3A_791] {strides = array<i32>} : memref<8x1728xf32, #tpu.memory_space<vmem>>, vector<16xf32>,
        tpu.vector_store %arg9[%swap3A_790, %swap3A_791], %get3A_789 {strides = array<i32>} : memref<8x1728xf32, #tpu.memory_space<vmem>>, vector<16xf32>,
        %mul3A_793 = arith.constant 26 : i32
        %mul3A_794 = arith.muli %scan3A_164, %mul3A_793 : i32
        %add3A_795 = arith.constant 15 : i32
        %add3A_796 = arith.addi %mul3A_794, %add3A_795 : i32
        %get3A_797 = arith.index_cast %add3A_796 : i32 to index
        %get3A_798 = arith.constant 48 : index
        %get3A_799 = tpu.vector_load %arg7[%get3A_797, %get3A_798] {strides = array<i32>} : memref<208x128xf32, #tpu.memory_space<vmem>>, vector<16xf32>,
        %swap3A_800 = arith.index_cast %scan3A_164 : i32 to index
        %swap3A_801 = arith.constant 1072 : index
        %swap3A_802 = tpu.vector_load %arg9[%swap3A_800, %swap3A_801] {strides = array<i32>} : memref<8x1728xf32, #tpu.memory_space<vmem>>, vector<16xf32>,
        tpu.vector_store %arg9[%swap3A_800, %swap3A_801], %get3A_799 {strides = array<i32>} : memref<8x1728xf32, #tpu.memory_space<vmem>>, vector<16xf32>,
        %mul3A_803 = arith.constant 26 : i32
        %mul3A_804 = arith.muli %scan3A_164, %mul3A_803 : i32
        %add3A_805 = arith.constant 16 : i32
        %add3A_806 = arith.addi %mul3A_804, %add3A_805 : i32
        %get3A_807 = arith.index_cast %add3A_806 : i32 to index
        %get3A_808 = arith.constant 0 : index
        %get3A_809 = tpu.vector_load %arg7[%get3A_807, %get3A_808] {strides = array<i32>} : memref<208x128xf32, #tpu.memory_space<vmem>>, vector<16xf32>,
        %swap3A_810 = arith.index_cast %scan3A_164 : i32 to index
        %swap3A_811 = arith.constant 1088 : index
        %swap3A_812 = tpu.vector_load %arg9[%swap3A_810, %swap3A_811] {strides = array<i32>} : memref<8x1728xf32, #tpu.memory_space<vmem>>, vector<16xf32>,
        tpu.vector_store %arg9[%swap3A_810, %swap3A_811], %get3A_809 {strides = array<i32>} : memref<8x1728xf32, #tpu.memory_space<vmem>>, vector<16xf32>,
        %mul3A_813 = arith.constant 26 : i32
        %mul3A_814 = arith.muli %scan3A_164, %mul3A_813 : i32
        %add3A_815 = arith.constant 16 : i32
        %add3A_816 = arith.addi %mul3A_814, %add3A_815 : i32
        %get3A_817 = arith.index_cast %add3A_816 : i32 to index
        %get3A_818 = arith.constant 16 : index
        %get3A_819 = tpu.vector_load %arg7[%get3A_817, %get3A_818] {strides = array<i32>} : memref<208x128xf32, #tpu.memory_space<vmem>>, vector<16xf32>,
        %swap3A_820 = arith.index_cast %scan3A_164 : i32 to index
        %swap3A_821 = arith.constant 1104 : index
        %swap3A_822 = tpu.vector_load %arg9[%swap3A_820, %swap3A_821] {strides = array<i32>} : memref<8x1728xf32, #tpu.memory_space<vmem>>, vector<16xf32>,
        tpu.vector_store %arg9[%swap3A_820, %swap3A_821], %get3A_819 {strides = array<i32>} : memref<8x1728xf32, #tpu.memory_space<vmem>>, vector<16xf32>,
        %mul3A_823 = arith.constant 26 : i32
        %mul3A_824 = arith.muli %scan3A_164, %mul3A_823 : i32
        %add3A_825 = arith.constant 16 : i32
        %add3A_826 = arith.addi %mul3A_824, %add3A_825 : i32
        %get3A_827 = arith.index_cast %add3A_826 : i32 to index
        %get3A_828 = arith.constant 32 : index
        %get3A_829 = tpu.vector_load %arg7[%get3A_827, %get3A_828] {strides = array<i32>} : memref<208x128xf32, #tpu.memory_space<vmem>>, vector<16xf32>,
        %swap3A_830 = arith.index_cast %scan3A_164 : i32 to index
        %swap3A_831 = arith.constant 1120 : index
        %swap3A_832 = tpu.vector_load %arg9[%swap3A_830, %swap3A_831] {strides = array<i32>} : memref<8x1728xf32, #tpu.memory_space<vmem>>, vector<16xf32>,
        tpu.vector_store %arg9[%swap3A_830, %swap3A_831], %get3A_829 {strides = array<i32>} : memref<8x1728xf32, #tpu.memory_space<vmem>>, vector<16xf32>,
        %mul3A_833 = arith.constant 26 : i32
        %mul3A_834 = arith.muli %scan3A_164, %mul3A_833 : i32
        %add3A_835 = arith.constant 16 : i32
        %add3A_836 = arith.addi %mul3A_834, %add3A_835 : i32
        %get3A_837 = arith.index_cast %add3A_836 : i32 to index
        %get3A_838 = arith.constant 48 : index
        %get3A_839 = tpu.vector_load %arg7[%get3A_837, %get3A_838] {strides = array<i32>} : memref<208x128xf32, #tpu.memory_space<vmem>>, vector<16xf32>,
        %swap3A_840 = arith.index_cast %scan3A_164 : i32 to index
        %swap3A_841 = arith.constant 1136 : index
        %swap3A_842 = tpu.vector_load %arg9[%swap3A_840, %swap3A_841] {strides = array<i32>} : memref<8x1728xf32, #tpu.memory_space<vmem>>, vector<16xf32>,
        tpu.vector_store %arg9[%swap3A_840, %swap3A_841], %get3A_839 {strides = array<i32>} : memref<8x1728xf32, #tpu.memory_space<vmem>>, vector<16xf32>,
        %mul3A_843 = arith.constant 26 : i32
        %mul3A_844 = arith.muli %scan3A_164, %mul3A_843 : i32
        %add3A_845 = arith.constant 17 : i32
        %add3A_846 = arith.addi %mul3A_844, %add3A_845 : i32
        %get3A_847 = arith.index_cast %add3A_846 : i32 to index
        %get3A_848 = arith.constant 0 : index
        %get3A_849 = tpu.vector_load %arg7[%get3A_847, %get3A_848] {strides = array<i32>} : memref<208x128xf32, #tpu.memory_space<vmem>>, vector<16xf32>,
        %swap3A_850 = arith.index_cast %scan3A_164 : i32 to index
        %swap3A_851 = arith.constant 1152 : index
        %swap3A_852 = tpu.vector_load %arg9[%swap3A_850, %swap3A_851] {strides = array<i32>} : memref<8x1728xf32, #tpu.memory_space<vmem>>, vector<16xf32>,
        tpu.vector_store %arg9[%swap3A_850, %swap3A_851], %get3A_849 {strides = array<i32>} : memref<8x1728xf32, #tpu.memory_space<vmem>>, vector<16xf32>,
        %mul3A_853 = arith.constant 26 : i32
        %mul3A_854 = arith.muli %scan3A_164, %mul3A_853 : i32
        %add3A_855 = arith.constant 17 : i32
        %add3A_856 = arith.addi %mul3A_854, %add3A_855 : i32
        %get3A_857 = arith.index_cast %add3A_856 : i32 to index
        %get3A_858 = arith.constant 16 : index
        %get3A_859 = tpu.vector_load %arg7[%get3A_857, %get3A_858] {strides = array<i32>} : memref<208x128xf32, #tpu.memory_space<vmem>>, vector<16xf32>,
        %swap3A_860 = arith.index_cast %scan3A_164 : i32 to index
        %swap3A_861 = arith.constant 1168 : index
        %swap3A_862 = tpu.vector_load %arg9[%swap3A_860, %swap3A_861] {strides = array<i32>} : memref<8x1728xf32, #tpu.memory_space<vmem>>, vector<16xf32>,
        tpu.vector_store %arg9[%swap3A_860, %swap3A_861], %get3A_859 {strides = array<i32>} : memref<8x1728xf32, #tpu.memory_space<vmem>>, vector<16xf32>,
        %mul3A_863 = arith.constant 26 : i32
        %mul3A_864 = arith.muli %scan3A_164, %mul3A_863 : i32
        %add3A_865 = arith.constant 17 : i32
        %add3A_866 = arith.addi %mul3A_864, %add3A_865 : i32
        %get3A_867 = arith.index_cast %add3A_866 : i32 to index
        %get3A_868 = arith.constant 32 : index
        %get3A_869 = tpu.vector_load %arg7[%get3A_867, %get3A_868] {strides = array<i32>} : memref<208x128xf32, #tpu.memory_space<vmem>>, vector<16xf32>,
        %swap3A_870 = arith.index_cast %scan3A_164 : i32 to index
        %swap3A_871 = arith.constant 1184 : index
        %swap3A_872 = tpu.vector_load %arg9[%swap3A_870, %swap3A_871] {strides = array<i32>} : memref<8x1728xf32, #tpu.memory_space<vmem>>, vector<16xf32>,
        tpu.vector_store %arg9[%swap3A_870, %swap3A_871], %get3A_869 {strides = array<i32>} : memref<8x1728xf32, #tpu.memory_space<vmem>>, vector<16xf32>,
        %mul3A_873 = arith.constant 26 : i32
        %mul3A_874 = arith.muli %scan3A_164, %mul3A_873 : i32
        %add3A_875 = arith.constant 17 : i32
        %add3A_876 = arith.addi %mul3A_874, %add3A_875 : i32
        %get3A_877 = arith.index_cast %add3A_876 : i32 to index
        %get3A_878 = arith.constant 48 : index
        %get3A_879 = tpu.vector_load %arg7[%get3A_877, %get3A_878] {strides = array<i32>} : memref<208x128xf32, #tpu.memory_space<vmem>>, vector<16xf32>,
        %swap3A_880 = arith.index_cast %scan3A_164 : i32 to index
        %swap3A_881 = arith.constant 1200 : index
        %swap3A_882 = tpu.vector_load %arg9[%swap3A_880, %swap3A_881] {strides = array<i32>} : memref<8x1728xf32, #tpu.memory_space<vmem>>, vector<16xf32>,
        tpu.vector_store %arg9[%swap3A_880, %swap3A_881], %get3A_879 {strides = array<i32>} : memref<8x1728xf32, #tpu.memory_space<vmem>>, vector<16xf32>,
        %mul3A_883 = arith.constant 26 : i32
        %mul3A_884 = arith.muli %scan3A_164, %mul3A_883 : i32
        %add3A_885 = arith.constant 18 : i32
        %add3A_886 = arith.addi %mul3A_884, %add3A_885 : i32
        %get3A_887 = arith.index_cast %add3A_886 : i32 to index
        %get3A_888 = arith.constant 0 : index
        %get3A_889 = tpu.vector_load %arg7[%get3A_887, %get3A_888] {strides = array<i32>} : memref<208x128xf32, #tpu.memory_space<vmem>>, vector<16xf32>,
        %swap3A_890 = arith.index_cast %scan3A_164 : i32 to index
        %swap3A_891 = arith.constant 1216 : index
        %swap3A_892 = tpu.vector_load %arg9[%swap3A_890, %swap3A_891] {strides = array<i32>} : memref<8x1728xf32, #tpu.memory_space<vmem>>, vector<16xf32>,
        tpu.vector_store %arg9[%swap3A_890, %swap3A_891], %get3A_889 {strides = array<i32>} : memref<8x1728xf32, #tpu.memory_space<vmem>>, vector<16xf32>,
        %mul3A_893 = arith.constant 26 : i32
        %mul3A_894 = arith.muli %scan3A_164, %mul3A_893 : i32
        %add3A_895 = arith.constant 18 : i32
        %add3A_896 = arith.addi %mul3A_894, %add3A_895 : i32
        %get3A_897 = arith.index_cast %add3A_896 : i32 to index
        %get3A_898 = arith.constant 16 : index
        %get3A_899 = tpu.vector_load %arg7[%get3A_897, %get3A_898] {strides = array<i32>} : memref<208x128xf32, #tpu.memory_space<vmem>>, vector<16xf32>,
        %swap3A_900 = arith.index_cast %scan3A_164 : i32 to index
        %swap3A_901 = arith.constant 1232 : index
        %swap3A_902 = tpu.vector_load %arg9[%swap3A_900, %swap3A_901] {strides = array<i32>} : memref<8x1728xf32, #tpu.memory_space<vmem>>, vector<16xf32>,
        tpu.vector_store %arg9[%swap3A_900, %swap3A_901], %get3A_899 {strides = array<i32>} : memref<8x1728xf32, #tpu.memory_space<vmem>>, vector<16xf32>,
        %mul3A_903 = arith.constant 26 : i32
        %mul3A_904 = arith.muli %scan3A_164, %mul3A_903 : i32
        %add3A_905 = arith.constant 18 : i32
        %add3A_906 = arith.addi %mul3A_904, %add3A_905 : i32
        %get3A_907 = arith.index_cast %add3A_906 : i32 to index
        %get3A_908 = arith.constant 32 : index
        %get3A_909 = tpu.vector_load %arg7[%get3A_907, %get3A_908] {strides = array<i32>} : memref<208x128xf32, #tpu.memory_space<vmem>>, vector<16xf32>,
        %swap3A_910 = arith.index_cast %scan3A_164 : i32 to index
        %swap3A_911 = arith.constant 1248 : index
        %swap3A_912 = tpu.vector_load %arg9[%swap3A_910, %swap3A_911] {strides = array<i32>} : memref<8x1728xf32, #tpu.memory_space<vmem>>, vector<16xf32>,
        tpu.vector_store %arg9[%swap3A_910, %swap3A_911], %get3A_909 {strides = array<i32>} : memref<8x1728xf32, #tpu.memory_space<vmem>>, vector<16xf32>,
        %mul3A_913 = arith.constant 26 : i32
        %mul3A_914 = arith.muli %scan3A_164, %mul3A_913 : i32
        %add3A_915 = arith.constant 18 : i32
        %add3A_916 = arith.addi %mul3A_914, %add3A_915 : i32
        %get3A_917 = arith.index_cast %add3A_916 : i32 to index
        %get3A_918 = arith.constant 48 : index
        %get3A_919 = tpu.vector_load %arg7[%get3A_917, %get3A_918] {strides = array<i32>} : memref<208x128xf32, #tpu.memory_space<vmem>>, vector<16xf32>,
        %swap3A_920 = arith.index_cast %scan3A_164 : i32 to index
        %swap3A_921 = arith.constant 1264 : index
        %swap3A_922 = tpu.vector_load %arg9[%swap3A_920, %swap3A_921] {strides = array<i32>} : memref<8x1728xf32, #tpu.memory_space<vmem>>, vector<16xf32>,
        tpu.vector_store %arg9[%swap3A_920, %swap3A_921], %get3A_919 {strides = array<i32>} : memref<8x1728xf32, #tpu.memory_space<vmem>>, vector<16xf32>,
        %mul3A_923 = arith.constant 26 : i32
        %mul3A_924 = arith.muli %scan3A_164, %mul3A_923 : i32
        %add3A_925 = arith.constant 19 : i32
        %add3A_926 = arith.addi %mul3A_924, %add3A_925 : i32
        %get3A_927 = arith.index_cast %add3A_926 : i32 to index
        %get3A_928 = arith.constant 0 : index
        %get3A_929 = tpu.vector_load %arg7[%get3A_927, %get3A_928] {strides = array<i32>} : memref<208x128xf32, #tpu.memory_space<vmem>>, vector<16xf32>,
        %swap3A_930 = arith.index_cast %scan3A_164 : i32 to index
        %swap3A_931 = arith.constant 1280 : index
        %swap3A_932 = tpu.vector_load %arg9[%swap3A_930, %swap3A_931] {strides = array<i32>} : memref<8x1728xf32, #tpu.memory_space<vmem>>, vector<16xf32>,
        tpu.vector_store %arg9[%swap3A_930, %swap3A_931], %get3A_929 {strides = array<i32>} : memref<8x1728xf32, #tpu.memory_space<vmem>>, vector<16xf32>,
        %mul3A_933 = arith.constant 26 : i32
        %mul3A_934 = arith.muli %scan3A_164, %mul3A_933 : i32
        %add3A_935 = arith.constant 19 : i32
        %add3A_936 = arith.addi %mul3A_934, %add3A_935 : i32
        %get3A_937 = arith.index_cast %add3A_936 : i32 to index
        %get3A_938 = arith.constant 16 : index
        %get3A_939 = tpu.vector_load %arg7[%get3A_937, %get3A_938] {strides = array<i32>} : memref<208x128xf32, #tpu.memory_space<vmem>>, vector<16xf32>,
        %swap3A_940 = arith.index_cast %scan3A_164 : i32 to index
        %swap3A_941 = arith.constant 1296 : index
        %swap3A_942 = tpu.vector_load %arg9[%swap3A_940, %swap3A_941] {strides = array<i32>} : memref<8x1728xf32, #tpu.memory_space<vmem>>, vector<16xf32>,
        tpu.vector_store %arg9[%swap3A_940, %swap3A_941], %get3A_939 {strides = array<i32>} : memref<8x1728xf32, #tpu.memory_space<vmem>>, vector<16xf32>,
        %mul3A_943 = arith.constant 26 : i32
        %mul3A_944 = arith.muli %scan3A_164, %mul3A_943 : i32
        %add3A_945 = arith.constant 19 : i32
        %add3A_946 = arith.addi %mul3A_944, %add3A_945 : i32
        %get3A_947 = arith.index_cast %add3A_946 : i32 to index
        %get3A_948 = arith.constant 32 : index
        %get3A_949 = tpu.vector_load %arg7[%get3A_947, %get3A_948] {strides = array<i32>} : memref<208x128xf32, #tpu.memory_space<vmem>>, vector<16xf32>,
        %swap3A_950 = arith.index_cast %scan3A_164 : i32 to index
        %swap3A_951 = arith.constant 1312 : index
        %swap3A_952 = tpu.vector_load %arg9[%swap3A_950, %swap3A_951] {strides = array<i32>} : memref<8x1728xf32, #tpu.memory_space<vmem>>, vector<16xf32>,
        tpu.vector_store %arg9[%swap3A_950, %swap3A_951], %get3A_949 {strides = array<i32>} : memref<8x1728xf32, #tpu.memory_space<vmem>>, vector<16xf32>,
        %mul3A_953 = arith.constant 26 : i32
        %mul3A_954 = arith.muli %scan3A_164, %mul3A_953 : i32
        %add3A_955 = arith.constant 19 : i32
        %add3A_956 = arith.addi %mul3A_954, %add3A_955 : i32
        %get3A_957 = arith.index_cast %add3A_956 : i32 to index
        %get3A_958 = arith.constant 48 : index
        %get3A_959 = tpu.vector_load %arg7[%get3A_957, %get3A_958] {strides = array<i32>} : memref<208x128xf32, #tpu.memory_space<vmem>>, vector<16xf32>,
        %swap3A_960 = arith.index_cast %scan3A_164 : i32 to index
        %swap3A_961 = arith.constant 1328 : index
        %swap3A_962 = tpu.vector_load %arg9[%swap3A_960, %swap3A_961] {strides = array<i32>} : memref<8x1728xf32, #tpu.memory_space<vmem>>, vector<16xf32>,
        tpu.vector_store %arg9[%swap3A_960, %swap3A_961], %get3A_959 {strides = array<i32>} : memref<8x1728xf32, #tpu.memory_space<vmem>>, vector<16xf32>,
        %mul3A_963 = arith.constant 26 : i32
        %mul3A_964 = arith.muli %scan3A_164, %mul3A_963 : i32
        %add3A_965 = arith.constant 20 : i32
        %add3A_966 = arith.addi %mul3A_964, %add3A_965 : i32
        %get3A_967 = arith.index_cast %add3A_966 : i32 to index
        %get3A_968 = arith.constant 0 : index
        %get3A_969 = tpu.vector_load %arg7[%get3A_967, %get3A_968] {strides = array<i32>} : memref<208x128xf32, #tpu.memory_space<vmem>>, vector<16xf32>,
        %swap3A_970 = arith.index_cast %scan3A_164 : i32 to index
        %swap3A_971 = arith.constant 1344 : index
        %swap3A_972 = tpu.vector_load %arg9[%swap3A_970, %swap3A_971] {strides = array<i32>} : memref<8x1728xf32, #tpu.memory_space<vmem>>, vector<16xf32>,
        tpu.vector_store %arg9[%swap3A_970, %swap3A_971], %get3A_969 {strides = array<i32>} : memref<8x1728xf32, #tpu.memory_space<vmem>>, vector<16xf32>,
        %mul3A_973 = arith.constant 26 : i32
        %mul3A_974 = arith.muli %scan3A_164, %mul3A_973 : i32
        %add3A_975 = arith.constant 20 : i32
        %add3A_976 = arith.addi %mul3A_974, %add3A_975 : i32
        %get3A_977 = arith.index_cast %add3A_976 : i32 to index
        %get3A_978 = arith.constant 16 : index
        %get3A_979 = tpu.vector_load %arg7[%get3A_977, %get3A_978] {strides = array<i32>} : memref<208x128xf32, #tpu.memory_space<vmem>>, vector<16xf32>,
        %swap3A_980 = arith.index_cast %scan3A_164 : i32 to index
        %swap3A_981 = arith.constant 1360 : index
        %swap3A_982 = tpu.vector_load %arg9[%swap3A_980, %swap3A_981] {strides = array<i32>} : memref<8x1728xf32, #tpu.memory_space<vmem>>, vector<16xf32>,
        tpu.vector_store %arg9[%swap3A_980, %swap3A_981], %get3A_979 {strides = array<i32>} : memref<8x1728xf32, #tpu.memory_space<vmem>>, vector<16xf32>,
        %mul3A_983 = arith.constant 26 : i32
        %mul3A_984 = arith.muli %scan3A_164, %mul3A_983 : i32
        %add3A_985 = arith.constant 20 : i32
        %add3A_986 = arith.addi %mul3A_984, %add3A_985 : i32
        %get3A_987 = arith.index_cast %add3A_986 : i32 to index
        %get3A_988 = arith.constant 32 : index
        %get3A_989 = tpu.vector_load %arg7[%get3A_987, %get3A_988] {strides = array<i32>} : memref<208x128xf32, #tpu.memory_space<vmem>>, vector<16xf32>,
        %swap3A_990 = arith.index_cast %scan3A_164 : i32 to index
        %swap3A_991 = arith.constant 1376 : index
        %swap3A_992 = tpu.vector_load %arg9[%swap3A_990, %swap3A_991] {strides = array<i32>} : memref<8x1728xf32, #tpu.memory_space<vmem>>, vector<16xf32>,
        tpu.vector_store %arg9[%swap3A_990, %swap3A_991], %get3A_989 {strides = array<i32>} : memref<8x1728xf32, #tpu.memory_space<vmem>>, vector<16xf32>,
        %mul3A_993 = arith.constant 26 : i32
        %mul3A_994 = arith.muli %scan3A_164, %mul3A_993 : i32
        %add3A_995 = arith.constant 20 : i32
        %add3A_996 = arith.addi %mul3A_994, %add3A_995 : i32
        %get3A_997 = arith.index_cast %add3A_996 : i32 to index
        %get3A_998 = arith.constant 48 : index
        %get3A_999 = tpu.vector_load %arg7[%get3A_997, %get3A_998] {strides = array<i32>} : memref<208x128xf32, #tpu.memory_space<vmem>>, vector<16xf32>,
        %swap3A_1000 = arith.index_cast %scan3A_164 : i32 to index
        %swap3A_1001 = arith.constant 1392 : index
        %swap3A_1002 = tpu.vector_load %arg9[%swap3A_1000, %swap3A_1001] {strides = array<i32>} : memref<8x1728xf32, #tpu.memory_space<vmem>>, vector<16xf32>,
        tpu.vector_store %arg9[%swap3A_1000, %swap3A_1001], %get3A_999 {strides = array<i32>} : memref<8x1728xf32, #tpu.memory_space<vmem>>, vector<16xf32>,
        %mul3A_1003 = arith.constant 26 : i32
        %mul3A_1004 = arith.muli %scan3A_164, %mul3A_1003 : i32
        %add3A_1005 = arith.constant 21 : i32
        %add3A_1006 = arith.addi %mul3A_1004, %add3A_1005 : i32
        %get3A_1007 = arith.index_cast %add3A_1006 : i32 to index
        %get3A_1008 = arith.constant 0 : index
        %get3A_1009 = tpu.vector_load %arg7[%get3A_1007, %get3A_1008] {strides = array<i32>} : memref<208x128xf32, #tpu.memory_space<vmem>>, vector<16xf32>,
        %swap3A_1010 = arith.index_cast %scan3A_164 : i32 to index
        %swap3A_1011 = arith.constant 1408 : index
        %swap3A_1012 = tpu.vector_load %arg9[%swap3A_1010, %swap3A_1011] {strides = array<i32>} : memref<8x1728xf32, #tpu.memory_space<vmem>>, vector<16xf32>,
        tpu.vector_store %arg9[%swap3A_1010, %swap3A_1011], %get3A_1009 {strides = array<i32>} : memref<8x1728xf32, #tpu.memory_space<vmem>>, vector<16xf32>,
        %mul3A_1013 = arith.constant 26 : i32
        %mul3A_1014 = arith.muli %scan3A_164, %mul3A_1013 : i32
        %add3A_1015 = arith.constant 21 : i32
        %add3A_1016 = arith.addi %mul3A_1014, %add3A_1015 : i32
        %get3A_1017 = arith.index_cast %add3A_1016 : i32 to index
        %get3A_1018 = arith.constant 16 : index
        %get3A_1019 = tpu.vector_load %arg7[%get3A_1017, %get3A_1018] {strides = array<i32>} : memref<208x128xf32, #tpu.memory_space<vmem>>, vector<16xf32>,
        %swap3A_1020 = arith.index_cast %scan3A_164 : i32 to index
        %swap3A_1021 = arith.constant 1424 : index
        %swap3A_1022 = tpu.vector_load %arg9[%swap3A_1020, %swap3A_1021] {strides = array<i32>} : memref<8x1728xf32, #tpu.memory_space<vmem>>, vector<16xf32>,
        tpu.vector_store %arg9[%swap3A_1020, %swap3A_1021], %get3A_1019 {strides = array<i32>} : memref<8x1728xf32, #tpu.memory_space<vmem>>, vector<16xf32>,
        %mul3A_1023 = arith.constant 26 : i32
        %mul3A_1024 = arith.muli %scan3A_164, %mul3A_1023 : i32
        %add3A_1025 = arith.constant 21 : i32
        %add3A_1026 = arith.addi %mul3A_1024, %add3A_1025 : i32
        %get3A_1027 = arith.index_cast %add3A_1026 : i32 to index
        %get3A_1028 = arith.constant 32 : index
        %get3A_1029 = tpu.vector_load %arg7[%get3A_1027, %get3A_1028] {strides = array<i32>} : memref<208x128xf32, #tpu.memory_space<vmem>>, vector<16xf32>,
        %swap3A_1030 = arith.index_cast %scan3A_164 : i32 to index
        %swap3A_1031 = arith.constant 1440 : index
        %swap3A_1032 = tpu.vector_load %arg9[%swap3A_1030, %swap3A_1031] {strides = array<i32>} : memref<8x1728xf32, #tpu.memory_space<vmem>>, vector<16xf32>,
        tpu.vector_store %arg9[%swap3A_1030, %swap3A_1031], %get3A_1029 {strides = array<i32>} : memref<8x1728xf32, #tpu.memory_space<vmem>>, vector<16xf32>,
        %mul3A_1033 = arith.constant 26 : i32
        %mul3A_1034 = arith.muli %scan3A_164, %mul3A_1033 : i32
        %add3A_1035 = arith.constant 21 : i32
        %add3A_1036 = arith.addi %mul3A_1034, %add3A_1035 : i32
        %get3A_1037 = arith.index_cast %add3A_1036 : i32 to index
        %get3A_1038 = arith.constant 48 : index
        %get3A_1039 = tpu.vector_load %arg7[%get3A_1037, %get3A_1038] {strides = array<i32>} : memref<208x128xf32, #tpu.memory_space<vmem>>, vector<16xf32>,
        %swap3A_1040 = arith.index_cast %scan3A_164 : i32 to index
        %swap3A_1041 = arith.constant 1456 : index
        %swap3A_1042 = tpu.vector_load %arg9[%swap3A_1040, %swap3A_1041] {strides = array<i32>} : memref<8x1728xf32, #tpu.memory_space<vmem>>, vector<16xf32>,
        tpu.vector_store %arg9[%swap3A_1040, %swap3A_1041], %get3A_1039 {strides = array<i32>} : memref<8x1728xf32, #tpu.memory_space<vmem>>, vector<16xf32>,
        %mul3A_1043 = arith.constant 26 : i32
        %mul3A_1044 = arith.muli %scan3A_164, %mul3A_1043 : i32
        %add3A_1045 = arith.constant 22 : i32
        %add3A_1046 = arith.addi %mul3A_1044, %add3A_1045 : i32
        %get3A_1047 = arith.index_cast %add3A_1046 : i32 to index
        %get3A_1048 = arith.constant 0 : index
        %get3A_1049 = tpu.vector_load %arg7[%get3A_1047, %get3A_1048] {strides = array<i32>} : memref<208x128xf32, #tpu.memory_space<vmem>>, vector<16xf32>,
        %swap3A_1050 = arith.index_cast %scan3A_164 : i32 to index
        %swap3A_1051 = arith.constant 1472 : index
        %swap3A_1052 = tpu.vector_load %arg9[%swap3A_1050, %swap3A_1051] {strides = array<i32>} : memref<8x1728xf32, #tpu.memory_space<vmem>>, vector<16xf32>,
        tpu.vector_store %arg9[%swap3A_1050, %swap3A_1051], %get3A_1049 {strides = array<i32>} : memref<8x1728xf32, #tpu.memory_space<vmem>>, vector<16xf32>,
        %mul3A_1053 = arith.constant 26 : i32
        %mul3A_1054 = arith.muli %scan3A_164, %mul3A_1053 : i32
        %add3A_1055 = arith.constant 22 : i32
        %add3A_1056 = arith.addi %mul3A_1054, %add3A_1055 : i32
        %get3A_1057 = arith.index_cast %add3A_1056 : i32 to index
        %get3A_1058 = arith.constant 16 : index
        %get3A_1059 = tpu.vector_load %arg7[%get3A_1057, %get3A_1058] {strides = array<i32>} : memref<208x128xf32, #tpu.memory_space<vmem>>, vector<16xf32>,
        %swap3A_1060 = arith.index_cast %scan3A_164 : i32 to index
        %swap3A_1061 = arith.constant 1488 : index
        %swap3A_1062 = tpu.vector_load %arg9[%swap3A_1060, %swap3A_1061] {strides = array<i32>} : memref<8x1728xf32, #tpu.memory_space<vmem>>, vector<16xf32>,
        tpu.vector_store %arg9[%swap3A_1060, %swap3A_1061], %get3A_1059 {strides = array<i32>} : memref<8x1728xf32, #tpu.memory_space<vmem>>, vector<16xf32>,
        %mul3A_1063 = arith.constant 26 : i32
        %mul3A_1064 = arith.muli %scan3A_164, %mul3A_1063 : i32
        %add3A_1065 = arith.constant 22 : i32
        %add3A_1066 = arith.addi %mul3A_1064, %add3A_1065 : i32
        %get3A_1067 = arith.index_cast %add3A_1066 : i32 to index
        %get3A_1068 = arith.constant 32 : index
        %get3A_1069 = tpu.vector_load %arg7[%get3A_1067, %get3A_1068] {strides = array<i32>} : memref<208x128xf32, #tpu.memory_space<vmem>>, vector<16xf32>,
        %swap3A_1070 = arith.index_cast %scan3A_164 : i32 to index
        %swap3A_1071 = arith.constant 1504 : index
        %swap3A_1072 = tpu.vector_load %arg9[%swap3A_1070, %swap3A_1071] {strides = array<i32>} : memref<8x1728xf32, #tpu.memory_space<vmem>>, vector<16xf32>,
        tpu.vector_store %arg9[%swap3A_1070, %swap3A_1071], %get3A_1069 {strides = array<i32>} : memref<8x1728xf32, #tpu.memory_space<vmem>>, vector<16xf32>,
        %mul3A_1073 = arith.constant 26 : i32
        %mul3A_1074 = arith.muli %scan3A_164, %mul3A_1073 : i32
        %add3A_1075 = arith.constant 22 : i32
        %add3A_1076 = arith.addi %mul3A_1074, %add3A_1075 : i32
        %get3A_1077 = arith.index_cast %add3A_1076 : i32 to index
        %get3A_1078 = arith.constant 48 : index
        %get3A_1079 = tpu.vector_load %arg7[%get3A_1077, %get3A_1078] {strides = array<i32>} : memref<208x128xf32, #tpu.memory_space<vmem>>, vector<16xf32>,
        %swap3A_1080 = arith.index_cast %scan3A_164 : i32 to index
        %swap3A_1081 = arith.constant 1520 : index
        %swap3A_1082 = tpu.vector_load %arg9[%swap3A_1080, %swap3A_1081] {strides = array<i32>} : memref<8x1728xf32, #tpu.memory_space<vmem>>, vector<16xf32>,
        tpu.vector_store %arg9[%swap3A_1080, %swap3A_1081], %get3A_1079 {strides = array<i32>} : memref<8x1728xf32, #tpu.memory_space<vmem>>, vector<16xf32>,
        %mul3A_1083 = arith.constant 26 : i32
        %mul3A_1084 = arith.muli %scan3A_164, %mul3A_1083 : i32
        %add3A_1085 = arith.constant 23 : i32
        %add3A_1086 = arith.addi %mul3A_1084, %add3A_1085 : i32
        %get3A_1087 = arith.index_cast %add3A_1086 : i32 to index
        %get3A_1088 = arith.constant 0 : index
        %get3A_1089 = tpu.vector_load %arg7[%get3A_1087, %get3A_1088] {strides = array<i32>} : memref<208x128xf32, #tpu.memory_space<vmem>>, vector<16xf32>,
        %swap3A_1090 = arith.index_cast %scan3A_164 : i32 to index
        %swap3A_1091 = arith.constant 1536 : index
        %swap3A_1092 = tpu.vector_load %arg9[%swap3A_1090, %swap3A_1091] {strides = array<i32>} : memref<8x1728xf32, #tpu.memory_space<vmem>>, vector<16xf32>,
        tpu.vector_store %arg9[%swap3A_1090, %swap3A_1091], %get3A_1089 {strides = array<i32>} : memref<8x1728xf32, #tpu.memory_space<vmem>>, vector<16xf32>,
        %mul3A_1093 = arith.constant 26 : i32
        %mul3A_1094 = arith.muli %scan3A_164, %mul3A_1093 : i32
        %add3A_1095 = arith.constant 23 : i32
        %add3A_1096 = arith.addi %mul3A_1094, %add3A_1095 : i32
        %get3A_1097 = arith.index_cast %add3A_1096 : i32 to index
        %get3A_1098 = arith.constant 16 : index
        %get3A_1099 = tpu.vector_load %arg7[%get3A_1097, %get3A_1098] {strides = array<i32>} : memref<208x128xf32, #tpu.memory_space<vmem>>, vector<16xf32>,
        %swap3A_1100 = arith.index_cast %scan3A_164 : i32 to index
        %swap3A_1101 = arith.constant 1552 : index
        %swap3A_1102 = tpu.vector_load %arg9[%swap3A_1100, %swap3A_1101] {strides = array<i32>} : memref<8x1728xf32, #tpu.memory_space<vmem>>, vector<16xf32>,
        tpu.vector_store %arg9[%swap3A_1100, %swap3A_1101], %get3A_1099 {strides = array<i32>} : memref<8x1728xf32, #tpu.memory_space<vmem>>, vector<16xf32>,
        %mul3A_1103 = arith.constant 26 : i32
        %mul3A_1104 = arith.muli %scan3A_164, %mul3A_1103 : i32
        %add3A_1105 = arith.constant 23 : i32
        %add3A_1106 = arith.addi %mul3A_1104, %add3A_1105 : i32
        %get3A_1107 = arith.index_cast %add3A_1106 : i32 to index
        %get3A_1108 = arith.constant 32 : index
        %get3A_1109 = tpu.vector_load %arg7[%get3A_1107, %get3A_1108] {strides = array<i32>} : memref<208x128xf32, #tpu.memory_space<vmem>>, vector<16xf32>,
        %swap3A_1110 = arith.index_cast %scan3A_164 : i32 to index
        %swap3A_1111 = arith.constant 1568 : index
        %swap3A_1112 = tpu.vector_load %arg9[%swap3A_1110, %swap3A_1111] {strides = array<i32>} : memref<8x1728xf32, #tpu.memory_space<vmem>>, vector<16xf32>,
        tpu.vector_store %arg9[%swap3A_1110, %swap3A_1111], %get3A_1109 {strides = array<i32>} : memref<8x1728xf32, #tpu.memory_space<vmem>>, vector<16xf32>,
        %mul3A_1113 = arith.constant 26 : i32
        %mul3A_1114 = arith.muli %scan3A_164, %mul3A_1113 : i32
        %add3A_1115 = arith.constant 23 : i32
        %add3A_1116 = arith.addi %mul3A_1114, %add3A_1115 : i32
        %get3A_1117 = arith.index_cast %add3A_1116 : i32 to index
        %get3A_1118 = arith.constant 48 : index
        %get3A_1119 = tpu.vector_load %arg7[%get3A_1117, %get3A_1118] {strides = array<i32>} : memref<208x128xf32, #tpu.memory_space<vmem>>, vector<16xf32>,
        %swap3A_1120 = arith.index_cast %scan3A_164 : i32 to index
        %swap3A_1121 = arith.constant 1584 : index
        %swap3A_1122 = tpu.vector_load %arg9[%swap3A_1120, %swap3A_1121] {strides = array<i32>} : memref<8x1728xf32, #tpu.memory_space<vmem>>, vector<16xf32>,
        tpu.vector_store %arg9[%swap3A_1120, %swap3A_1121], %get3A_1119 {strides = array<i32>} : memref<8x1728xf32, #tpu.memory_space<vmem>>, vector<16xf32>,
        %mul3A_1123 = arith.constant 26 : i32
        %mul3A_1124 = arith.muli %scan3A_164, %mul3A_1123 : i32
        %add3A_1125 = arith.constant 24 : i32
        %add3A_1126 = arith.addi %mul3A_1124, %add3A_1125 : i32
        %get3A_1127 = arith.index_cast %add3A_1126 : i32 to index
        %get3A_1128 = arith.constant 0 : index
        %get3A_1129 = tpu.vector_load %arg7[%get3A_1127, %get3A_1128] {strides = array<i32>} : memref<208x128xf32, #tpu.memory_space<vmem>>, vector<16xf32>,
        %swap3A_1130 = arith.index_cast %scan3A_164 : i32 to index
        %swap3A_1131 = arith.constant 1600 : index
        %swap3A_1132 = tpu.vector_load %arg9[%swap3A_1130, %swap3A_1131] {strides = array<i32>} : memref<8x1728xf32, #tpu.memory_space<vmem>>, vector<16xf32>,
        tpu.vector_store %arg9[%swap3A_1130, %swap3A_1131], %get3A_1129 {strides = array<i32>} : memref<8x1728xf32, #tpu.memory_space<vmem>>, vector<16xf32>,
        %mul3A_1133 = arith.constant 26 : i32
        %mul3A_1134 = arith.muli %scan3A_164, %mul3A_1133 : i32
        %add3A_1135 = arith.constant 24 : i32
        %add3A_1136 = arith.addi %mul3A_1134, %add3A_1135 : i32
        %get3A_1137 = arith.index_cast %add3A_1136 : i32 to index
        %get3A_1138 = arith.constant 16 : index
        %get3A_1139 = tpu.vector_load %arg7[%get3A_1137, %get3A_1138] {strides = array<i32>} : memref<208x128xf32, #tpu.memory_space<vmem>>, vector<16xf32>,
        %swap3A_1140 = arith.index_cast %scan3A_164 : i32 to index
        %swap3A_1141 = arith.constant 1616 : index
        %swap3A_1142 = tpu.vector_load %arg9[%swap3A_1140, %swap3A_1141] {strides = array<i32>} : memref<8x1728xf32, #tpu.memory_space<vmem>>, vector<16xf32>,
        tpu.vector_store %arg9[%swap3A_1140, %swap3A_1141], %get3A_1139 {strides = array<i32>} : memref<8x1728xf32, #tpu.memory_space<vmem>>, vector<16xf32>,
        %mul3A_1143 = arith.constant 26 : i32
        %mul3A_1144 = arith.muli %scan3A_164, %mul3A_1143 : i32
        %add3A_1145 = arith.constant 24 : i32
        %add3A_1146 = arith.addi %mul3A_1144, %add3A_1145 : i32
        %get3A_1147 = arith.index_cast %add3A_1146 : i32 to index
        %get3A_1148 = arith.constant 32 : index
        %get3A_1149 = tpu.vector_load %arg7[%get3A_1147, %get3A_1148] {strides = array<i32>} : memref<208x128xf32, #tpu.memory_space<vmem>>, vector<16xf32>,
        %swap3A_1150 = arith.index_cast %scan3A_164 : i32 to index
        %swap3A_1151 = arith.constant 1632 : index
        %swap3A_1152 = tpu.vector_load %arg9[%swap3A_1150, %swap3A_1151] {strides = array<i32>} : memref<8x1728xf32, #tpu.memory_space<vmem>>, vector<16xf32>,
        tpu.vector_store %arg9[%swap3A_1150, %swap3A_1151], %get3A_1149 {strides = array<i32>} : memref<8x1728xf32, #tpu.memory_space<vmem>>, vector<16xf32>,
        %mul3A_1153 = arith.constant 26 : i32
        %mul3A_1154 = arith.muli %scan3A_164, %mul3A_1153 : i32
        %add3A_1155 = arith.constant 24 : i32
        %add3A_1156 = arith.addi %mul3A_1154, %add3A_1155 : i32
        %get3A_1157 = arith.index_cast %add3A_1156 : i32 to index
        %get3A_1158 = arith.constant 48 : index
        %get3A_1159 = tpu.vector_load %arg7[%get3A_1157, %get3A_1158] {strides = array<i32>} : memref<208x128xf32, #tpu.memory_space<vmem>>, vector<16xf32>,
        %swap3A_1160 = arith.index_cast %scan3A_164 : i32 to index
        %swap3A_1161 = arith.constant 1648 : index
        %swap3A_1162 = tpu.vector_load %arg9[%swap3A_1160, %swap3A_1161] {strides = array<i32>} : memref<8x1728xf32, #tpu.memory_space<vmem>>, vector<16xf32>,
        tpu.vector_store %arg9[%swap3A_1160, %swap3A_1161], %get3A_1159 {strides = array<i32>} : memref<8x1728xf32, #tpu.memory_space<vmem>>, vector<16xf32>,
        %mul3A_1163 = arith.constant 26 : i32
        %mul3A_1164 = arith.muli %scan3A_164, %mul3A_1163 : i32
        %add3A_1165 = arith.constant 25 : i32
        %add3A_1166 = arith.addi %mul3A_1164, %add3A_1165 : i32
        %get3A_1167 = arith.index_cast %add3A_1166 : i32 to index
        %get3A_1168 = arith.constant 0 : index
        %get3A_1169 = tpu.vector_load %arg7[%get3A_1167, %get3A_1168] {strides = array<i32>} : memref<208x128xf32, #tpu.memory_space<vmem>>, vector<16xf32>,
        %swap3A_1170 = arith.index_cast %scan3A_164 : i32 to index
        %swap3A_1171 = arith.constant 1664 : index
        %swap3A_1172 = tpu.vector_load %arg9[%swap3A_1170, %swap3A_1171] {strides = array<i32>} : memref<8x1728xf32, #tpu.memory_space<vmem>>, vector<16xf32>,
        tpu.vector_store %arg9[%swap3A_1170, %swap3A_1171], %get3A_1169 {strides = array<i32>} : memref<8x1728xf32, #tpu.memory_space<vmem>>, vector<16xf32>,
        %mul3A_1173 = arith.constant 26 : i32
        %mul3A_1174 = arith.muli %scan3A_164, %mul3A_1173 : i32
        %add3A_1175 = arith.constant 25 : i32
        %add3A_1176 = arith.addi %mul3A_1174, %add3A_1175 : i32
        %get3A_1177 = arith.index_cast %add3A_1176 : i32 to index
        %get3A_1178 = arith.constant 16 : index
        %get3A_1179 = tpu.vector_load %arg7[%get3A_1177, %get3A_1178] {strides = array<i32>} : memref<208x128xf32, #tpu.memory_space<vmem>>, vector<16xf32>,
        %swap3A_1180 = arith.index_cast %scan3A_164 : i32 to index
        %swap3A_1181 = arith.constant 1680 : index
        %swap3A_1182 = tpu.vector_load %arg9[%swap3A_1180, %swap3A_1181] {strides = array<i32>} : memref<8x1728xf32, #tpu.memory_space<vmem>>, vector<16xf32>,
        tpu.vector_store %arg9[%swap3A_1180, %swap3A_1181], %get3A_1179 {strides = array<i32>} : memref<8x1728xf32, #tpu.memory_space<vmem>>, vector<16xf32>,
        %mul3A_1183 = arith.constant 26 : i32
        %mul3A_1184 = arith.muli %scan3A_164, %mul3A_1183 : i32
        %add3A_1185 = arith.constant 25 : i32
        %add3A_1186 = arith.addi %mul3A_1184, %add3A_1185 : i32
        %get3A_1187 = arith.index_cast %add3A_1186 : i32 to index
        %get3A_1188 = arith.constant 32 : index
        %get3A_1189 = tpu.vector_load %arg7[%get3A_1187, %get3A_1188] {strides = array<i32>} : memref<208x128xf32, #tpu.memory_space<vmem>>, vector<16xf32>,
        %swap3A_1190 = arith.index_cast %scan3A_164 : i32 to index
        %swap3A_1191 = arith.constant 1696 : index
        %swap3A_1192 = tpu.vector_load %arg9[%swap3A_1190, %swap3A_1191] {strides = array<i32>} : memref<8x1728xf32, #tpu.memory_space<vmem>>, vector<16xf32>,
        tpu.vector_store %arg9[%swap3A_1190, %swap3A_1191], %get3A_1189 {strides = array<i32>} : memref<8x1728xf32, #tpu.memory_space<vmem>>, vector<16xf32>,
        %mul3A_1193 = arith.constant 26 : i32
        %mul3A_1194 = arith.muli %scan3A_164, %mul3A_1193 : i32
        %add3A_1195 = arith.constant 25 : i32
        %add3A_1196 = arith.addi %mul3A_1194, %add3A_1195 : i32
        %get3A_1197 = arith.index_cast %add3A_1196 : i32 to index
        %get3A_1198 = arith.constant 48 : index
        %get3A_1199 = tpu.vector_load %arg7[%get3A_1197, %get3A_1198] {strides = array<i32>} : memref<208x128xf32, #tpu.memory_space<vmem>>, vector<16xf32>,
        %swap3A_1200 = arith.index_cast %scan3A_164 : i32 to index
        %swap3A_1201 = arith.constant 1712 : index
        %swap3A_1202 = tpu.vector_load %arg9[%swap3A_1200, %swap3A_1201] {strides = array<i32>} : memref<8x1728xf32, #tpu.memory_space<vmem>>, vector<16xf32>,
        tpu.vector_store %arg9[%swap3A_1200, %swap3A_1201], %get3A_1199 {strides = array<i32>} : memref<8x1728xf32, #tpu.memory_space<vmem>>, vector<16xf32>,
      }
      %scan3A_149 = arith.constant 8 : i32
      %mul3A_150 = arith.constant 8 : i32
      %mul3A_151 = arith.muli %add3A_116, %mul3A_150 : i32
      %add3A_152 = arith.addi %mul3A_2, %mul3A_151 : i32
      %dma_start3A_153 = arith.constant 0 : i32
      %dma_start3A_154 = tpu.memref_slice %arg4[%add3A_152, %dma_start3A_153] : memref<16384x1728xf32, #tpu.memory_space<hbm>> -> memref<8x1728xf32, #tpu.memory_space<hbm>>
      %dma_start3A_155 = arith.constant 0 : i32
      %dma_start3A_156 = tpu.memref_slice %arg4[%add3A_152, %dma_start3A_155] : memref<16384x1728xf32, #tpu.memory_space<hbm>> -> memref<8x1728xf32, #tpu.memory_space<hbm>>
      tpu.enqueue_dma source(%arg9 : memref<8x1728xf32, #tpu.memory_space<vmem>>) target(%dma_start3A_156 : memref<8x1728xf32, #tpu.memory_space<hbm>>) target_semaphore(%arg13 : memref<!tpu.dma_semaphore, #tpu.memory_space<semaphore_mem>>)
      %add3A_157 = arith.constant 2 : i32
      %add3A_158 = arith.addi %add3A_116, %add3A_157 : i32
      %lt3A_159 = arith.constant 64 : i32
      %lt3A_160 = arith.cmpi slt, %add3A_158, %lt3A_159 : i32
      %convert_element_type3A_161 = arith.extui %lt3A_160 : i1 to i32
      %cond3A_162 = arith.constant 0 : i32
      %cond3A_163 = arith.cmpi ne, %convert_element_type3A_161, %cond3A_162 : i32
      scf.if %cond3A_163 {
        %add3A_164 = arith.constant 2 : i32
        %add3A_165 = arith.addi %add3A_116, %add3A_164 : i32
        %mul3A_166 = arith.constant 208 : i32
        %mul3A_167 = arith.muli %add3A_165, %mul3A_166 : i32
        %dma_start3A_168 = arith.constant 0 : i32
        %dma_start3A_169 = arith.constant 0 : i32
        %dma_start3A_170 = tpu.memref_slice %arg7[%dma_start3A_168, %dma_start3A_169] : memref<208x128xf32, #tpu.memory_space<vmem>> -> memref<104x128xf32, #tpu.memory_space<vmem>>
        %dma_start3A_171 = tpu.memref_slice %arg5[%mul3A_167] : memref<13312xi32, #tpu.memory_space<vmem>> -> memref<104xi32, #tpu.memory_space<vmem>>
        %dma_start3A_172 = arith.constant 0 : i32
        %dma_start3A_173 = arith.constant 0 : i32
        %dma_start3A_174 = tpu.memref_slice %arg2[%dma_start3A_172, %dma_start3A_173] : memref<100000x128xf32, #tpu.memory_space<hbm>> -> memref<100000x128xf32, #tpu.memory_space<hbm>>
        tpu.enqueue_indirect_dma source(%dma_start3A_174 : memref<100000x128xf32, #tpu.memory_space<hbm>>) target(%dma_start3A_170 : memref<104x128xf32, #tpu.memory_space<vmem>>) offsets(%dma_start3A_171 : memref<104xi32, #tpu.memory_space<vmem>>) semaphore(%arg11 : memref<!tpu.dma_semaphore, #tpu.memory_space<semaphore_mem>>)
        %mul3A_175 = arith.constant 208 : i32
        %mul3A_176 = arith.muli %add3A_165, %mul3A_175 : i32
        %add3A_177 = arith.constant 104 : i32
        %add3A_178 = arith.addi %mul3A_176, %add3A_177 : i32
        %dma_start3A_179 = arith.constant 104 : i32
        %dma_start3A_180 = arith.constant 0 : i32
        %dma_start3A_181 = tpu.memref_slice %arg7[%dma_start3A_179, %dma_start3A_180] : memref<208x128xf32, #tpu.memory_space<vmem>> -> memref<104x128xf32, #tpu.memory_space<vmem>>
        %dma_start3A_182 = tpu.memref_slice %arg5[%add3A_178] : memref<13312xi32, #tpu.memory_space<vmem>> -> memref<104xi32, #tpu.memory_space<vmem>>
        %dma_start3A_183 = arith.constant 0 : i32
        %dma_start3A_184 = arith.constant 0 : i32
        %dma_start3A_185 = tpu.memref_slice %arg2[%dma_start3A_183, %dma_start3A_184] : memref<100000x128xf32, #tpu.memory_space<hbm>> -> memref<100000x128xf32, #tpu.memory_space<hbm>>
        tpu.enqueue_indirect_dma source(%dma_start3A_185 : memref<100000x128xf32, #tpu.memory_space<hbm>>) target(%dma_start3A_181 : memref<104x128xf32, #tpu.memory_space<vmem>>) offsets(%dma_start3A_182 : memref<104xi32, #tpu.memory_space<vmem>>) semaphore(%arg11 : memref<!tpu.dma_semaphore, #tpu.memory_space<semaphore_mem>>)
      } else {
      }
    }
    %scan3A_52 = arith.constant 32 : i32
    %add3A_53 = arith.constant 496 : i32
    %add3A_54 = arith.addi %mul3A_2, %add3A_53 : i32
    %dma_wait3A = arith.constant 0 : i32
    %dma_wait3A_55 = tpu.memref_slice %arg4[%add3A_54, %dma_wait3A] : memref<16384x1728xf32, #tpu.memory_space<hbm>> -> memref<8x1728xf32, #tpu.memory_space<hbm>>
    %dma_wait3A_56 = arith.constant 0 : i32
    %dma_wait3A_57 = tpu.memref_slice %arg4[%add3A_54, %dma_wait3A_56] : memref<16384x1728xf32, #tpu.memory_space<hbm>> -> memref<8x1728xf32, #tpu.memory_space<hbm>>
    tpu.wait_dma2 semaphore(%arg12 : memref<!tpu.dma_semaphore, #tpu.memory_space<semaphore_mem>>) src(%arg8 : memref<8x1728xf32, #tpu.memory_space<vmem>>) dst(%dma_wait3A_57 : memref<8x1728xf32, #tpu.memory_space<hbm>>)
    %add3A_58 = arith.constant 504 : i32
    %add3A_59 = arith.addi %mul3A_2, %add3A_58 : i32
    %dma_wait3A_60 = arith.constant 0 : i32
    %dma_wait3A_61 = tpu.memref_slice %arg4[%add3A_59, %dma_wait3A_60] : memref<16384x1728xf32, #tpu.memory_space<hbm>> -> memref<8x1728xf32, #tpu.memory_space<hbm>>
    %dma_wait3A_62 = arith.constant 0 : i32
    %dma_wait3A_63 = tpu.memref_slice %arg4[%add3A_59, %dma_wait3A_62] : memref<16384x1728xf32, #tpu.memory_space<hbm>> -> memref<8x1728xf32, #tpu.memory_space<hbm>>
    tpu.wait_dma2 semaphore(%arg13 : memref<!tpu.dma_semaphore, #tpu.memory_space<semaphore_mem>>) src(%arg9 : memref<8x1728xf32, #tpu.memory_space<vmem>>) dst(%dma_wait3A_63 : memref<8x1728xf32, #tpu.memory_space<hbm>>)
    return
  }
}

module attributes {stable_mosaic.version = 14 : i64} {
  func.func @body(%arg0: i32, %arg1: memref<2048x13xf32, #tpu.memory_space<vmem>>, %arg2: memref<13x64xf32, #tpu.memory_space<vmem>>, %arg3: memref<1x64xf32, #tpu.memory_space<vmem>>, %arg4: memref<2048x128xf32, #tpu.memory_space<vmem>>, %arg5: memref<2048x128xf32, #tpu.memory_space<vmem>>) attributes {dimension_semantics = [#tpu.dimension_semantics<arbitrary>], iteration_bounds = array<i64: 8>, scalar_prefetch = 0 : i64, scratch_operands = 0 : i64, tpu.core_type = #tpu.core_type<tc>, window_params = [{transform_indices = @transform_0, window_bounds = array<i64: 2048, 13>}, {pipeline_mode = #tpu.pipeline_mode<synchronous>, transform_indices = @transform_1, window_bounds = array<i64: 13, 64>}, {pipeline_mode = #tpu.pipeline_mode<synchronous>, transform_indices = @transform_2, window_bounds = array<i64: 1, 64>}, {transform_indices = @transform_3, window_bounds = array<i64: 2048, 128>}, {transform_indices = @transform_4, window_bounds = array<i64: 2048, 128>}]} {
    %get3A = arith.constant 0 : index
    %get3A_0 = arith.constant 0 : index
    %get3A_1 = vector.load %arg1[%get3A, %get3A_0] : memref<2048x13xf32, #tpu.memory_space<vmem>>, vector<2048x13xf32>
    %get3A_2 = arith.constant 0 : index
    %get3A_3 = arith.constant 0 : index
    %get3A_4 = vector.load %arg2[%get3A_2, %get3A_3] : memref<13x64xf32, #tpu.memory_space<vmem>>, vector<13x64xf32>
    %dot_general3A = arith.constant dense<0.000000e+00> : vector<2048x64xf32>
    %dot_general3A_5 = tpu.matmul %get3A_1, %get3A_4, %dot_general3A {dimension_numbers = #tpu.dot_dimension_numbers<[1], [0], [0], [1], [0, 0, 1, 1], [], []>, transpose_lhs_hint = false} : vector<2048x13xf32>, vector<13x64xf32>, vector<2048x64xf32> -> vector<2048x64xf32>
    %get3A_6 = arith.constant 0 : index
    %get3A_7 = arith.constant 0 : index
    %get3A_8 = vector.load %arg3[%get3A_6, %get3A_7] : memref<1x64xf32, #tpu.memory_space<vmem>>, vector<1x64xf32>
    %add3A = vector.broadcast %get3A_8 : vector<1x64xf32> to vector<2048x64xf32>
    %add3A_9 = arith.addf %dot_general3A_5, %add3A : vector<2048x64xf32>
    %get3A_10 = arith.constant 0 : index
    %get3A_11 = arith.constant 64 : index
    %get3A_12 = vector.load %arg4[%get3A_10, %get3A_11] : memref<2048x128xf32, #tpu.memory_space<vmem>>, vector<2048x64xf32>
    %concatenate3A = tpu.concatenate %add3A_9, %get3A_12 in 1 : vector<2048x64xf32>, vector<2048x64xf32> -> vector<2048x128xf32>
    %swap3A = arith.constant 0 : index
    %swap3A_13 = arith.constant 0 : index
    %swap3A_14 = vector.load %arg5[%swap3A, %swap3A_13] : memref<2048x128xf32, #tpu.memory_space<vmem>>, vector<2048x128xf32>
    tpu.vector_store %arg5[%swap3A, %swap3A_13], %concatenate3A {strides = array<i32>} : memref<2048x128xf32, #tpu.memory_space<vmem>>, vector<2048x128xf32>,
    return
  }
  func.func @transform_0(%arg0: i32) -> (i32, i32) {
    %c0_i32 = arith.constant 0 : i32
    %c0_i32_0 = arith.constant 0 : i32
    return %arg0, %c0_i32 : i32, i32
  }
  func.func @transform_1(%arg0: i32) -> (i32, i32) {
    %c0_i32 = arith.constant 0 : i32
    %c0_i32_0 = arith.constant 0 : i32
    %c0_i32_1 = arith.constant 0 : i32
    return %c0_i32, %c0_i32_0 : i32, i32
  }
  func.func @transform_2(%arg0: i32) -> (i32, i32) {
    %c0_i32 = arith.constant 0 : i32
    %c0_i32_0 = arith.constant 0 : i32
    %c0_i32_1 = arith.constant 0 : i32
    return %c0_i32, %c0_i32_0 : i32, i32
  }
  func.func @transform_3(%arg0: i32) -> (i32, i32) {
    %c0_i32 = arith.constant 0 : i32
    %c0_i32_0 = arith.constant 0 : i32
    return %arg0, %c0_i32 : i32, i32
  }
  func.func @transform_4(%arg0: i32) -> (i32, i32) {
    %c0_i32 = arith.constant 0 : i32
    %c0_i32_0 = arith.constant 0 : i32
    return %arg0, %c0_i32 : i32, i32
  }
}

</mosaic_0001>

<sc_bundles>
// kernel: kernel.4.cloned.1.call-start
scs
__scs_entry_jumppad:
0x0: {  	(pc) =	sbr.rel $0x88, $3  }
0x1: {  	(tag) =	ssettag $0x0;
	lr =	simm.s32 $0x1  }
0x2: {  	[smem:$0x3F9C] =	sst lr;
	_ =	strace $0xD0000000  }
0x3: {  	_ = 	snop  }
0x4: {  	_ = 	snop  }
0x5: {  	_ = 	snop  }
0x6: {  	_ = 	snop  }
0x7: {  	_ = 	snop  }
__scs_overlays_trampoline_lowered:
0x8: {  	[smem:$0x3FAB] =	sst s0  }
0x9: {  	[smem:$0x3FAC] =	sst s1  }
0xa: {  	[smem:$0x3FAD] =	sst s2  }
0xb: {  	[smem:$0x3FAE] =	sst s3  }
0xc: {  	[smem:$0x3FAF] =	sst s4  }
0xd: {  	[smem:$0x3FB0] =	sst s5  }
0xe: {  	[smem:$0x3FB1] =	sst s6  }
0xf: {  	[smem:$0x3FB2] =	sst s7  }
0x10: {  	[smem:$0x3FB3] =	sst s8  }
0x11: {  	[smem:$0x3FB4] =	sst s9;
	s0 =	simm.s32 @!p0 $0x0  }
0x12: {  	s1 =	sld [smem:$0x3F9A];
	s0 =	simm.s32 @p0 $0x1  }
0x13: {  	[smem:$0x3FB5] =	sst s0;
	s0 =	simm.s32 @!p1 $0x0  }
0x14: {  	s2 =	sld [smem:$0x3F99];
	s0 =	simm.s32 @p1 $0x1  }
0x15: {  	[smem:$0x3FB6] =	sst s0;
	s0 =	simm.s32 @!p2 $0x0  }
0x16: {  	s3 =	sld [smem:$0x3FDB];
	s0 =	simm.s32 @p2 $0x1  }
0x17: {  	s4 =	simm.s32 $0x1BF5;
	[smem:$0x3FB8] =	sst s0  }
0x18: {  	s0 =	sld [smem:$0x3F9B];
	_ =	swait.ge [sflag:s4], $0x0  }
0x19: {  	s7 =	sld [smem:$0x3F9C]  }
0x1a: {  	s8 =	sadd.s32 $0xFFFFE003, lr  }
0x1b: {  	s9 =	sadd.s32 $0xFFFFFEF7, lr;
	s5 =	simm.s32 $0xFFFFFFFF;
	p2 =	slt.u32 s8, $0xFFFFF086  }
0x1c: {  	p1 =	slt.u32 s9, $0xF7A;
	s5 =	simm.s32 @!p2 $0x0  }
0x1d: {  	s5 =	simm.s32 @p1 $0x1;
	p0 =	seq.s32 s7, s2  }
0x1e: {  	s7 =	smul.u32 @!p0 $0xF7A, s2;
	p2 =	seq.s32 @!p0 s5, $0x0  }
0x1f: {  	s9 =	smul.u32 $0xF7A, s1;
	s8 =	simm.s32 @!p0 $0x1BF5;
	p2 =	por !p2, p0  }
0x20: {  	[sflag:s8] =	ssyncset.s32 @!p0 $0xFFFFF086;
	s6 =	sadd.s32 @!p0 s3, s7;
	s7 =	simm.s32 @!p0 $0x108  }
0x21: {  	s3 =	sadd.s32 s3, s9;
	s6 =	sadd.s32 @!p0 $0x88, s6;
	s7 =	simm.s32 @p2 $0x1082  }
0x22: {  	[simem:s7], [sflag:s8] =	dma.local @!p0 [hbm:s6], $0xF7A  }
0x23: {  	s9 =	sor.u32 $0xD0000000, s2;
	s6 =	simm.s32 $0x108;
	_ =	swait.ge @!p0 [sflag:s8], $0x0  }
0x24: {  	s3 =	sadd.s32 $0x88, s3;
	s6 =	simm.s32 @!p1 $0x1082;
	[sflag:s4] =	ssyncset.s32 $0xFFFFF086  }
0x25: {  	[simem:s6], [sflag:s4] =	dma.local [hbm:s3], $0xF7A  }
0x26: {  	[smem:$0x3F9C] =	sst s1;
	(tag) =	ssettag s2;
	_ =	strace s9  }
0x27: {  	s1 =	sld [smem:$0x3FAC]  }
0x28: {  	s2 =	sld [smem:$0x3FAD]  }
0x29: {  	s4 =	sld [smem:$0x3FAF]  }
0x2a: {  	p0 =	seq.s32 s5, $0x0;
	s5 =	sld [smem:$0x3FB0]  }
0x2b: {  	s6 =	sld [smem:$0x3FB1]  }
0x2c: {  	s7 =	sld [smem:$0x3FB2]  }
0x2d: {  	s3 =	simm.s32 $0x108;
	s8 =	sld [smem:$0x3FB3]  }
0x2e: {  	s3 =	simm.s32 @!p0 $0x1082;
	s9 =	sld [smem:$0x3FB4]  }
0x2f: {  	lr =	sadd.s32 s0, s3;
	s0 =	sld [smem:$0x3FAB]  }
0x30: {  	s3 =	sld [smem:$0x3FAE]  }
0x31: {  	[smem:$0x3FB7] =	sst s10  }
0x32: {  	s10 =	sld [smem:$0x3FB5];
	_ =	sdelay $0x3  }
0x33: {  	p0 =	seq.s32 s10, $0x1;
	s10 =	sld [smem:$0x3FB7];
	_ =	sdelay $0x3  }
0x34: {  	[smem:$0x3FB7] =	sst s10  }
0x35: {  	s10 =	sld [smem:$0x3FB6];
	_ =	sdelay $0x3  }
0x36: {  	p1 =	seq.s32 s10, $0x1;
	s10 =	sld [smem:$0x3FB7];
	_ =	sdelay $0x3  }
0x37: {  	[smem:$0x3FB7] =	sst s10  }
0x38: {  	s10 =	sld [smem:$0x3FB8]  }
0x39: {  	_ = 	snop;
	(pc) =	sbr.ind lr, $3  }
0x3a: {  	_ = 	snop  }
0x3b: {  	_ = 	snop  }
0x3c: {  	p2 =	seq.s32 s10, $0x1;
	s10 =	sld [smem:$0x3FB7]  }
0x3d: {  	_ =	shalt  }
0x3e: {  	_ =	shalt  }
0x3f: {  	_ =	shalt  }
0x40: {  	_ =	shalt  }
0x41: {  	_ =	shalt  }
0x42: {  	_ =	shalt  }
0x43: {  	_ =	shalt  }
0x44: {  	_ =	shalt  }
0x45: {  	_ =	shalt  }
0x46: {  	_ =	shalt  }
0x47: {  	_ =	shalt  }
0x48: {  	_ =	shalt  }
0x49: {  	_ =	shalt  }
0x4a: {  	_ =	shalt  }
0x4b: {  	_ =	shalt  }
0x4c: {  	_ =	shalt  }
0x4d: {  	_ =	shalt  }
0x4e: {  	_ =	shalt  }
0x4f: {  	_ =	shalt  }
0x50: {  	_ =	shalt  }
0x51: {  	_ =	shalt  }
0x52: {  	_ =	shalt  }
0x53: {  	_ =	shalt  }
0x54: {  	_ =	shalt  }
0x55: {  	_ =	shalt  }
0x56: {  	_ =	shalt  }
0x57: {  	_ =	shalt  }
0x58: {  	_ =	shalt  }
0x59: {  	_ =	shalt  }
0x5a: {  	_ =	shalt  }
0x5b: {  	_ =	shalt  }
0x5c: {  	_ =	shalt  }
0x5d: {  	_ =	shalt  }
0x5e: {  	_ =	shalt  }
0x5f: {  	_ =	shalt  }
0x60: {  	_ =	shalt  }
0x61: {  	_ =	shalt  }
0x62: {  	_ =	shalt  }
0x63: {  	_ =	shalt  }
0x64: {  	_ =	shalt  }
0x65: {  	_ =	shalt  }
0x66: {  	_ =	shalt  }
0x67: {  	_ =	shalt  }
0x68: {  	_ =	shalt  }
0x69: {  	_ =	shalt  }
0x6a: {  	_ =	shalt  }
0x6b: {  	_ =	shalt  }
0x6c: {  	_ =	shalt  }
0x6d: {  	_ =	shalt  }
0x6e: {  	_ =	shalt  }
0x6f: {  	_ =	shalt  }
0x70: {  	_ =	shalt  }
0x71: {  	_ =	shalt  }
0x72: {  	_ =	shalt  }
0x73: {  	_ =	shalt  }
0x74: {  	_ =	shalt  }
0x75: {  	_ =	shalt  }
0x76: {  	_ =	shalt  }
0x77: {  	_ =	shalt  }
0x78: {  	_ =	shalt  }
0x79: {  	_ =	shalt  }
0x7a: {  	_ =	shalt  }
0x7b: {  	_ =	shalt  }
0x7c: {  	_ =	shalt  }
0x7d: {  	_ =	shalt  }
0x7e: {  	_ =	shalt  }
0x7f: {  	_ =	shalt  }
0x80: {  	_ =	shalt  }
0x81: {  	_ =	shalt  }
0x82: {  	_ =	shalt  }
0x83: {  	_ =	shalt  }
0x84: {  	_ =	shalt  }
0x85: {  	_ =	shalt  }
0x86: {  	_ =	shalt  }
0x87: {  	_ =	shalt  }
.Lfunc_end0:
.L_simem_size_0:
called_computation_lowered:
.L_overlay_start_0:
0x88: {  	s2 =	sld [smem:$0x3FD9]  }
0x89: {  	s3 =	sld [smem:$0x3FFE];
	_ =	sdelay $0x1  }
0x8a: {  	s1 =	srdreg.scid  }
0x8b: {  	s0 =	sand.u32 $0x1, s1  }
0x8c: {  	s16 =	sshll.u32 s0, $0xA;
	s2 =	sadd.s32 s3, s2  }
0x8d: {  	s2 =	sadd.s32 s2, s16  }
0x8e: {  	[smem:$0x3FC3] =	sst s2  }
0x8f: {  	_ = 	snop  }
0x90: {  	(tm) =	ssettm $0x1  }
0x91: {  	s17 =	sld [smem:$0x3FFB];
	_ =	sdelay $0x3  }
0x92: {  	_ =	strace s17  }
0x93: {  	s2 =	sld [smem:$0x3FFC];
	_ =	sdelay $0x3  }
0x94: {  	_ =	strace s2  }
0x95: {  	s2 =	sld [smem:$0x3FFD];
	_ =	sdelay $0x3  }
0x96: {  	_ =	strace s2  }
0x97: {  	_ =	strace $0x8FFFFFFF  }
0x98: {  	s18 =	sld [smem:$0x3FDB];
	_ =	sdelay $0x1  }
0x99: {  	s19 =	simm.s32 $_scs_section_size  }
0x9a: {  	s4 =	simm.s32 $_size__tile_overlayer_lowered;
	s5 =	simm.s32 $_tile_overlayer_lowered  }
0x9b: {  	s22 =	simm.s32 $0x1BFF;
	s21 =	sshll.u32 s5, $0x1;
	s2 =	sadd.s32 s19, s18  }
0x9c: {  	s6 =	simm.s32 $0x0;
	s20 =	sshll.u32 s4, $0x1;
	s4 =	sadd.s32 s21, s2  }
0x9d: {  	[timem:s6], [sflag:s22] =	dma.local [hbm:s4], s20  }
0x9e: {  	_ =	swait.ge [sflag:s22], s20  }
0x9f: {  	s3 =	ssub.s32 $0x0, s20;
	[sflag:s22] =	ssyncset.done $0x0  }
0xa0: {  	[sflag:s22] =	ssyncadd.s32 s3;
	_ =	sdelay $0x1  }
0xa1: {  	s23 =	simm.s32 $0x1B8B  }
0xa2: {  	_ =	swait.ge [sflag:s23], $0x1  }
0xa3: {  	[sflag:s23] =	ssyncset.done $0x0  }
0xa4: {  	s25 =	simm.s32 $0x1B8E;
	s24 =	sld [smem:$0x3FFE];
	[sflag:s23] =	ssyncadd.s32 $0xFFFFFFFF  }
0xa5: {  	s26 =	simm.s32 $execute0_lowered;
	[smem:$0x3FD2] =	sst s25  }
0xa6: {  	s4 =	sshll.u32 s26, $0x1;
	_ =	strace $0x80000046;
	[dreg:$0x1] =	wrdreg $0xFFFFFFFF  }
0xa7: {  	s28 =	simm.s32 $_size_execute0_lowered;
	s2 =	sadd.s32 s2, s4;
	[dreg:$0x0] =	wrdreg $0x0  }
0xa8: {  	s4 =	sshll.u32 s28, $0x1;
	[dreg:$0x2] =	wrdreg s2  }
0xa9: {  	[dreg:$0x3] =	wrdreg s4  }
0xaa: {  	[dreg:$0x4] =	wrdreg $0xC0  }
0xab: {  	_ =	task [dreg:s6], $0x5FFFF  }
0xac: {  	[dreg:$0x1] =	wrdreg $0xFFFFFFFF  }
0xad: {  	[dreg:$0x0] =	wrdreg $0x60  }
0xae: {  	[dreg:$0x2] =	wrdreg s24  }
0xaf: {  	[dreg:$0x3] =	wrdreg $0x9  }
0xb0: {  	_ =	task.clear_ibuf [dreg:s6], $0x4FFFF;
	_ =	strace $0x90000046  }
0xb1: {  	s29 =	simm.s32 $0x9;
	_ =	strace $0x80000048  }
0xb2: {  	_ =	swait.ge [sflag:s29], $0x1  }
0xb3: {  	[sflag:s29] =	ssyncadd.s32 $0xFFFFFFFF  }
0xb4: {  	_ =	strace $0x90000048  }
0xb5: {  	_ =	sfence  }
0xb6: {  	s30 =	sld [smem:$0x0];
	_ =	sdelay $0x2  }
0xb7: {  	s31 =	sshll.u32 s1, $0xD;
	s1 =	sshrl.u32 s1, $0x2  }
0xb8: {  	s3 =	sand.u32 $0x4000, s31;
	s1 =	sadd.s32 s1, s30  }
0xb9: {  	s0 =	sor.u32 s3, s0;
	s1 =	sshll.u32 s1, $0x11  }
0xba: {  	s0 =	sor.u32 s1, s0  }
0xbb: {  	s0 =	sadd.s32 $0x8F2B, s0  }
0xbc: {  	[sflag:s0] =	ssyncadd.remote.s32 $0x1  }
0xbd: {  	_ =	sfence.sel $0xFFFF  }
0xbe: {  	[dreg:$0x0] =	wrdreg $0xFFFFFFFF;
	(pc) =	sbr.abs _section_cstart, $3  }
0xbf: {  	[dreg:$0x1] =	wrdreg $0xFFFFFFFF  }
0xc0: {  	_ =	task.clear_ibuf [dreg:s6], $0x2FFFF;
	_ =	strace $0x9FFFFFFF  }
0xc1: {  	(tm) =	ssettm $0x7FFFFFFF  }
tec
execute0_lowered:
.L_overlay_start_1:
0x0: {  	(tag) =	ssettag $0x1  }
0x1: {  	s1 =	srdreg.scid  }
0x2: {  	s0 =	stileid.u32;
	s7 =	rddreg [dreg:$0x0]  }
0x3: {  	s2 =	simm.s32 $0x0;
	s11 =	simm.s32 $0x5;
	s12 =	simm.s32 $0x68  }
0x4: {  	s13 =	simm.s32 $0x3400;
	s14 =	simm.s32 $0x6800;
	s15 =	simm.s32 $0xD0  }
0x5: {  	s16 =	simm.s32 $0x9C00;
	s17 =	simm.s32 $0x138;
	s18 =	simm.s32 $0xD000  }
0x6: {  	s19 =	simm.s32 $0x10400;
	s20 =	simm.s32 $0x13C00;
	s21 =	simm.s32 $0x3  }
0x7: {  	s22 =	simm.s32 $0x1;
	s1 =	sand.u32 $0x1, s1;
	s3 =	sshll.u32 s0, $0x1  }
0x8: {  	s23 =	simm.s32 $0x4;
	s24 =	simm.s32 $0x2;
	s5 =	sor.u32 s1, s3  }
0x9: {  	s25 =	simm.s32 $0x0;
	[smem:$0x7FF] =	sst s2;
	s4 =	smul.u32 $0x680, s5  }
.Ltmp0:
0xa: {  	_ =	strace $0x80000047;
	s1 =	ssub.s32 $0x2, s1;
	(pc) =	sbr.rel .LBB2_1-.Ltmp0, $4  }
0xb: {  	s3 =	sadd.s32 $0xDA00, s7;
	s8 =	sshrl.u32 s1, $0x1;
	s9 =	smul.u32 $0x1C000, s5  }
0xc: {  	s5 =	sshll.u32 s5, $0x9;
	s1 =	ssub.s32 s1, s8;
	s6 =	sadd.s32 s4, s7  }
0xd: {  	s4 =	sadd.s32 $0x194400, s7;
	s7 =	sadd.s32 $0x194B00, s7;
	s10 =	smax.u32 s1, $0x1  }
0xe: {  	s6 =	sadd.s32 $0xA00, s6;
	s8 =	sadd.s32 s4, s9;
	s9 =	sadd.s32 s9, s7  }
.LBB2_8:
0xf: {  	s25 =	sadd.s32 $0x1, s25  }
0x10: {  	_ =	swait.ge [sflag:s21], $0x3800;
	p0 =	sne.s32 s25, s10  }
.Ltmp1:
0x11: {  	[sflag:s21] =	ssyncset.done $0x0;
	(pc) =	sbr.rel @!p0 .LBB2_9-.Ltmp1, $4  }
0x12: {  	[sflag:s21] =	ssyncadd.s32 $0xFFFFC800  }
0x13: {  	_ =	swait.ge [sflag:s23], $0x3800  }
0x14: {  	[sflag:s23] =	ssyncset.done $0x0  }
0x15: {  	[sflag:s23] =	ssyncadd.s32 $0xFFFFC800  }
.LBB2_1:
0x16: {  	[tilespmem:s2], [sflag:$0x5] =	stream.linear.gather [hbm4b:s6+s2], $0x3400, $0x38;
	[tilespmem:$0x17400] =	vst v63  }
0x17: {  	_ =	swait.ge [sflag:s11], $0x3400  }
0x18: {  	[sflag:s11] =	ssyncset.done $0x0  }
0x19: {  	[sflag:s11] =	ssyncadd.s32 $0xFFFFCC00  }
0x1a: {  	[tilespmem:s13], [sflag:$0x1] =	stream.indirect.gather [hbm4b:s3+s12], $0x80, s2, s12, $0xb8;
	[tilespmem:$0x17400] =	vst v63  }
0x1b: {  	_ = 	snop  }
0x1c: {  	[tilespmem:s14], [sflag:$0x1] =	stream.indirect.gather [hbm4b:s3+s12], $0x80, s12, s12, $0xb8;
	[tilespmem:$0x17400] =	vst v63  }
0x1d: {  	_ = 	snop  }
0x1e: {  	[tilespmem:s16], [sflag:$0x2] =	stream.indirect.gather [hbm4b:s3+s12], $0x80, s15, s12, $0xb8;
	[tilespmem:$0x17400] =	vst v63  }
0x1f: {  	_ = 	snop  }
0x20: {  	[tilespmem:s18], [sflag:$0x2] =	stream.indirect.gather [hbm4b:s3+s12], $0x80, s17, s12, $0xb8;
	[tilespmem:$0x17400] =	vst v63  }
0x21: {  	_ = 	snop  }
0x22: {  	[hbm4b:s8+s2] =	stream.linear.scatter [tilespmem:s19], [sflag:$0x3], $0x3800, $0x38;
	[tilespmem:$0x17400] =	vst v63  }
0x23: {  	s26 =	simm.s32 $0x0  }
0x24: {  	[hbm4b:s9+s2] =	stream.linear.scatter [tilespmem:s20], [sflag:$0x4], $0x3800, $0x38;
	[tilespmem:$0x17400] =	vst v63  }
.LBB2_2:
0x25: {  	_ =	swait.ge [sflag:s21], $0x3800  }
0x26: {  	[sflag:s21] =	ssyncset.done $0x0  }
0x27: {  	[sflag:s21] =	ssyncadd.s32 $0xFFFFC800  }
0x28: {  	_ =	swait.ge [sflag:s22], $0x3400  }
0x29: {  	[sflag:s22] =	ssyncset.done $0x0  }
0x2a: {  	s1 =	simm.s32 $0x0;
	[sflag:s22] =	ssyncadd.s32 $0xFFFFCC00  }
0x2b: {  	s1 =	smul.u32 $0x3400, s1;
	_ =	swait.ge [sflag:s22], $0x3400  }
0x2c: {  	[sflag:s22] =	ssyncset.done $0x0  }
0x2d: {  	s1 =	sshra.s32 s1, $0x2;
	[sflag:s22] =	ssyncadd.s32 $0xFFFFCC00  }
0x2e: {  	v0 =	vld [tilespmem:s1+$0x3400];
	_ =	sdelay $0x3  }
0x2f: {  	s28 =	simm.s32 $0x0  }
0x30: {  	[tilespmem:s28+$0x10440] =	vst v0  }
0x31: {  	v0 =	vld [tilespmem:s1+$0x3410];
	_ =	sdelay $0x4  }
0x32: {  	[tilespmem:s28+$0x10450] =	vst v0  }
0x33: {  	v0 =	vld [tilespmem:s1+$0x3420];
	_ =	sdelay $0x4  }
0x34: {  	[tilespmem:s28+$0x10460] =	vst v0  }
0x35: {  	v0 =	vld [tilespmem:s1+$0x3430];
	_ =	sdelay $0x4  }
0x36: {  	[tilespmem:s28+$0x10470] =	vst v0  }
0x37: {  	v0 =	vld [tilespmem:s1+$0x3480];
	_ =	sdelay $0x4  }
0x38: {  	[tilespmem:s28+$0x10800] =	vst v0  }
0x39: {  	v0 =	vld [tilespmem:s1+$0x3490];
	_ =	sdelay $0x4  }
0x3a: {  	[tilespmem:s28+$0x10810] =	vst v0  }
0x3b: {  	v0 =	vld [tilespmem:s1+$0x34A0];
	_ =	sdelay $0x4  }
0x3c: {  	[tilespmem:s28+$0x10820] =	vst v0  }
0x3d: {  	v0 =	vld [tilespmem:s1+$0x34B0];
	_ =	sdelay $0x4  }
0x3e: {  	[tilespmem:s28+$0x10830] =	vst v0  }
0x3f: {  	v0 =	vld [tilespmem:s1+$0x3500];
	_ =	sdelay $0x4  }
0x40: {  	[tilespmem:s28+$0x10840] =	vst v0  }
0x41: {  	v0 =	vld [tilespmem:s1+$0x3510];
	_ =	sdelay $0x4  }
0x42: {  	[tilespmem:s28+$0x10850] =	vst v0  }
0x43: {  	v0 =	vld [tilespmem:s1+$0x3520];
	_ =	sdelay $0x4  }
0x44: {  	[tilespmem:s28+$0x10860] =	vst v0  }
0x45: {  	v0 =	vld [tilespmem:s1+$0x3530];
	_ =	sdelay $0x4  }
0x46: {  	[tilespmem:s28+$0x10870] =	vst v0  }
0x47: {  	v0 =	vld [tilespmem:s1+$0x3580];
	_ =	sdelay $0x4  }
0x48: {  	[tilespmem:s28+$0x10C00] =	vst v0  }
0x49: {  	v0 =	vld [tilespmem:s1+$0x3590];
	_ =	sdelay $0x4  }
0x4a: {  	[tilespmem:s28+$0x10C10] =	vst v0  }
0x4b: {  	v0 =	vld [tilespmem:s1+$0x35A0];
	_ =	sdelay $0x4  }
0x4c: {  	[tilespmem:s28+$0x10C20] =	vst v0  }
0x4d: {  	v0 =	vld [tilespmem:s1+$0x35B0];
	_ =	sdelay $0x4  }
0x4e: {  	[tilespmem:s28+$0x10C30] =	vst v0  }
0x4f: {  	v0 =	vld [tilespmem:s1+$0x3600];
	_ =	sdelay $0x4  }
0x50: {  	[tilespmem:s28+$0x10C40] =	vst v0  }
0x51: {  	v0 =	vld [tilespmem:s1+$0x3610];
	_ =	sdelay $0x4  }
0x52: {  	[tilespmem:s28+$0x10C50] =	vst v0  }
0x53: {  	v0 =	vld [tilespmem:s1+$0x3620];
	_ =	sdelay $0x4  }
0x54: {  	[tilespmem:s28+$0x10C60] =	vst v0  }
0x55: {  	v0 =	vld [tilespmem:s1+$0x3630];
	_ =	sdelay $0x4  }
0x56: {  	[tilespmem:s28+$0x10C70] =	vst v0  }
0x57: {  	v0 =	vld [tilespmem:s1+$0x3680];
	_ =	sdelay $0x4  }
0x58: {  	[tilespmem:s28+$0x11000] =	vst v0  }
0x59: {  	v0 =	vld [tilespmem:s1+$0x3690];
	_ =	sdelay $0x4  }
0x5a: {  	[tilespmem:s28+$0x11010] =	vst v0  }
0x5b: {  	v0 =	vld [tilespmem:s1+$0x36A0];
	_ =	sdelay $0x4  }
0x5c: {  	[tilespmem:s28+$0x11020] =	vst v0  }
0x5d: {  	v0 =	vld [tilespmem:s1+$0x36B0];
	_ =	sdelay $0x4  }
0x5e: {  	[tilespmem:s28+$0x11030] =	vst v0  }
0x5f: {  	v0 =	vld [tilespmem:s1+$0x3700];
	_ =	sdelay $0x4  }
0x60: {  	[tilespmem:s28+$0x11040] =	vst v0  }
0x61: {  	v0 =	vld [tilespmem:s1+$0x3710];
	_ =	sdelay $0x4  }
0x62: {  	[tilespmem:s28+$0x11050] =	vst v0  }
0x63: {  	v0 =	vld [tilespmem:s1+$0x3720];
	_ =	sdelay $0x4  }
0x64: {  	[tilespmem:s28+$0x11060] =	vst v0  }
0x65: {  	v0 =	vld [tilespmem:s1+$0x3730];
	_ =	sdelay $0x4  }
0x66: {  	[tilespmem:s28+$0x11070] =	vst v0  }
0x67: {  	v0 =	vld [tilespmem:s1+$0x3780];
	_ =	sdelay $0x4  }
0x68: {  	[tilespmem:s28+$0x11400] =	vst v0  }
0x69: {  	v0 =	vld [tilespmem:s1+$0x3790];
	_ =	sdelay $0x4  }
0x6a: {  	[tilespmem:s28+$0x11410] =	vst v0  }
0x6b: {  	v0 =	vld [tilespmem:s1+$0x37A0];
	_ =	sdelay $0x4  }
0x6c: {  	[tilespmem:s28+$0x11420] =	vst v0  }
0x6d: {  	v0 =	vld [tilespmem:s1+$0x37B0];
	_ =	sdelay $0x4  }
0x6e: {  	[tilespmem:s28+$0x11430] =	vst v0  }
0x6f: {  	v0 =	vld [tilespmem:s1+$0x3800];
	_ =	sdelay $0x4  }
0x70: {  	[tilespmem:s28+$0x11440] =	vst v0  }
0x71: {  	v0 =	vld [tilespmem:s1+$0x3810];
	_ =	sdelay $0x4  }
0x72: {  	[tilespmem:s28+$0x11450] =	vst v0  }
0x73: {  	v0 =	vld [tilespmem:s1+$0x3820];
	_ =	sdelay $0x4  }
0x74: {  	[tilespmem:s28+$0x11460] =	vst v0  }
0x75: {  	v0 =	vld [tilespmem:s1+$0x3830];
	_ =	sdelay $0x4  }
0x76: {  	[tilespmem:s28+$0x11470] =	vst v0  }
0x77: {  	v0 =	vld [tilespmem:s1+$0x3880];
	_ =	sdelay $0x4  }
0x78: {  	[tilespmem:s28+$0x11800] =	vst v0  }
0x79: {  	v0 =	vld [tilespmem:s1+$0x3890];
	_ =	sdelay $0x4  }
0x7a: {  	[tilespmem:s28+$0x11810] =	vst v0  }
0x7b: {  	v0 =	vld [tilespmem:s1+$0x38A0];
	_ =	sdelay $0x4  }
0x7c: {  	[tilespmem:s28+$0x11820] =	vst v0  }
0x7d: {  	v0 =	vld [tilespmem:s1+$0x38B0];
	_ =	sdelay $0x4  }
0x7e: {  	[tilespmem:s28+$0x11830] =	vst v0  }
0x7f: {  	v0 =	vld [tilespmem:s1+$0x3900];
	_ =	sdelay $0x4  }
0x80: {  	[tilespmem:s28+$0x11840] =	vst v0  }
0x81: {  	v0 =	vld [tilespmem:s1+$0x3910];
	_ =	sdelay $0x4  }
0x82: {  	[tilespmem:s28+$0x11850] =	vst v0  }
0x83: {  	v0 =	vld [tilespmem:s1+$0x3920];
	_ =	sdelay $0x4  }
0x84: {  	[tilespmem:s28+$0x11860] =	vst v0  }
0x85: {  	v0 =	vld [tilespmem:s1+$0x3930];
	_ =	sdelay $0x4  }
0x86: {  	[tilespmem:s28+$0x11870] =	vst v0  }
0x87: {  	v0 =	vld [tilespmem:s1+$0x3980];
	_ =	sdelay $0x4  }
0x88: {  	[tilespmem:s28+$0x11C00] =	vst v0  }
0x89: {  	v0 =	vld [tilespmem:s1+$0x3990];
	_ =	sdelay $0x4  }
0x8a: {  	[tilespmem:s28+$0x11C10] =	vst v0  }
0x8b: {  	v0 =	vld [tilespmem:s1+$0x39A0];
	_ =	sdelay $0x4  }
0x8c: {  	[tilespmem:s28+$0x11C20] =	vst v0  }
0x8d: {  	v0 =	vld [tilespmem:s1+$0x39B0];
	_ =	sdelay $0x4  }
0x8e: {  	[tilespmem:s28+$0x11C30] =	vst v0  }
0x8f: {  	v0 =	vld [tilespmem:s1+$0x3A00];
	_ =	sdelay $0x4  }
0x90: {  	[tilespmem:s28+$0x11C40] =	vst v0  }
0x91: {  	v0 =	vld [tilespmem:s1+$0x3A10];
	_ =	sdelay $0x4  }
0x92: {  	[tilespmem:s28+$0x11C50] =	vst v0  }
0x93: {  	v0 =	vld [tilespmem:s1+$0x3A20];
	_ =	sdelay $0x4  }
0x94: {  	[tilespmem:s28+$0x11C60] =	vst v0  }
0x95: {  	v0 =	vld [tilespmem:s1+$0x3A30];
	_ =	sdelay $0x4  }
0x96: {  	[tilespmem:s28+$0x11C70] =	vst v0  }
0x97: {  	v0 =	vld [tilespmem:s1+$0x3A80];
	_ =	sdelay $0x4  }
0x98: {  	[tilespmem:s28+$0x12000] =	vst v0  }
0x99: {  	v0 =	vld [tilespmem:s1+$0x3A90];
	_ =	sdelay $0x4  }
0x9a: {  	[tilespmem:s28+$0x12010] =	vst v0  }
0x9b: {  	v0 =	vld [tilespmem:s1+$0x3AA0];
	_ =	sdelay $0x4  }
0x9c: {  	[tilespmem:s28+$0x12020] =	vst v0  }
0x9d: {  	v0 =	vld [tilespmem:s1+$0x3AB0];
	_ =	sdelay $0x4  }
0x9e: {  	[tilespmem:s28+$0x12030] =	vst v0  }
0x9f: {  	v0 =	vld [tilespmem:s1+$0x3B00];
	_ =	sdelay $0x4  }
0xa0: {  	[tilespmem:s28+$0x12040] =	vst v0  }
0xa1: {  	v0 =	vld [tilespmem:s1+$0x3B10];
	_ =	sdelay $0x4  }
0xa2: {  	[tilespmem:s28+$0x12050] =	vst v0  }
0xa3: {  	v0 =	vld [tilespmem:s1+$0x3B20];
	_ =	sdelay $0x4  }
0xa4: {  	[tilespmem:s28+$0x12060] =	vst v0  }
0xa5: {  	v0 =	vld [tilespmem:s1+$0x3B30];
	_ =	sdelay $0x4  }
0xa6: {  	[tilespmem:s28+$0x12070] =	vst v0  }
0xa7: {  	v0 =	vld [tilespmem:s1+$0x3B80];
	_ =	sdelay $0x4  }
0xa8: {  	[tilespmem:s28+$0x12400] =	vst v0  }
0xa9: {  	v0 =	vld [tilespmem:s1+$0x3B90];
	_ =	sdelay $0x4  }
0xaa: {  	[tilespmem:s28+$0x12410] =	vst v0  }
0xab: {  	v0 =	vld [tilespmem:s1+$0x3BA0];
	_ =	sdelay $0x4  }
0xac: {  	[tilespmem:s28+$0x12420] =	vst v0  }
0xad: {  	v0 =	vld [tilespmem:s1+$0x3BB0];
	_ =	sdelay $0x4  }
0xae: {  	[tilespmem:s28+$0x12430] =	vst v0  }
0xaf: {  	v0 =	vld [tilespmem:s1+$0x3C00];
	_ =	sdelay $0x4  }
0xb0: {  	[tilespmem:s28+$0x12440] =	vst v0  }
0xb1: {  	v0 =	vld [tilespmem:s1+$0x3C10];
	_ =	sdelay $0x4  }
0xb2: {  	[tilespmem:s28+$0x12450] =	vst v0  }
0xb3: {  	v0 =	vld [tilespmem:s1+$0x3C20];
	_ =	sdelay $0x4  }
0xb4: {  	[tilespmem:s28+$0x12460] =	vst v0  }
0xb5: {  	v0 =	vld [tilespmem:s1+$0x3C30];
	_ =	sdelay $0x4  }
0xb6: {  	[tilespmem:s28+$0x12470] =	vst v0  }
0xb7: {  	v0 =	vld [tilespmem:s1+$0x3C80];
	_ =	sdelay $0x4  }
0xb8: {  	[tilespmem:s28+$0x12800] =	vst v0  }
0xb9: {  	v0 =	vld [tilespmem:s1+$0x3C90];
	_ =	sdelay $0x4  }
0xba: {  	[tilespmem:s28+$0x12810] =	vst v0  }
0xbb: {  	v0 =	vld [tilespmem:s1+$0x3CA0];
	_ =	sdelay $0x4  }
0xbc: {  	[tilespmem:s28+$0x12820] =	vst v0  }
0xbd: {  	v0 =	vld [tilespmem:s1+$0x3CB0];
	_ =	sdelay $0x4  }
0xbe: {  	[tilespmem:s28+$0x12830] =	vst v0  }
0xbf: {  	v0 =	vld [tilespmem:s1+$0x3D00];
	_ =	sdelay $0x4  }
0xc0: {  	[tilespmem:s28+$0x12840] =	vst v0  }
0xc1: {  	v0 =	vld [tilespmem:s1+$0x3D10];
	_ =	sdelay $0x4  }
0xc2: {  	[tilespmem:s28+$0x12850] =	vst v0  }
0xc3: {  	v0 =	vld [tilespmem:s1+$0x3D20];
	_ =	sdelay $0x4  }
0xc4: {  	[tilespmem:s28+$0x12860] =	vst v0  }
0xc5: {  	v0 =	vld [tilespmem:s1+$0x3D30];
	_ =	sdelay $0x4  }
0xc6: {  	[tilespmem:s28+$0x12870] =	vst v0  }
0xc7: {  	v0 =	vld [tilespmem:s1+$0x3D80];
	_ =	sdelay $0x4  }
0xc8: {  	[tilespmem:s28+$0x12C00] =	vst v0  }
0xc9: {  	v0 =	vld [tilespmem:s1+$0x3D90];
	_ =	sdelay $0x4  }
0xca: {  	[tilespmem:s28+$0x12C10] =	vst v0  }
0xcb: {  	v0 =	vld [tilespmem:s1+$0x3DA0];
	_ =	sdelay $0x4  }
0xcc: {  	[tilespmem:s28+$0x12C20] =	vst v0  }
0xcd: {  	v0 =	vld [tilespmem:s1+$0x3DB0];
	_ =	sdelay $0x4  }
0xce: {  	[tilespmem:s28+$0x12C30] =	vst v0  }
0xcf: {  	v0 =	vld [tilespmem:s1+$0x3E00];
	_ =	sdelay $0x4  }
0xd0: {  	[tilespmem:s28+$0x12C40] =	vst v0  }
0xd1: {  	v0 =	vld [tilespmem:s1+$0x3E10];
	_ =	sdelay $0x4  }
0xd2: {  	[tilespmem:s28+$0x12C50] =	vst v0  }
0xd3: {  	v0 =	vld [tilespmem:s1+$0x3E20];
	_ =	sdelay $0x4  }
0xd4: {  	[tilespmem:s28+$0x12C60] =	vst v0  }
0xd5: {  	v0 =	vld [tilespmem:s1+$0x3E30];
	_ =	sdelay $0x4  }
0xd6: {  	[tilespmem:s28+$0x12C70] =	vst v0  }
0xd7: {  	v0 =	vld [tilespmem:s1+$0x3E80];
	_ =	sdelay $0x4  }
0xd8: {  	[tilespmem:s28+$0x13000] =	vst v0  }
0xd9: {  	v0 =	vld [tilespmem:s1+$0x3E90];
	_ =	sdelay $0x4  }
0xda: {  	[tilespmem:s28+$0x13010] =	vst v0  }
0xdb: {  	v0 =	vld [tilespmem:s1+$0x3EA0];
	_ =	sdelay $0x4  }
0xdc: {  	[tilespmem:s28+$0x13020] =	vst v0  }
0xdd: {  	v0 =	vld [tilespmem:s1+$0x3EB0];
	_ =	sdelay $0x4  }
0xde: {  	[tilespmem:s28+$0x13030] =	vst v0  }
0xdf: {  	v0 =	vld [tilespmem:s1+$0x3F00];
	_ =	sdelay $0x4  }
0xe0: {  	[tilespmem:s28+$0x13040] =	vst v0  }
0xe1: {  	v0 =	vld [tilespmem:s1+$0x3F10];
	_ =	sdelay $0x4  }
0xe2: {  	[tilespmem:s28+$0x13050] =	vst v0  }
0xe3: {  	v0 =	vld [tilespmem:s1+$0x3F20];
	_ =	sdelay $0x4  }
0xe4: {  	[tilespmem:s28+$0x13060] =	vst v0  }
0xe5: {  	v0 =	vld [tilespmem:s1+$0x3F30];
	_ =	sdelay $0x4  }
0xe6: {  	[tilespmem:s28+$0x13070] =	vst v0  }
0xe7: {  	v0 =	vld [tilespmem:s1+$0x3F80];
	_ =	sdelay $0x4  }
0xe8: {  	[tilespmem:s28+$0x13400] =	vst v0  }
0xe9: {  	v0 =	vld [tilespmem:s1+$0x3F90];
	_ =	sdelay $0x4  }
0xea: {  	[tilespmem:s28+$0x13410] =	vst v0  }
0xeb: {  	v0 =	vld [tilespmem:s1+$0x3FA0];
	_ =	sdelay $0x4  }
0xec: {  	[tilespmem:s28+$0x13420] =	vst v0  }
0xed: {  	v0 =	vld [tilespmem:s1+$0x3FB0];
	_ =	sdelay $0x4  }
0xee: {  	[tilespmem:s28+$0x13430] =	vst v0  }
0xef: {  	v0 =	vld [tilespmem:s1+$0x4000];
	_ =	sdelay $0x4  }
0xf0: {  	[tilespmem:s28+$0x13440] =	vst v0  }
0xf1: {  	v0 =	vld [tilespmem:s1+$0x4010];
	_ =	sdelay $0x4  }
0xf2: {  	[tilespmem:s28+$0x13450] =	vst v0  }
0xf3: {  	v0 =	vld [tilespmem:s1+$0x4020];
	_ =	sdelay $0x4  }
0xf4: {  	[tilespmem:s28+$0x13460] =	vst v0  }
0xf5: {  	v0 =	vld [tilespmem:s1+$0x4030];
	_ =	sdelay $0x4  }
0xf6: {  	[tilespmem:s28+$0x13470] =	vst v0  }
0xf7: {  	v0 =	vld [tilespmem:s1+$0x4080];
	_ =	sdelay $0x4  }
0xf8: {  	[tilespmem:s28+$0x13800] =	vst v0  }
0xf9: {  	v0 =	vld [tilespmem:s1+$0x4090];
	_ =	sdelay $0x4  }
0xfa: {  	[tilespmem:s28+$0x13810] =	vst v0  }
0xfb: {  	v0 =	vld [tilespmem:s1+$0x40A0];
	_ =	sdelay $0x4  }
0xfc: {  	[tilespmem:s28+$0x13820] =	vst v0  }
0xfd: {  	v0 =	vld [tilespmem:s1+$0x40B0];
	_ =	sdelay $0x1  }
0xfe: {  	s29 =	simm.s32 $0x1  }
0xff: {  	s30 =	simm.s32 $0x2;
	s1 =	smul.u32 $0x3400, s29  }
.LBB2_3:
0x100: {  	p0 =	sne.s32 s30, $0x7  }
0x101: {  	s31 =	sshra.s32 s1, $0x2;
	[tilespmem:s28+$0x13830] =	vst v0  }
0x102: {  	v0 =	vld [tilespmem:s31+$0x3400];
	_ =	sdelay $0x2  }
0x103: {  	s1 =	sshll.u32 s29, $0x9;
	s29 =	smov.u32 s30  }
0x104: {  	s28 =	sshra.s32 s1, $0x2  }
0x105: {  	[tilespmem:s28+$0x10440] =	vst v0  }
0x106: {  	v0 =	vld [tilespmem:s31+$0x3410];
	_ =	sdelay $0x4  }
0x107: {  	[tilespmem:s28+$0x10450] =	vst v0  }
0x108: {  	v0 =	vld [tilespmem:s31+$0x3420];
	_ =	sdelay $0x4  }
0x109: {  	[tilespmem:s28+$0x10460] =	vst v0  }
0x10a: {  	v0 =	vld [tilespmem:s31+$0x3430];
	_ =	sdelay $0x4  }
0x10b: {  	[tilespmem:s28+$0x10470] =	vst v0  }
0x10c: {  	v0 =	vld [tilespmem:s31+$0x3480];
	_ =	sdelay $0x4  }
0x10d: {  	[tilespmem:s28+$0x10800] =	vst v0  }
0x10e: {  	v0 =	vld [tilespmem:s31+$0x3490];
	_ =	sdelay $0x4  }
0x10f: {  	[tilespmem:s28+$0x10810] =	vst v0  }
0x110: {  	v0 =	vld [tilespmem:s31+$0x34A0];
	_ =	sdelay $0x4  }
0x111: {  	[tilespmem:s28+$0x10820] =	vst v0  }
0x112: {  	v0 =	vld [tilespmem:s31+$0x34B0];
	_ =	sdelay $0x4  }
0x113: {  	[tilespmem:s28+$0x10830] =	vst v0  }
0x114: {  	v0 =	vld [tilespmem:s31+$0x3500];
	_ =	sdelay $0x4  }
0x115: {  	[tilespmem:s28+$0x10840] =	vst v0  }
0x116: {  	v0 =	vld [tilespmem:s31+$0x3510];
	_ =	sdelay $0x4  }
0x117: {  	[tilespmem:s28+$0x10850] =	vst v0  }
0x118: {  	v0 =	vld [tilespmem:s31+$0x3520];
	_ =	sdelay $0x4  }
0x119: {  	[tilespmem:s28+$0x10860] =	vst v0  }
0x11a: {  	v0 =	vld [tilespmem:s31+$0x3530];
	_ =	sdelay $0x4  }
0x11b: {  	[tilespmem:s28+$0x10870] =	vst v0  }
0x11c: {  	v0 =	vld [tilespmem:s31+$0x3580];
	_ =	sdelay $0x4  }
0x11d: {  	[tilespmem:s28+$0x10C00] =	vst v0  }
0x11e: {  	v0 =	vld [tilespmem:s31+$0x3590];
	_ =	sdelay $0x4  }
0x11f: {  	[tilespmem:s28+$0x10C10] =	vst v0  }
0x120: {  	v0 =	vld [tilespmem:s31+$0x35A0];
	_ =	sdelay $0x4  }
0x121: {  	[tilespmem:s28+$0x10C20] =	vst v0  }
0x122: {  	v0 =	vld [tilespmem:s31+$0x35B0];
	_ =	sdelay $0x4  }
0x123: {  	[tilespmem:s28+$0x10C30] =	vst v0  }
0x124: {  	v0 =	vld [tilespmem:s31+$0x3600];
	_ =	sdelay $0x4  }
0x125: {  	[tilespmem:s28+$0x10C40] =	vst v0  }
0x126: {  	v0 =	vld [tilespmem:s31+$0x3610];
	_ =	sdelay $0x4  }
0x127: {  	[tilespmem:s28+$0x10C50] =	vst v0  }
0x128: {  	v0 =	vld [tilespmem:s31+$0x3620];
	_ =	sdelay $0x4  }
0x129: {  	[tilespmem:s28+$0x10C60] =	vst v0  }
0x12a: {  	v0 =	vld [tilespmem:s31+$0x3630];
	_ =	sdelay $0x4  }
0x12b: {  	[tilespmem:s28+$0x10C70] =	vst v0  }
0x12c: {  	v0 =	vld [tilespmem:s31+$0x3680];
	_ =	sdelay $0x4  }
0x12d: {  	[tilespmem:s28+$0x11000] =	vst v0  }
0x12e: {  	v0 =	vld [tilespmem:s31+$0x3690];
	_ =	sdelay $0x4  }
0x12f: {  	[tilespmem:s28+$0x11010] =	vst v0  }
0x130: {  	v0 =	vld [tilespmem:s31+$0x36A0];
	_ =	sdelay $0x4  }
0x131: {  	[tilespmem:s28+$0x11020] =	vst v0  }
0x132: {  	v0 =	vld [tilespmem:s31+$0x36B0];
	_ =	sdelay $0x4  }
0x133: {  	[tilespmem:s28+$0x11030] =	vst v0  }
0x134: {  	v0 =	vld [tilespmem:s31+$0x3700];
	_ =	sdelay $0x4  }
0x135: {  	[tilespmem:s28+$0x11040] =	vst v0  }
0x136: {  	v0 =	vld [tilespmem:s31+$0x3710];
	_ =	sdelay $0x4  }
0x137: {  	[tilespmem:s28+$0x11050] =	vst v0  }
0x138: {  	v0 =	vld [tilespmem:s31+$0x3720];
	_ =	sdelay $0x4  }
0x139: {  	[tilespmem:s28+$0x11060] =	vst v0  }
0x13a: {  	v0 =	vld [tilespmem:s31+$0x3730];
	_ =	sdelay $0x4  }
0x13b: {  	[tilespmem:s28+$0x11070] =	vst v0  }
0x13c: {  	v0 =	vld [tilespmem:s31+$0x3780];
	_ =	sdelay $0x4  }
0x13d: {  	[tilespmem:s28+$0x11400] =	vst v0  }
0x13e: {  	v0 =	vld [tilespmem:s31+$0x3790];
	_ =	sdelay $0x4  }
0x13f: {  	[tilespmem:s28+$0x11410] =	vst v0  }
0x140: {  	v0 =	vld [tilespmem:s31+$0x37A0];
	_ =	sdelay $0x4  }
0x141: {  	[tilespmem:s28+$0x11420] =	vst v0  }
0x142: {  	v0 =	vld [tilespmem:s31+$0x37B0];
	_ =	sdelay $0x4  }
0x143: {  	[tilespmem:s28+$0x11430] =	vst v0  }
0x144: {  	v0 =	vld [tilespmem:s31+$0x3800];
	_ =	sdelay $0x4  }
0x145: {  	[tilespmem:s28+$0x11440] =	vst v0  }
0x146: {  	v0 =	vld [tilespmem:s31+$0x3810];
	_ =	sdelay $0x4  }
0x147: {  	[tilespmem:s28+$0x11450] =	vst v0  }
0x148: {  	v0 =	vld [tilespmem:s31+$0x3820];
	_ =	sdelay $0x4  }
0x149: {  	[tilespmem:s28+$0x11460] =	vst v0  }
0x14a: {  	v0 =	vld [tilespmem:s31+$0x3830];
	_ =	sdelay $0x4  }
0x14b: {  	[tilespmem:s28+$0x11470] =	vst v0  }
0x14c: {  	v0 =	vld [tilespmem:s31+$0x3880];
	_ =	sdelay $0x4  }
0x14d: {  	[tilespmem:s28+$0x11800] =	vst v0  }
0x14e: {  	v0 =	vld [tilespmem:s31+$0x3890];
	_ =	sdelay $0x4  }
0x14f: {  	[tilespmem:s28+$0x11810] =	vst v0  }
0x150: {  	v0 =	vld [tilespmem:s31+$0x38A0];
	_ =	sdelay $0x4  }
0x151: {  	[tilespmem:s28+$0x11820] =	vst v0  }
0x152: {  	v0 =	vld [tilespmem:s31+$0x38B0];
	_ =	sdelay $0x4  }
0x153: {  	[tilespmem:s28+$0x11830] =	vst v0  }
0x154: {  	v0 =	vld [tilespmem:s31+$0x3900];
	_ =	sdelay $0x4  }
0x155: {  	[tilespmem:s28+$0x11840] =	vst v0  }
0x156: {  	v0 =	vld [tilespmem:s31+$0x3910];
	_ =	sdelay $0x4  }
0x157: {  	[tilespmem:s28+$0x11850] =	vst v0  }
0x158: {  	v0 =	vld [tilespmem:s31+$0x3920];
	_ =	sdelay $0x4  }
0x159: {  	[tilespmem:s28+$0x11860] =	vst v0  }
0x15a: {  	v0 =	vld [tilespmem:s31+$0x3930];
	_ =	sdelay $0x4  }
0x15b: {  	[tilespmem:s28+$0x11870] =	vst v0  }
0x15c: {  	v0 =	vld [tilespmem:s31+$0x3980];
	_ =	sdelay $0x4  }
0x15d: {  	[tilespmem:s28+$0x11C00] =	vst v0  }
0x15e: {  	v0 =	vld [tilespmem:s31+$0x3990];
	_ =	sdelay $0x4  }
0x15f: {  	[tilespmem:s28+$0x11C10] =	vst v0  }
0x160: {  	v0 =	vld [tilespmem:s31+$0x39A0];
	_ =	sdelay $0x4  }
0x161: {  	[tilespmem:s28+$0x11C20] =	vst v0  }
0x162: {  	v0 =	vld [tilespmem:s31+$0x39B0];
	_ =	sdelay $0x4  }
0x163: {  	[tilespmem:s28+$0x11C30] =	vst v0  }
0x164: {  	v0 =	vld [tilespmem:s31+$0x3A00];
	_ =	sdelay $0x4  }
0x165: {  	[tilespmem:s28+$0x11C40] =	vst v0  }
0x166: {  	v0 =	vld [tilespmem:s31+$0x3A10];
	_ =	sdelay $0x4  }
0x167: {  	[tilespmem:s28+$0x11C50] =	vst v0  }
0x168: {  	v0 =	vld [tilespmem:s31+$0x3A20];
	_ =	sdelay $0x4  }
0x169: {  	[tilespmem:s28+$0x11C60] =	vst v0  }
0x16a: {  	v0 =	vld [tilespmem:s31+$0x3A30];
	_ =	sdelay $0x4  }
0x16b: {  	[tilespmem:s28+$0x11C70] =	vst v0  }
0x16c: {  	v0 =	vld [tilespmem:s31+$0x3A80];
	_ =	sdelay $0x4  }
0x16d: {  	[tilespmem:s28+$0x12000] =	vst v0  }
0x16e: {  	v0 =	vld [tilespmem:s31+$0x3A90];
	_ =	sdelay $0x4  }
0x16f: {  	[tilespmem:s28+$0x12010] =	vst v0  }
0x170: {  	v0 =	vld [tilespmem:s31+$0x3AA0];
	_ =	sdelay $0x4  }
0x171: {  	[tilespmem:s28+$0x12020] =	vst v0  }
0x172: {  	v0 =	vld [tilespmem:s31+$0x3AB0];
	_ =	sdelay $0x4  }
0x173: {  	[tilespmem:s28+$0x12030] =	vst v0  }
0x174: {  	v0 =	vld [tilespmem:s31+$0x3B00];
	_ =	sdelay $0x4  }
0x175: {  	[tilespmem:s28+$0x12040] =	vst v0  }
0x176: {  	v0 =	vld [tilespmem:s31+$0x3B10];
	_ =	sdelay $0x4  }
0x177: {  	[tilespmem:s28+$0x12050] =	vst v0  }
0x178: {  	v0 =	vld [tilespmem:s31+$0x3B20];
	_ =	sdelay $0x4  }
0x179: {  	[tilespmem:s28+$0x12060] =	vst v0  }
0x17a: {  	v0 =	vld [tilespmem:s31+$0x3B30];
	_ =	sdelay $0x4  }
0x17b: {  	[tilespmem:s28+$0x12070] =	vst v0  }
0x17c: {  	v0 =	vld [tilespmem:s31+$0x3B80];
	_ =	sdelay $0x4  }
0x17d: {  	[tilespmem:s28+$0x12400] =	vst v0  }
0x17e: {  	v0 =	vld [tilespmem:s31+$0x3B90];
	_ =	sdelay $0x4  }
0x17f: {  	[tilespmem:s28+$0x12410] =	vst v0  }
0x180: {  	v0 =	vld [tilespmem:s31+$0x3BA0];
	_ =	sdelay $0x4  }
0x181: {  	[tilespmem:s28+$0x12420] =	vst v0  }
0x182: {  	v0 =	vld [tilespmem:s31+$0x3BB0];
	_ =	sdelay $0x4  }
0x183: {  	[tilespmem:s28+$0x12430] =	vst v0  }
0x184: {  	v0 =	vld [tilespmem:s31+$0x3C00];
	_ =	sdelay $0x4  }
0x185: {  	[tilespmem:s28+$0x12440] =	vst v0  }
0x186: {  	v0 =	vld [tilespmem:s31+$0x3C10];
	_ =	sdelay $0x4  }
0x187: {  	[tilespmem:s28+$0x12450] =	vst v0  }
0x188: {  	v0 =	vld [tilespmem:s31+$0x3C20];
	_ =	sdelay $0x4  }
0x189: {  	[tilespmem:s28+$0x12460] =	vst v0  }
0x18a: {  	v0 =	vld [tilespmem:s31+$0x3C30];
	_ =	sdelay $0x4  }
0x18b: {  	[tilespmem:s28+$0x12470] =	vst v0  }
0x18c: {  	v0 =	vld [tilespmem:s31+$0x3C80];
	_ =	sdelay $0x4  }
0x18d: {  	[tilespmem:s28+$0x12800] =	vst v0  }
0x18e: {  	v0 =	vld [tilespmem:s31+$0x3C90];
	_ =	sdelay $0x4  }
0x18f: {  	[tilespmem:s28+$0x12810] =	vst v0  }
0x190: {  	v0 =	vld [tilespmem:s31+$0x3CA0];
	_ =	sdelay $0x4  }
0x191: {  	[tilespmem:s28+$0x12820] =	vst v0  }
0x192: {  	v0 =	vld [tilespmem:s31+$0x3CB0];
	_ =	sdelay $0x4  }
0x193: {  	[tilespmem:s28+$0x12830] =	vst v0  }
0x194: {  	v0 =	vld [tilespmem:s31+$0x3D00];
	_ =	sdelay $0x4  }
0x195: {  	[tilespmem:s28+$0x12840] =	vst v0  }
0x196: {  	v0 =	vld [tilespmem:s31+$0x3D10];
	_ =	sdelay $0x4  }
0x197: {  	[tilespmem:s28+$0x12850] =	vst v0  }
0x198: {  	v0 =	vld [tilespmem:s31+$0x3D20];
	_ =	sdelay $0x4  }
0x199: {  	[tilespmem:s28+$0x12860] =	vst v0  }
0x19a: {  	v0 =	vld [tilespmem:s31+$0x3D30];
	_ =	sdelay $0x4  }
0x19b: {  	[tilespmem:s28+$0x12870] =	vst v0  }
0x19c: {  	v0 =	vld [tilespmem:s31+$0x3D80];
	_ =	sdelay $0x4  }
0x19d: {  	[tilespmem:s28+$0x12C00] =	vst v0  }
0x19e: {  	v0 =	vld [tilespmem:s31+$0x3D90];
	_ =	sdelay $0x4  }
0x19f: {  	[tilespmem:s28+$0x12C10] =	vst v0  }
0x1a0: {  	v0 =	vld [tilespmem:s31+$0x3DA0];
	_ =	sdelay $0x4  }
0x1a1: {  	[tilespmem:s28+$0x12C20] =	vst v0  }
0x1a2: {  	v0 =	vld [tilespmem:s31+$0x3DB0];
	_ =	sdelay $0x4  }
0x1a3: {  	[tilespmem:s28+$0x12C30] =	vst v0  }
0x1a4: {  	v0 =	vld [tilespmem:s31+$0x3E00];
	_ =	sdelay $0x4  }
0x1a5: {  	[tilespmem:s28+$0x12C40] =	vst v0  }
0x1a6: {  	v0 =	vld [tilespmem:s31+$0x3E10];
	_ =	sdelay $0x4  }
0x1a7: {  	[tilespmem:s28+$0x12C50] =	vst v0  }
0x1a8: {  	v0 =	vld [tilespmem:s31+$0x3E20];
	_ =	sdelay $0x4  }
0x1a9: {  	[tilespmem:s28+$0x12C60] =	vst v0  }
0x1aa: {  	v0 =	vld [tilespmem:s31+$0x3E30];
	_ =	sdelay $0x4  }
0x1ab: {  	[tilespmem:s28+$0x12C70] =	vst v0  }
0x1ac: {  	v0 =	vld [tilespmem:s31+$0x3E80];
	_ =	sdelay $0x4  }
0x1ad: {  	[tilespmem:s28+$0x13000] =	vst v0  }
0x1ae: {  	v0 =	vld [tilespmem:s31+$0x3E90];
	_ =	sdelay $0x4  }
0x1af: {  	[tilespmem:s28+$0x13010] =	vst v0  }
0x1b0: {  	v0 =	vld [tilespmem:s31+$0x3EA0];
	_ =	sdelay $0x4  }
0x1b1: {  	[tilespmem:s28+$0x13020] =	vst v0  }
0x1b2: {  	v0 =	vld [tilespmem:s31+$0x3EB0];
	_ =	sdelay $0x4  }
0x1b3: {  	[tilespmem:s28+$0x13030] =	vst v0  }
0x1b4: {  	v0 =	vld [tilespmem:s31+$0x3F00];
	_ =	sdelay $0x4  }
0x1b5: {  	[tilespmem:s28+$0x13040] =	vst v0  }
0x1b6: {  	v0 =	vld [tilespmem:s31+$0x3F10];
	_ =	sdelay $0x4  }
0x1b7: {  	[tilespmem:s28+$0x13050] =	vst v0  }
0x1b8: {  	v0 =	vld [tilespmem:s31+$0x3F20];
	_ =	sdelay $0x4  }
0x1b9: {  	[tilespmem:s28+$0x13060] =	vst v0  }
0x1ba: {  	v0 =	vld [tilespmem:s31+$0x3F30];
	_ =	sdelay $0x4  }
0x1bb: {  	[tilespmem:s28+$0x13070] =	vst v0  }
0x1bc: {  	v0 =	vld [tilespmem:s31+$0x3F80];
	_ =	sdelay $0x4  }
0x1bd: {  	[tilespmem:s28+$0x13400] =	vst v0  }
0x1be: {  	v0 =	vld [tilespmem:s31+$0x3F90];
	_ =	sdelay $0x4  }
0x1bf: {  	[tilespmem:s28+$0x13410] =	vst v0  }
0x1c0: {  	v0 =	vld [tilespmem:s31+$0x3FA0];
	_ =	sdelay $0x4  }
0x1c1: {  	[tilespmem:s28+$0x13420] =	vst v0  }
0x1c2: {  	v0 =	vld [tilespmem:s31+$0x3FB0];
	_ =	sdelay $0x4  }
0x1c3: {  	[tilespmem:s28+$0x13430] =	vst v0  }
0x1c4: {  	v0 =	vld [tilespmem:s31+$0x4000];
	_ =	sdelay $0x4  }
0x1c5: {  	[tilespmem:s28+$0x13440] =	vst v0  }
0x1c6: {  	v0 =	vld [tilespmem:s31+$0x4010];
	_ =	sdelay $0x4  }
0x1c7: {  	[tilespmem:s28+$0x13450] =	vst v0  }
0x1c8: {  	v0 =	vld [tilespmem:s31+$0x4020];
	_ =	sdelay $0x4  }
0x1c9: {  	[tilespmem:s28+$0x13460] =	vst v0  }
0x1ca: {  	v0 =	vld [tilespmem:s31+$0x4030];
	_ =	sdelay $0x4  }
0x1cb: {  	[tilespmem:s28+$0x13470] =	vst v0  }
0x1cc: {  	v0 =	vld [tilespmem:s31+$0x4080];
	_ =	sdelay $0x4  }
0x1cd: {  	[tilespmem:s28+$0x13800] =	vst v0  }
0x1ce: {  	v0 =	vld [tilespmem:s31+$0x4090];
	_ =	sdelay $0x4  }
0x1cf: {  	[tilespmem:s28+$0x13810] =	vst v0  }
0x1d0: {  	v0 =	vld [tilespmem:s31+$0x40A0];
	_ =	sdelay $0x4  }
.Ltmp2:
0x1d1: {  	[tilespmem:s28+$0x13820] =	vst v0;
	(pc) =	sbr.rel @p0 .LBB2_3-.Ltmp2, $2  }
0x1d2: {  	v0 =	vld [tilespmem:s31+$0x40B0];
	_ =	sdelay $0x2  }
0x1d3: {  	s30 =	sadd.s32 $0x1, s30;
	s1 =	smul.u32 $0x3400, s29  }
0x1d4: {  	_ = 	snop  }
0x1d5: {  	s30 =	sshra.s32 s1, $0x2;
	[tilespmem:s28+$0x13830] =	vst v0  }
0x1d6: {  	v0 =	vld [tilespmem:s30+$0x3400];
	_ =	sdelay $0x2  }
0x1d7: {  	s1 =	sshll.u32 s29, $0x9  }
0x1d8: {  	s1 =	sshra.s32 s1, $0x2  }
0x1d9: {  	[tilespmem:s1+$0x10440] =	vst v0  }
0x1da: {  	v0 =	vld [tilespmem:s30+$0x3410];
	_ =	sdelay $0x4  }
0x1db: {  	[tilespmem:s1+$0x10450] =	vst v0  }
0x1dc: {  	v0 =	vld [tilespmem:s30+$0x3420];
	_ =	sdelay $0x4  }
0x1dd: {  	[tilespmem:s1+$0x10460] =	vst v0  }
0x1de: {  	v0 =	vld [tilespmem:s30+$0x3430];
	_ =	sdelay $0x4  }
0x1df: {  	[tilespmem:s1+$0x10470] =	vst v0  }
0x1e0: {  	v0 =	vld [tilespmem:s30+$0x3480];
	_ =	sdelay $0x4  }
0x1e1: {  	[tilespmem:s1+$0x10800] =	vst v0  }
0x1e2: {  	v0 =	vld [tilespmem:s30+$0x3490];
	_ =	sdelay $0x4  }
0x1e3: {  	[tilespmem:s1+$0x10810] =	vst v0  }
0x1e4: {  	v0 =	vld [tilespmem:s30+$0x34A0];
	_ =	sdelay $0x4  }
0x1e5: {  	[tilespmem:s1+$0x10820] =	vst v0  }
0x1e6: {  	v0 =	vld [tilespmem:s30+$0x34B0];
	_ =	sdelay $0x4  }
0x1e7: {  	[tilespmem:s1+$0x10830] =	vst v0  }
0x1e8: {  	v0 =	vld [tilespmem:s30+$0x3500];
	_ =	sdelay $0x4  }
0x1e9: {  	[tilespmem:s1+$0x10840] =	vst v0  }
0x1ea: {  	v0 =	vld [tilespmem:s30+$0x3510];
	_ =	sdelay $0x4  }
0x1eb: {  	[tilespmem:s1+$0x10850] =	vst v0  }
0x1ec: {  	v0 =	vld [tilespmem:s30+$0x3520];
	_ =	sdelay $0x4  }
0x1ed: {  	[tilespmem:s1+$0x10860] =	vst v0  }
0x1ee: {  	v0 =	vld [tilespmem:s30+$0x3530];
	_ =	sdelay $0x4  }
0x1ef: {  	[tilespmem:s1+$0x10870] =	vst v0  }
0x1f0: {  	v0 =	vld [tilespmem:s30+$0x3580];
	_ =	sdelay $0x4  }
0x1f1: {  	[tilespmem:s1+$0x10C00] =	vst v0  }
0x1f2: {  	v0 =	vld [tilespmem:s30+$0x3590];
	_ =	sdelay $0x4  }
0x1f3: {  	[tilespmem:s1+$0x10C10] =	vst v0  }
0x1f4: {  	v0 =	vld [tilespmem:s30+$0x35A0];
	_ =	sdelay $0x4  }
0x1f5: {  	[tilespmem:s1+$0x10C20] =	vst v0  }
0x1f6: {  	v0 =	vld [tilespmem:s30+$0x35B0];
	_ =	sdelay $0x4  }
0x1f7: {  	[tilespmem:s1+$0x10C30] =	vst v0  }
0x1f8: {  	v0 =	vld [tilespmem:s30+$0x3600];
	_ =	sdelay $0x4  }
0x1f9: {  	[tilespmem:s1+$0x10C40] =	vst v0  }
0x1fa: {  	v0 =	vld [tilespmem:s30+$0x3610];
	_ =	sdelay $0x4  }
0x1fb: {  	[tilespmem:s1+$0x10C50] =	vst v0  }
0x1fc: {  	v0 =	vld [tilespmem:s30+$0x3620];
	_ =	sdelay $0x4  }
0x1fd: {  	[tilespmem:s1+$0x10C60] =	vst v0  }
0x1fe: {  	v0 =	vld [tilespmem:s30+$0x3630];
	_ =	sdelay $0x4  }
0x1ff: {  	[tilespmem:s1+$0x10C70] =	vst v0  }
0x200: {  	v0 =	vld [tilespmem:s30+$0x3680];
	_ =	sdelay $0x4  }
0x201: {  	[tilespmem:s1+$0x11000] =	vst v0  }
0x202: {  	v0 =	vld [tilespmem:s30+$0x3690];
	_ =	sdelay $0x4  }
0x203: {  	[tilespmem:s1+$0x11010] =	vst v0  }
0x204: {  	v0 =	vld [tilespmem:s30+$0x36A0];
	_ =	sdelay $0x4  }
0x205: {  	[tilespmem:s1+$0x11020] =	vst v0  }
0x206: {  	v0 =	vld [tilespmem:s30+$0x36B0];
	_ =	sdelay $0x4  }
0x207: {  	[tilespmem:s1+$0x11030] =	vst v0  }
0x208: {  	v0 =	vld [tilespmem:s30+$0x3700];
	_ =	sdelay $0x4  }
0x209: {  	[tilespmem:s1+$0x11040] =	vst v0  }
0x20a: {  	v0 =	vld [tilespmem:s30+$0x3710];
	_ =	sdelay $0x4  }
0x20b: {  	[tilespmem:s1+$0x11050] =	vst v0  }
0x20c: {  	v0 =	vld [tilespmem:s30+$0x3720];
	_ =	sdelay $0x4  }
0x20d: {  	[tilespmem:s1+$0x11060] =	vst v0  }
0x20e: {  	v0 =	vld [tilespmem:s30+$0x3730];
	_ =	sdelay $0x4  }
0x20f: {  	[tilespmem:s1+$0x11070] =	vst v0  }
0x210: {  	v0 =	vld [tilespmem:s30+$0x3780];
	_ =	sdelay $0x4  }
0x211: {  	[tilespmem:s1+$0x11400] =	vst v0  }
0x212: {  	v0 =	vld [tilespmem:s30+$0x3790];
	_ =	sdelay $0x4  }
0x213: {  	[tilespmem:s1+$0x11410] =	vst v0  }
0x214: {  	v0 =	vld [tilespmem:s30+$0x37A0];
	_ =	sdelay $0x4  }
0x215: {  	[tilespmem:s1+$0x11420] =	vst v0  }
0x216: {  	v0 =	vld [tilespmem:s30+$0x37B0];
	_ =	sdelay $0x4  }
0x217: {  	[tilespmem:s1+$0x11430] =	vst v0  }
0x218: {  	v0 =	vld [tilespmem:s30+$0x3800];
	_ =	sdelay $0x4  }
0x219: {  	[tilespmem:s1+$0x11440] =	vst v0  }
0x21a: {  	v0 =	vld [tilespmem:s30+$0x3810];
	_ =	sdelay $0x4  }
0x21b: {  	[tilespmem:s1+$0x11450] =	vst v0  }
0x21c: {  	v0 =	vld [tilespmem:s30+$0x3820];
	_ =	sdelay $0x4  }
0x21d: {  	[tilespmem:s1+$0x11460] =	vst v0  }
0x21e: {  	v0 =	vld [tilespmem:s30+$0x3830];
	_ =	sdelay $0x4  }
0x21f: {  	[tilespmem:s1+$0x11470] =	vst v0  }
0x220: {  	v0 =	vld [tilespmem:s30+$0x3880];
	_ =	sdelay $0x4  }
0x221: {  	[tilespmem:s1+$0x11800] =	vst v0  }
0x222: {  	v0 =	vld [tilespmem:s30+$0x3890];
	_ =	sdelay $0x4  }
0x223: {  	[tilespmem:s1+$0x11810] =	vst v0  }
0x224: {  	v0 =	vld [tilespmem:s30+$0x38A0];
	_ =	sdelay $0x4  }
0x225: {  	[tilespmem:s1+$0x11820] =	vst v0  }
0x226: {  	v0 =	vld [tilespmem:s30+$0x38B0];
	_ =	sdelay $0x4  }
0x227: {  	[tilespmem:s1+$0x11830] =	vst v0  }
0x228: {  	v0 =	vld [tilespmem:s30+$0x3900];
	_ =	sdelay $0x4  }
0x229: {  	[tilespmem:s1+$0x11840] =	vst v0  }
0x22a: {  	v0 =	vld [tilespmem:s30+$0x3910];
	_ =	sdelay $0x4  }
0x22b: {  	[tilespmem:s1+$0x11850] =	vst v0  }
0x22c: {  	v0 =	vld [tilespmem:s30+$0x3920];
	_ =	sdelay $0x4  }
0x22d: {  	[tilespmem:s1+$0x11860] =	vst v0  }
0x22e: {  	v0 =	vld [tilespmem:s30+$0x3930];
	_ =	sdelay $0x4  }
0x22f: {  	[tilespmem:s1+$0x11870] =	vst v0  }
0x230: {  	v0 =	vld [tilespmem:s30+$0x3980];
	_ =	sdelay $0x4  }
0x231: {  	[tilespmem:s1+$0x11C00] =	vst v0  }
0x232: {  	v0 =	vld [tilespmem:s30+$0x3990];
	_ =	sdelay $0x4  }
0x233: {  	[tilespmem:s1+$0x11C10] =	vst v0  }
0x234: {  	v0 =	vld [tilespmem:s30+$0x39A0];
	_ =	sdelay $0x4  }
0x235: {  	[tilespmem:s1+$0x11C20] =	vst v0  }
0x236: {  	v0 =	vld [tilespmem:s30+$0x39B0];
	_ =	sdelay $0x4  }
0x237: {  	[tilespmem:s1+$0x11C30] =	vst v0  }
0x238: {  	v0 =	vld [tilespmem:s30+$0x3A00];
	_ =	sdelay $0x4  }
0x239: {  	[tilespmem:s1+$0x11C40] =	vst v0  }
0x23a: {  	v0 =	vld [tilespmem:s30+$0x3A10];
	_ =	sdelay $0x4  }
0x23b: {  	[tilespmem:s1+$0x11C50] =	vst v0  }
0x23c: {  	v0 =	vld [tilespmem:s30+$0x3A20];
	_ =	sdelay $0x4  }
0x23d: {  	[tilespmem:s1+$0x11C60] =	vst v0  }
0x23e: {  	v0 =	vld [tilespmem:s30+$0x3A30];
	_ =	sdelay $0x4  }
0x23f: {  	[tilespmem:s1+$0x11C70] =	vst v0  }
0x240: {  	v0 =	vld [tilespmem:s30+$0x3A80];
	_ =	sdelay $0x4  }
0x241: {  	[tilespmem:s1+$0x12000] =	vst v0  }
0x242: {  	v0 =	vld [tilespmem:s30+$0x3A90];
	_ =	sdelay $0x4  }
0x243: {  	[tilespmem:s1+$0x12010] =	vst v0  }
0x244: {  	v0 =	vld [tilespmem:s30+$0x3AA0];
	_ =	sdelay $0x4  }
0x245: {  	[tilespmem:s1+$0x12020] =	vst v0  }
0x246: {  	v0 =	vld [tilespmem:s30+$0x3AB0];
	_ =	sdelay $0x4  }
0x247: {  	[tilespmem:s1+$0x12030] =	vst v0  }
0x248: {  	v0 =	vld [tilespmem:s30+$0x3B00];
	_ =	sdelay $0x4  }
0x249: {  	[tilespmem:s1+$0x12040] =	vst v0  }
0x24a: {  	v0 =	vld [tilespmem:s30+$0x3B10];
	_ =	sdelay $0x4  }
0x24b: {  	[tilespmem:s1+$0x12050] =	vst v0  }
0x24c: {  	v0 =	vld [tilespmem:s30+$0x3B20];
	_ =	sdelay $0x4  }
0x24d: {  	[tilespmem:s1+$0x12060] =	vst v0  }
0x24e: {  	v0 =	vld [tilespmem:s30+$0x3B30];
	_ =	sdelay $0x4  }
0x24f: {  	[tilespmem:s1+$0x12070] =	vst v0  }
0x250: {  	v0 =	vld [tilespmem:s30+$0x3B80];
	_ =	sdelay $0x4  }
0x251: {  	[tilespmem:s1+$0x12400] =	vst v0  }
0x252: {  	v0 =	vld [tilespmem:s30+$0x3B90];
	_ =	sdelay $0x4  }
0x253: {  	[tilespmem:s1+$0x12410] =	vst v0  }
0x254: {  	v0 =	vld [tilespmem:s30+$0x3BA0];
	_ =	sdelay $0x4  }
0x255: {  	[tilespmem:s1+$0x12420] =	vst v0  }
0x256: {  	v0 =	vld [tilespmem:s30+$0x3BB0];
	_ =	sdelay $0x4  }
0x257: {  	[tilespmem:s1+$0x12430] =	vst v0  }
0x258: {  	v0 =	vld [tilespmem:s30+$0x3C00];
	_ =	sdelay $0x4  }
0x259: {  	[tilespmem:s1+$0x12440] =	vst v0  }
0x25a: {  	v0 =	vld [tilespmem:s30+$0x3C10];
	_ =	sdelay $0x4  }
0x25b: {  	[tilespmem:s1+$0x12450] =	vst v0  }
0x25c: {  	v0 =	vld [tilespmem:s30+$0x3C20];
	_ =	sdelay $0x4  }
0x25d: {  	[tilespmem:s1+$0x12460] =	vst v0  }
0x25e: {  	v0 =	vld [tilespmem:s30+$0x3C30];
	_ =	sdelay $0x4  }
0x25f: {  	[tilespmem:s1+$0x12470] =	vst v0  }
0x260: {  	v0 =	vld [tilespmem:s30+$0x3C80];
	_ =	sdelay $0x4  }
0x261: {  	[tilespmem:s1+$0x12800] =	vst v0  }
0x262: {  	v0 =	vld [tilespmem:s30+$0x3C90];
	_ =	sdelay $0x4  }
0x263: {  	[tilespmem:s1+$0x12810] =	vst v0  }
0x264: {  	v0 =	vld [tilespmem:s30+$0x3CA0];
	_ =	sdelay $0x4  }
0x265: {  	[tilespmem:s1+$0x12820] =	vst v0  }
0x266: {  	v0 =	vld [tilespmem:s30+$0x3CB0];
	_ =	sdelay $0x4  }
0x267: {  	[tilespmem:s1+$0x12830] =	vst v0  }
0x268: {  	v0 =	vld [tilespmem:s30+$0x3D00];
	_ =	sdelay $0x4  }
0x269: {  	[tilespmem:s1+$0x12840] =	vst v0  }
0x26a: {  	v0 =	vld [tilespmem:s30+$0x3D10];
	_ =	sdelay $0x4  }
0x26b: {  	[tilespmem:s1+$0x12850] =	vst v0  }
0x26c: {  	v0 =	vld [tilespmem:s30+$0x3D20];
	_ =	sdelay $0x4  }
0x26d: {  	[tilespmem:s1+$0x12860] =	vst v0  }
0x26e: {  	v0 =	vld [tilespmem:s30+$0x3D30];
	_ =	sdelay $0x4  }
0x26f: {  	[tilespmem:s1+$0x12870] =	vst v0  }
0x270: {  	v0 =	vld [tilespmem:s30+$0x3D80];
	_ =	sdelay $0x4  }
0x271: {  	[tilespmem:s1+$0x12C00] =	vst v0  }
0x272: {  	v0 =	vld [tilespmem:s30+$0x3D90];
	_ =	sdelay $0x4  }
0x273: {  	[tilespmem:s1+$0x12C10] =	vst v0  }
0x274: {  	v0 =	vld [tilespmem:s30+$0x3DA0];
	_ =	sdelay $0x4  }
0x275: {  	[tilespmem:s1+$0x12C20] =	vst v0  }
0x276: {  	v0 =	vld [tilespmem:s30+$0x3DB0];
	_ =	sdelay $0x4  }
0x277: {  	[tilespmem:s1+$0x12C30] =	vst v0  }
0x278: {  	v0 =	vld [tilespmem:s30+$0x3E00];
	_ =	sdelay $0x4  }
0x279: {  	[tilespmem:s1+$0x12C40] =	vst v0  }
0x27a: {  	v0 =	vld [tilespmem:s30+$0x3E10];
	_ =	sdelay $0x4  }
0x27b: {  	[tilespmem:s1+$0x12C50] =	vst v0  }
0x27c: {  	v0 =	vld [tilespmem:s30+$0x3E20];
	_ =	sdelay $0x4  }
0x27d: {  	[tilespmem:s1+$0x12C60] =	vst v0  }
0x27e: {  	v0 =	vld [tilespmem:s30+$0x3E30];
	_ =	sdelay $0x4  }
0x27f: {  	[tilespmem:s1+$0x12C70] =	vst v0  }
0x280: {  	v0 =	vld [tilespmem:s30+$0x3E80];
	_ =	sdelay $0x4  }
0x281: {  	[tilespmem:s1+$0x13000] =	vst v0  }
0x282: {  	v0 =	vld [tilespmem:s30+$0x3E90];
	_ =	sdelay $0x4  }
0x283: {  	[tilespmem:s1+$0x13010] =	vst v0  }
0x284: {  	v0 =	vld [tilespmem:s30+$0x3EA0];
	_ =	sdelay $0x4  }
0x285: {  	[tilespmem:s1+$0x13020] =	vst v0  }
0x286: {  	v0 =	vld [tilespmem:s30+$0x3EB0];
	_ =	sdelay $0x4  }
0x287: {  	[tilespmem:s1+$0x13030] =	vst v0  }
0x288: {  	v0 =	vld [tilespmem:s30+$0x3F00];
	_ =	sdelay $0x4  }
0x289: {  	[tilespmem:s1+$0x13040] =	vst v0  }
0x28a: {  	v0 =	vld [tilespmem:s30+$0x3F10];
	_ =	sdelay $0x4  }
0x28b: {  	[tilespmem:s1+$0x13050] =	vst v0  }
0x28c: {  	v0 =	vld [tilespmem:s30+$0x3F20];
	_ =	sdelay $0x4  }
0x28d: {  	[tilespmem:s1+$0x13060] =	vst v0  }
0x28e: {  	v0 =	vld [tilespmem:s30+$0x3F30];
	_ =	sdelay $0x4  }
0x28f: {  	[tilespmem:s1+$0x13070] =	vst v0  }
0x290: {  	v0 =	vld [tilespmem:s30+$0x3F80];
	_ =	sdelay $0x4  }
0x291: {  	[tilespmem:s1+$0x13400] =	vst v0  }
0x292: {  	v0 =	vld [tilespmem:s30+$0x3F90];
	_ =	sdelay $0x4  }
0x293: {  	[tilespmem:s1+$0x13410] =	vst v0  }
0x294: {  	v0 =	vld [tilespmem:s30+$0x3FA0];
	_ =	sdelay $0x4  }
0x295: {  	[tilespmem:s1+$0x13420] =	vst v0  }
0x296: {  	v0 =	vld [tilespmem:s30+$0x3FB0];
	_ =	sdelay $0x4  }
0x297: {  	[tilespmem:s1+$0x13430] =	vst v0  }
0x298: {  	v0 =	vld [tilespmem:s30+$0x4000];
	_ =	sdelay $0x4  }
0x299: {  	[tilespmem:s1+$0x13440] =	vst v0  }
0x29a: {  	v0 =	vld [tilespmem:s30+$0x4010];
	_ =	sdelay $0x4  }
0x29b: {  	[tilespmem:s1+$0x13450] =	vst v0  }
0x29c: {  	v0 =	vld [tilespmem:s30+$0x4020];
	_ =	sdelay $0x4  }
0x29d: {  	[tilespmem:s1+$0x13460] =	vst v0  }
0x29e: {  	v0 =	vld [tilespmem:s30+$0x4030];
	_ =	sdelay $0x4  }
0x29f: {  	[tilespmem:s1+$0x13470] =	vst v0  }
0x2a0: {  	v0 =	vld [tilespmem:s30+$0x4080];
	_ =	sdelay $0x4  }
0x2a1: {  	[tilespmem:s1+$0x13800] =	vst v0  }
0x2a2: {  	v0 =	vld [tilespmem:s30+$0x4090];
	_ =	sdelay $0x4  }
0x2a3: {  	[tilespmem:s1+$0x13810] =	vst v0  }
0x2a4: {  	v0 =	vld [tilespmem:s30+$0x40A0];
	_ =	sdelay $0x4  }
0x2a5: {  	[tilespmem:s1+$0x13820] =	vst v0  }
0x2a6: {  	s28 =	sshll.u32 s26, $0x4;
	v0 =	vld [tilespmem:s30+$0x40B0]  }
0x2a7: {  	s28 =	sor.u32 s5, s28  }
0x2a8: {  	s28 =	sshrl.u32 s28, $0x3  }
0x2a9: {  	s28 =	smul.u32 $0x700, s28  }
0x2aa: {  	p0 =	seq.s32 s26, $0x1F  }
0x2ab: {  	s29 =	smul.u32 @!p0 $0x680, s26;
	[tilespmem:s1+$0x13830] =	vst v0;
	s1 =	sadd.s32 s4, s28  }
0x2ac: {  	[hbm4b:s1+s2] =	stream.linear.scatter [tilespmem:s19], [sflag:$0x3], $0x3800, $0x38;
	[tilespmem:$0x17400] =	vst v63  }
0x2ad: {  	s1 =	sshra.s32 @!p0 s29, $0x2  }
0x2ae: {  	s31 =	simm.s32 @!p0 $0x3400;
	s30 =	simm.s32 @!p0 $0x68;
	s29 =	sadd.s32 @!p0 $0x1A0, s1  }
0x2af: {  	[tilespmem:s31], [sflag:$0x1] =	stream.indirect.gather @!p0 [hbm4b:s3+s30], $0x80, s29, s30, $0xb8;
	[tilespmem:$0x17400] =	vst v63  }
0x2b0: {  	s1 =	sadd.s32 @!p0 $0x208, s1;
	s29 =	simm.s32 @!p0 $0x6800  }
0x2b1: {  	[tilespmem:s29], [sflag:$0x1] =	stream.indirect.gather @!p0 [hbm4b:s3+s30], $0x80, s1, s30, $0xb8;
	[tilespmem:$0x17400] =	vst v63  }
0x2b2: {  	_ =	swait.ge [sflag:s23], $0x3800  }
0x2b3: {  	[sflag:s23] =	ssyncset.done $0x0  }
0x2b4: {  	[sflag:s23] =	ssyncadd.s32 $0xFFFFC800  }
0x2b5: {  	_ =	swait.ge [sflag:s24], $0x3400  }
0x2b6: {  	[sflag:s24] =	ssyncset.done $0x0  }
0x2b7: {  	s1 =	simm.s32 $0x0;
	[sflag:s24] =	ssyncadd.s32 $0xFFFFCC00  }
0x2b8: {  	s1 =	smul.u32 $0x3400, s1;
	_ =	swait.ge [sflag:s24], $0x3400  }
0x2b9: {  	[sflag:s24] =	ssyncset.done $0x0  }
0x2ba: {  	s1 =	sshra.s32 s1, $0x2;
	[sflag:s24] =	ssyncadd.s32 $0xFFFFCC00  }
0x2bb: {  	v0 =	vld [tilespmem:s1+$0x9C00];
	_ =	sdelay $0x3  }
0x2bc: {  	s29 =	simm.s32 $0x0  }
0x2bd: {  	[tilespmem:s29+$0x13C40] =	vst v0  }
0x2be: {  	v0 =	vld [tilespmem:s1+$0x9C10];
	_ =	sdelay $0x4  }
0x2bf: {  	[tilespmem:s29+$0x13C50] =	vst v0  }
0x2c0: {  	v0 =	vld [tilespmem:s1+$0x9C20];
	_ =	sdelay $0x4  }
0x2c1: {  	[tilespmem:s29+$0x13C60] =	vst v0  }
0x2c2: {  	v0 =	vld [tilespmem:s1+$0x9C30];
	_ =	sdelay $0x4  }
0x2c3: {  	[tilespmem:s29+$0x13C70] =	vst v0  }
0x2c4: {  	v0 =	vld [tilespmem:s1+$0x9C80];
	_ =	sdelay $0x4  }
0x2c5: {  	[tilespmem:s29+$0x14000] =	vst v0  }
0x2c6: {  	v0 =	vld [tilespmem:s1+$0x9C90];
	_ =	sdelay $0x4  }
0x2c7: {  	[tilespmem:s29+$0x14010] =	vst v0  }
0x2c8: {  	v0 =	vld [tilespmem:s1+$0x9CA0];
	_ =	sdelay $0x4  }
0x2c9: {  	[tilespmem:s29+$0x14020] =	vst v0  }
0x2ca: {  	v0 =	vld [tilespmem:s1+$0x9CB0];
	_ =	sdelay $0x4  }
0x2cb: {  	[tilespmem:s29+$0x14030] =	vst v0  }
0x2cc: {  	v0 =	vld [tilespmem:s1+$0x9D00];
	_ =	sdelay $0x4  }
0x2cd: {  	[tilespmem:s29+$0x14040] =	vst v0  }
0x2ce: {  	v0 =	vld [tilespmem:s1+$0x9D10];
	_ =	sdelay $0x4  }
0x2cf: {  	[tilespmem:s29+$0x14050] =	vst v0  }
0x2d0: {  	v0 =	vld [tilespmem:s1+$0x9D20];
	_ =	sdelay $0x4  }
0x2d1: {  	[tilespmem:s29+$0x14060] =	vst v0  }
0x2d2: {  	v0 =	vld [tilespmem:s1+$0x9D30];
	_ =	sdelay $0x4  }
0x2d3: {  	[tilespmem:s29+$0x14070] =	vst v0  }
0x2d4: {  	v0 =	vld [tilespmem:s1+$0x9D80];
	_ =	sdelay $0x4  }
0x2d5: {  	[tilespmem:s29+$0x14400] =	vst v0  }
0x2d6: {  	v0 =	vld [tilespmem:s1+$0x9D90];
	_ =	sdelay $0x4  }
0x2d7: {  	[tilespmem:s29+$0x14410] =	vst v0  }
0x2d8: {  	v0 =	vld [tilespmem:s1+$0x9DA0];
	_ =	sdelay $0x4  }
0x2d9: {  	[tilespmem:s29+$0x14420] =	vst v0  }
0x2da: {  	v0 =	vld [tilespmem:s1+$0x9DB0];
	_ =	sdelay $0x4  }
0x2db: {  	[tilespmem:s29+$0x14430] =	vst v0  }
0x2dc: {  	v0 =	vld [tilespmem:s1+$0x9E00];
	_ =	sdelay $0x4  }
0x2dd: {  	[tilespmem:s29+$0x14440] =	vst v0  }
0x2de: {  	v0 =	vld [tilespmem:s1+$0x9E10];
	_ =	sdelay $0x4  }
0x2df: {  	[tilespmem:s29+$0x14450] =	vst v0  }
0x2e0: {  	v0 =	vld [tilespmem:s1+$0x9E20];
	_ =	sdelay $0x4  }
0x2e1: {  	[tilespmem:s29+$0x14460] =	vst v0  }
0x2e2: {  	v0 =	vld [tilespmem:s1+$0x9E30];
	_ =	sdelay $0x4  }
0x2e3: {  	[tilespmem:s29+$0x14470] =	vst v0  }
0x2e4: {  	v0 =	vld [tilespmem:s1+$0x9E80];
	_ =	sdelay $0x4  }
0x2e5: {  	[tilespmem:s29+$0x14800] =	vst v0  }
0x2e6: {  	v0 =	vld [tilespmem:s1+$0x9E90];
	_ =	sdelay $0x4  }
0x2e7: {  	[tilespmem:s29+$0x14810] =	vst v0  }
0x2e8: {  	v0 =	vld [tilespmem:s1+$0x9EA0];
	_ =	sdelay $0x4  }
0x2e9: {  	[tilespmem:s29+$0x14820] =	vst v0  }
0x2ea: {  	v0 =	vld [tilespmem:s1+$0x9EB0];
	_ =	sdelay $0x4  }
0x2eb: {  	[tilespmem:s29+$0x14830] =	vst v0  }
0x2ec: {  	v0 =	vld [tilespmem:s1+$0x9F00];
	_ =	sdelay $0x4  }
0x2ed: {  	[tilespmem:s29+$0x14840] =	vst v0  }
0x2ee: {  	v0 =	vld [tilespmem:s1+$0x9F10];
	_ =	sdelay $0x4  }
0x2ef: {  	[tilespmem:s29+$0x14850] =	vst v0  }
0x2f0: {  	v0 =	vld [tilespmem:s1+$0x9F20];
	_ =	sdelay $0x4  }
0x2f1: {  	[tilespmem:s29+$0x14860] =	vst v0  }
0x2f2: {  	v0 =	vld [tilespmem:s1+$0x9F30];
	_ =	sdelay $0x4  }
0x2f3: {  	[tilespmem:s29+$0x14870] =	vst v0  }
0x2f4: {  	v0 =	vld [tilespmem:s1+$0x9F80];
	_ =	sdelay $0x4  }
0x2f5: {  	[tilespmem:s29+$0x14C00] =	vst v0  }
0x2f6: {  	v0 =	vld [tilespmem:s1+$0x9F90];
	_ =	sdelay $0x4  }
0x2f7: {  	[tilespmem:s29+$0x14C10] =	vst v0  }
0x2f8: {  	v0 =	vld [tilespmem:s1+$0x9FA0];
	_ =	sdelay $0x4  }
0x2f9: {  	[tilespmem:s29+$0x14C20] =	vst v0  }
0x2fa: {  	v0 =	vld [tilespmem:s1+$0x9FB0];
	_ =	sdelay $0x4  }
0x2fb: {  	[tilespmem:s29+$0x14C30] =	vst v0  }
0x2fc: {  	v0 =	vld [tilespmem:s1+$0xA000];
	_ =	sdelay $0x4  }
0x2fd: {  	[tilespmem:s29+$0x14C40] =	vst v0  }
0x2fe: {  	v0 =	vld [tilespmem:s1+$0xA010];
	_ =	sdelay $0x4  }
0x2ff: {  	[tilespmem:s29+$0x14C50] =	vst v0  }
0x300: {  	v0 =	vld [tilespmem:s1+$0xA020];
	_ =	sdelay $0x4  }
0x301: {  	[tilespmem:s29+$0x14C60] =	vst v0  }
0x302: {  	v0 =	vld [tilespmem:s1+$0xA030];
	_ =	sdelay $0x4  }
0x303: {  	[tilespmem:s29+$0x14C70] =	vst v0  }
0x304: {  	v0 =	vld [tilespmem:s1+$0xA080];
	_ =	sdelay $0x4  }
0x305: {  	[tilespmem:s29+$0x15000] =	vst v0  }
0x306: {  	v0 =	vld [tilespmem:s1+$0xA090];
	_ =	sdelay $0x4  }
0x307: {  	[tilespmem:s29+$0x15010] =	vst v0  }
0x308: {  	v0 =	vld [tilespmem:s1+$0xA0A0];
	_ =	sdelay $0x4  }
0x309: {  	[tilespmem:s29+$0x15020] =	vst v0  }
0x30a: {  	v0 =	vld [tilespmem:s1+$0xA0B0];
	_ =	sdelay $0x4  }
0x30b: {  	[tilespmem:s29+$0x15030] =	vst v0  }
0x30c: {  	v0 =	vld [tilespmem:s1+$0xA100];
	_ =	sdelay $0x4  }
0x30d: {  	[tilespmem:s29+$0x15040] =	vst v0  }
0x30e: {  	v0 =	vld [tilespmem:s1+$0xA110];
	_ =	sdelay $0x4  }
0x30f: {  	[tilespmem:s29+$0x15050] =	vst v0  }
0x310: {  	v0 =	vld [tilespmem:s1+$0xA120];
	_ =	sdelay $0x4  }
0x311: {  	[tilespmem:s29+$0x15060] =	vst v0  }
0x312: {  	v0 =	vld [tilespmem:s1+$0xA130];
	_ =	sdelay $0x4  }
0x313: {  	[tilespmem:s29+$0x15070] =	vst v0  }
0x314: {  	v0 =	vld [tilespmem:s1+$0xA180];
	_ =	sdelay $0x4  }
0x315: {  	[tilespmem:s29+$0x15400] =	vst v0  }
0x316: {  	v0 =	vld [tilespmem:s1+$0xA190];
	_ =	sdelay $0x4  }
0x317: {  	[tilespmem:s29+$0x15410] =	vst v0  }
0x318: {  	v0 =	vld [tilespmem:s1+$0xA1A0];
	_ =	sdelay $0x4  }
0x319: {  	[tilespmem:s29+$0x15420] =	vst v0  }
0x31a: {  	v0 =	vld [tilespmem:s1+$0xA1B0];
	_ =	sdelay $0x4  }
0x31b: {  	[tilespmem:s29+$0x15430] =	vst v0  }
0x31c: {  	v0 =	vld [tilespmem:s1+$0xA200];
	_ =	sdelay $0x4  }
0x31d: {  	[tilespmem:s29+$0x15440] =	vst v0  }
0x31e: {  	v0 =	vld [tilespmem:s1+$0xA210];
	_ =	sdelay $0x4  }
0x31f: {  	[tilespmem:s29+$0x15450] =	vst v0  }
0x320: {  	v0 =	vld [tilespmem:s1+$0xA220];
	_ =	sdelay $0x4  }
0x321: {  	[tilespmem:s29+$0x15460] =	vst v0  }
0x322: {  	v0 =	vld [tilespmem:s1+$0xA230];
	_ =	sdelay $0x4  }
0x323: {  	[tilespmem:s29+$0x15470] =	vst v0  }
0x324: {  	v0 =	vld [tilespmem:s1+$0xA280];
	_ =	sdelay $0x4  }
0x325: {  	[tilespmem:s29+$0x15800] =	vst v0  }
0x326: {  	v0 =	vld [tilespmem:s1+$0xA290];
	_ =	sdelay $0x4  }
0x327: {  	[tilespmem:s29+$0x15810] =	vst v0  }
0x328: {  	v0 =	vld [tilespmem:s1+$0xA2A0];
	_ =	sdelay $0x4  }
0x329: {  	[tilespmem:s29+$0x15820] =	vst v0  }
0x32a: {  	v0 =	vld [tilespmem:s1+$0xA2B0];
	_ =	sdelay $0x4  }
0x32b: {  	[tilespmem:s29+$0x15830] =	vst v0  }
0x32c: {  	v0 =	vld [tilespmem:s1+$0xA300];
	_ =	sdelay $0x4  }
0x32d: {  	[tilespmem:s29+$0x15840] =	vst v0  }
0x32e: {  	v0 =	vld [tilespmem:s1+$0xA310];
	_ =	sdelay $0x4  }
0x32f: {  	[tilespmem:s29+$0x15850] =	vst v0  }
0x330: {  	v0 =	vld [tilespmem:s1+$0xA320];
	_ =	sdelay $0x4  }
0x331: {  	[tilespmem:s29+$0x15860] =	vst v0  }
0x332: {  	v0 =	vld [tilespmem:s1+$0xA330];
	_ =	sdelay $0x4  }
0x333: {  	[tilespmem:s29+$0x15870] =	vst v0  }
0x334: {  	v0 =	vld [tilespmem:s1+$0xA380];
	_ =	sdelay $0x4  }
0x335: {  	[tilespmem:s29+$0x15C00] =	vst v0  }
0x336: {  	v0 =	vld [tilespmem:s1+$0xA390];
	_ =	sdelay $0x4  }
0x337: {  	[tilespmem:s29+$0x15C10] =	vst v0  }
0x338: {  	v0 =	vld [tilespmem:s1+$0xA3A0];
	_ =	sdelay $0x4  }
0x339: {  	[tilespmem:s29+$0x15C20] =	vst v0  }
0x33a: {  	v0 =	vld [tilespmem:s1+$0xA3B0];
	_ =	sdelay $0x4  }
0x33b: {  	[tilespmem:s29+$0x15C30] =	vst v0  }
0x33c: {  	v0 =	vld [tilespmem:s1+$0xA400];
	_ =	sdelay $0x4  }
0x33d: {  	[tilespmem:s29+$0x15C40] =	vst v0  }
0x33e: {  	v0 =	vld [tilespmem:s1+$0xA410];
	_ =	sdelay $0x4  }
0x33f: {  	[tilespmem:s29+$0x15C50] =	vst v0  }
0x340: {  	v0 =	vld [tilespmem:s1+$0xA420];
	_ =	sdelay $0x4  }
0x341: {  	[tilespmem:s29+$0x15C60] =	vst v0  }
0x342: {  	v0 =	vld [tilespmem:s1+$0xA430];
	_ =	sdelay $0x4  }
0x343: {  	[tilespmem:s29+$0x15C70] =	vst v0  }
0x344: {  	v0 =	vld [tilespmem:s1+$0xA480];
	_ =	sdelay $0x4  }
0x345: {  	[tilespmem:s29+$0x16000] =	vst v0  }
0x346: {  	v0 =	vld [tilespmem:s1+$0xA490];
	_ =	sdelay $0x4  }
0x347: {  	[tilespmem:s29+$0x16010] =	vst v0  }
0x348: {  	v0 =	vld [tilespmem:s1+$0xA4A0];
	_ =	sdelay $0x4  }
0x349: {  	[tilespmem:s29+$0x16020] =	vst v0  }
0x34a: {  	v0 =	vld [tilespmem:s1+$0xA4B0];
	_ =	sdelay $0x4  }
0x34b: {  	[tilespmem:s29+$0x16030] =	vst v0  }
0x34c: {  	v0 =	vld [tilespmem:s1+$0xA500];
	_ =	sdelay $0x4  }
0x34d: {  	[tilespmem:s29+$0x16040] =	vst v0  }
0x34e: {  	v0 =	vld [tilespmem:s1+$0xA510];
	_ =	sdelay $0x4  }
0x34f: {  	[tilespmem:s29+$0x16050] =	vst v0  }
0x350: {  	v0 =	vld [tilespmem:s1+$0xA520];
	_ =	sdelay $0x4  }
0x351: {  	[tilespmem:s29+$0x16060] =	vst v0  }
0x352: {  	v0 =	vld [tilespmem:s1+$0xA530];
	_ =	sdelay $0x4  }
0x353: {  	[tilespmem:s29+$0x16070] =	vst v0  }
0x354: {  	v0 =	vld [tilespmem:s1+$0xA580];
	_ =	sdelay $0x4  }
0x355: {  	[tilespmem:s29+$0x16400] =	vst v0  }
0x356: {  	v0 =	vld [tilespmem:s1+$0xA590];
	_ =	sdelay $0x4  }
0x357: {  	[tilespmem:s29+$0x16410] =	vst v0  }
0x358: {  	v0 =	vld [tilespmem:s1+$0xA5A0];
	_ =	sdelay $0x4  }
0x359: {  	[tilespmem:s29+$0x16420] =	vst v0  }
0x35a: {  	v0 =	vld [tilespmem:s1+$0xA5B0];
	_ =	sdelay $0x4  }
0x35b: {  	[tilespmem:s29+$0x16430] =	vst v0  }
0x35c: {  	v0 =	vld [tilespmem:s1+$0xA600];
	_ =	sdelay $0x4  }
0x35d: {  	[tilespmem:s29+$0x16440] =	vst v0  }
0x35e: {  	v0 =	vld [tilespmem:s1+$0xA610];
	_ =	sdelay $0x4  }
0x35f: {  	[tilespmem:s29+$0x16450] =	vst v0  }
0x360: {  	v0 =	vld [tilespmem:s1+$0xA620];
	_ =	sdelay $0x4  }
0x361: {  	[tilespmem:s29+$0x16460] =	vst v0  }
0x362: {  	v0 =	vld [tilespmem:s1+$0xA630];
	_ =	sdelay $0x4  }
0x363: {  	[tilespmem:s29+$0x16470] =	vst v0  }
0x364: {  	v0 =	vld [tilespmem:s1+$0xA680];
	_ =	sdelay $0x4  }
0x365: {  	[tilespmem:s29+$0x16800] =	vst v0  }
0x366: {  	v0 =	vld [tilespmem:s1+$0xA690];
	_ =	sdelay $0x4  }
0x367: {  	[tilespmem:s29+$0x16810] =	vst v0  }
0x368: {  	v0 =	vld [tilespmem:s1+$0xA6A0];
	_ =	sdelay $0x4  }
0x369: {  	[tilespmem:s29+$0x16820] =	vst v0  }
0x36a: {  	v0 =	vld [tilespmem:s1+$0xA6B0];
	_ =	sdelay $0x4  }
0x36b: {  	[tilespmem:s29+$0x16830] =	vst v0  }
0x36c: {  	v0 =	vld [tilespmem:s1+$0xA700];
	_ =	sdelay $0x4  }
0x36d: {  	[tilespmem:s29+$0x16840] =	vst v0  }
0x36e: {  	v0 =	vld [tilespmem:s1+$0xA710];
	_ =	sdelay $0x4  }
0x36f: {  	[tilespmem:s29+$0x16850] =	vst v0  }
0x370: {  	v0 =	vld [tilespmem:s1+$0xA720];
	_ =	sdelay $0x4  }
0x371: {  	[tilespmem:s29+$0x16860] =	vst v0  }
0x372: {  	v0 =	vld [tilespmem:s1+$0xA730];
	_ =	sdelay $0x4  }
0x373: {  	[tilespmem:s29+$0x16870] =	vst v0  }
0x374: {  	v0 =	vld [tilespmem:s1+$0xA780];
	_ =	sdelay $0x4  }
0x375: {  	[tilespmem:s29+$0x16C00] =	vst v0  }
0x376: {  	v0 =	vld [tilespmem:s1+$0xA790];
	_ =	sdelay $0x4  }
0x377: {  	[tilespmem:s29+$0x16C10] =	vst v0  }
0x378: {  	v0 =	vld [tilespmem:s1+$0xA7A0];
	_ =	sdelay $0x4  }
0x379: {  	[tilespmem:s29+$0x16C20] =	vst v0  }
0x37a: {  	v0 =	vld [tilespmem:s1+$0xA7B0];
	_ =	sdelay $0x4  }
0x37b: {  	[tilespmem:s29+$0x16C30] =	vst v0  }
0x37c: {  	v0 =	vld [tilespmem:s1+$0xA800];
	_ =	sdelay $0x4  }
0x37d: {  	[tilespmem:s29+$0x16C40] =	vst v0  }
0x37e: {  	v0 =	vld [tilespmem:s1+$0xA810];
	_ =	sdelay $0x4  }
0x37f: {  	[tilespmem:s29+$0x16C50] =	vst v0  }
0x380: {  	v0 =	vld [tilespmem:s1+$0xA820];
	_ =	sdelay $0x4  }
0x381: {  	[tilespmem:s29+$0x16C60] =	vst v0  }
0x382: {  	v0 =	vld [tilespmem:s1+$0xA830];
	_ =	sdelay $0x4  }
0x383: {  	[tilespmem:s29+$0x16C70] =	vst v0  }
0x384: {  	v0 =	vld [tilespmem:s1+$0xA880];
	_ =	sdelay $0x4  }
0x385: {  	[tilespmem:s29+$0x17000] =	vst v0  }
0x386: {  	v0 =	vld [tilespmem:s1+$0xA890];
	_ =	sdelay $0x4  }
0x387: {  	[tilespmem:s29+$0x17010] =	vst v0  }
0x388: {  	v0 =	vld [tilespmem:s1+$0xA8A0];
	_ =	sdelay $0x4  }
0x389: {  	[tilespmem:s29+$0x17020] =	vst v0  }
0x38a: {  	v0 =	vld [tilespmem:s1+$0xA8B0];
	_ =	sdelay $0x1  }
0x38b: {  	s30 =	simm.s32 $0x1  }
0x38c: {  	s31 =	simm.s32 $0x2;
	s1 =	smul.u32 $0x3400, s30  }
.LBB2_5:
0x38d: {  	p1 =	sne.s32 s31, $0x7  }
0x38e: {  	s1 =	sshra.s32 s1, $0x2;
	[tilespmem:s29+$0x17030] =	vst v0  }
0x38f: {  	v0 =	vld [tilespmem:s1+$0x9C00];
	_ =	sdelay $0x2  }
0x390: {  	s29 =	sshll.u32 s30, $0x9;
	s30 =	smov.u32 s31  }
0x391: {  	s29 =	sshra.s32 s29, $0x2  }
0x392: {  	[tilespmem:s29+$0x13C40] =	vst v0  }
0x393: {  	v0 =	vld [tilespmem:s1+$0x9C10];
	_ =	sdelay $0x4  }
0x394: {  	[tilespmem:s29+$0x13C50] =	vst v0  }
0x395: {  	v0 =	vld [tilespmem:s1+$0x9C20];
	_ =	sdelay $0x4  }
0x396: {  	[tilespmem:s29+$0x13C60] =	vst v0  }
0x397: {  	v0 =	vld [tilespmem:s1+$0x9C30];
	_ =	sdelay $0x4  }
0x398: {  	[tilespmem:s29+$0x13C70] =	vst v0  }
0x399: {  	v0 =	vld [tilespmem:s1+$0x9C80];
	_ =	sdelay $0x4  }
0x39a: {  	[tilespmem:s29+$0x14000] =	vst v0  }
0x39b: {  	v0 =	vld [tilespmem:s1+$0x9C90];
	_ =	sdelay $0x4  }
0x39c: {  	[tilespmem:s29+$0x14010] =	vst v0  }
0x39d: {  	v0 =	vld [tilespmem:s1+$0x9CA0];
	_ =	sdelay $0x4  }
0x39e: {  	[tilespmem:s29+$0x14020] =	vst v0  }
0x39f: {  	v0 =	vld [tilespmem:s1+$0x9CB0];
	_ =	sdelay $0x4  }
0x3a0: {  	[tilespmem:s29+$0x14030] =	vst v0  }
0x3a1: {  	v0 =	vld [tilespmem:s1+$0x9D00];
	_ =	sdelay $0x4  }
0x3a2: {  	[tilespmem:s29+$0x14040] =	vst v0  }
0x3a3: {  	v0 =	vld [tilespmem:s1+$0x9D10];
	_ =	sdelay $0x4  }
0x3a4: {  	[tilespmem:s29+$0x14050] =	vst v0  }
0x3a5: {  	v0 =	vld [tilespmem:s1+$0x9D20];
	_ =	sdelay $0x4  }
0x3a6: {  	[tilespmem:s29+$0x14060] =	vst v0  }
0x3a7: {  	v0 =	vld [tilespmem:s1+$0x9D30];
	_ =	sdelay $0x4  }
0x3a8: {  	[tilespmem:s29+$0x14070] =	vst v0  }
0x3a9: {  	v0 =	vld [tilespmem:s1+$0x9D80];
	_ =	sdelay $0x4  }
0x3aa: {  	[tilespmem:s29+$0x14400] =	vst v0  }
0x3ab: {  	v0 =	vld [tilespmem:s1+$0x9D90];
	_ =	sdelay $0x4  }
0x3ac: {  	[tilespmem:s29+$0x14410] =	vst v0  }
0x3ad: {  	v0 =	vld [tilespmem:s1+$0x9DA0];
	_ =	sdelay $0x4  }
0x3ae: {  	[tilespmem:s29+$0x14420] =	vst v0  }
0x3af: {  	v0 =	vld [tilespmem:s1+$0x9DB0];
	_ =	sdelay $0x4  }
0x3b0: {  	[tilespmem:s29+$0x14430] =	vst v0  }
0x3b1: {  	v0 =	vld [tilespmem:s1+$0x9E00];
	_ =	sdelay $0x4  }
0x3b2: {  	[tilespmem:s29+$0x14440] =	vst v0  }
0x3b3: {  	v0 =	vld [tilespmem:s1+$0x9E10];
	_ =	sdelay $0x4  }
0x3b4: {  	[tilespmem:s29+$0x14450] =	vst v0  }
0x3b5: {  	v0 =	vld [tilespmem:s1+$0x9E20];
	_ =	sdelay $0x4  }
0x3b6: {  	[tilespmem:s29+$0x14460] =	vst v0  }
0x3b7: {  	v0 =	vld [tilespmem:s1+$0x9E30];
	_ =	sdelay $0x4  }
0x3b8: {  	[tilespmem:s29+$0x14470] =	vst v0  }
0x3b9: {  	v0 =	vld [tilespmem:s1+$0x9E80];
	_ =	sdelay $0x4  }
0x3ba: {  	[tilespmem:s29+$0x14800] =	vst v0  }
0x3bb: {  	v0 =	vld [tilespmem:s1+$0x9E90];
	_ =	sdelay $0x4  }
0x3bc: {  	[tilespmem:s29+$0x14810] =	vst v0  }
0x3bd: {  	v0 =	vld [tilespmem:s1+$0x9EA0];
	_ =	sdelay $0x4  }
0x3be: {  	[tilespmem:s29+$0x14820] =	vst v0  }
0x3bf: {  	v0 =	vld [tilespmem:s1+$0x9EB0];
	_ =	sdelay $0x4  }
0x3c0: {  	[tilespmem:s29+$0x14830] =	vst v0  }
0x3c1: {  	v0 =	vld [tilespmem:s1+$0x9F00];
	_ =	sdelay $0x4  }
0x3c2: {  	[tilespmem:s29+$0x14840] =	vst v0  }
0x3c3: {  	v0 =	vld [tilespmem:s1+$0x9F10];
	_ =	sdelay $0x4  }
0x3c4: {  	[tilespmem:s29+$0x14850] =	vst v0  }
0x3c5: {  	v0 =	vld [tilespmem:s1+$0x9F20];
	_ =	sdelay $0x4  }
0x3c6: {  	[tilespmem:s29+$0x14860] =	vst v0  }
0x3c7: {  	v0 =	vld [tilespmem:s1+$0x9F30];
	_ =	sdelay $0x4  }
0x3c8: {  	[tilespmem:s29+$0x14870] =	vst v0  }
0x3c9: {  	v0 =	vld [tilespmem:s1+$0x9F80];
	_ =	sdelay $0x4  }
0x3ca: {  	[tilespmem:s29+$0x14C00] =	vst v0  }
0x3cb: {  	v0 =	vld [tilespmem:s1+$0x9F90];
	_ =	sdelay $0x4  }
0x3cc: {  	[tilespmem:s29+$0x14C10] =	vst v0  }
0x3cd: {  	v0 =	vld [tilespmem:s1+$0x9FA0];
	_ =	sdelay $0x4  }
0x3ce: {  	[tilespmem:s29+$0x14C20] =	vst v0  }
0x3cf: {  	v0 =	vld [tilespmem:s1+$0x9FB0];
	_ =	sdelay $0x4  }
0x3d0: {  	[tilespmem:s29+$0x14C30] =	vst v0  }
0x3d1: {  	v0 =	vld [tilespmem:s1+$0xA000];
	_ =	sdelay $0x4  }
0x3d2: {  	[tilespmem:s29+$0x14C40] =	vst v0  }
0x3d3: {  	v0 =	vld [tilespmem:s1+$0xA010];
	_ =	sdelay $0x4  }
0x3d4: {  	[tilespmem:s29+$0x14C50] =	vst v0  }
0x3d5: {  	v0 =	vld [tilespmem:s1+$0xA020];
	_ =	sdelay $0x4  }
0x3d6: {  	[tilespmem:s29+$0x14C60] =	vst v0  }
0x3d7: {  	v0 =	vld [tilespmem:s1+$0xA030];
	_ =	sdelay $0x4  }
0x3d8: {  	[tilespmem:s29+$0x14C70] =	vst v0  }
0x3d9: {  	v0 =	vld [tilespmem:s1+$0xA080];
	_ =	sdelay $0x4  }
0x3da: {  	[tilespmem:s29+$0x15000] =	vst v0  }
0x3db: {  	v0 =	vld [tilespmem:s1+$0xA090];
	_ =	sdelay $0x4  }
0x3dc: {  	[tilespmem:s29+$0x15010] =	vst v0  }
0x3dd: {  	v0 =	vld [tilespmem:s1+$0xA0A0];
	_ =	sdelay $0x4  }
0x3de: {  	[tilespmem:s29+$0x15020] =	vst v0  }
0x3df: {  	v0 =	vld [tilespmem:s1+$0xA0B0];
	_ =	sdelay $0x4  }
0x3e0: {  	[tilespmem:s29+$0x15030] =	vst v0  }
0x3e1: {  	v0 =	vld [tilespmem:s1+$0xA100];
	_ =	sdelay $0x4  }
0x3e2: {  	[tilespmem:s29+$0x15040] =	vst v0  }
0x3e3: {  	v0 =	vld [tilespmem:s1+$0xA110];
	_ =	sdelay $0x4  }
0x3e4: {  	[tilespmem:s29+$0x15050] =	vst v0  }
0x3e5: {  	v0 =	vld [tilespmem:s1+$0xA120];
	_ =	sdelay $0x4  }
0x3e6: {  	[tilespmem:s29+$0x15060] =	vst v0  }
0x3e7: {  	v0 =	vld [tilespmem:s1+$0xA130];
	_ =	sdelay $0x4  }
0x3e8: {  	[tilespmem:s29+$0x15070] =	vst v0  }
0x3e9: {  	v0 =	vld [tilespmem:s1+$0xA180];
	_ =	sdelay $0x4  }
0x3ea: {  	[tilespmem:s29+$0x15400] =	vst v0  }
0x3eb: {  	v0 =	vld [tilespmem:s1+$0xA190];
	_ =	sdelay $0x4  }
0x3ec: {  	[tilespmem:s29+$0x15410] =	vst v0  }
0x3ed: {  	v0 =	vld [tilespmem:s1+$0xA1A0];
	_ =	sdelay $0x4  }
0x3ee: {  	[tilespmem:s29+$0x15420] =	vst v0  }
0x3ef: {  	v0 =	vld [tilespmem:s1+$0xA1B0];
	_ =	sdelay $0x4  }
0x3f0: {  	[tilespmem:s29+$0x15430] =	vst v0  }
0x3f1: {  	v0 =	vld [tilespmem:s1+$0xA200];
	_ =	sdelay $0x4  }
0x3f2: {  	[tilespmem:s29+$0x15440] =	vst v0  }
0x3f3: {  	v0 =	vld [tilespmem:s1+$0xA210];
	_ =	sdelay $0x4  }
0x3f4: {  	[tilespmem:s29+$0x15450] =	vst v0  }
0x3f5: {  	v0 =	vld [tilespmem:s1+$0xA220];
	_ =	sdelay $0x4  }
0x3f6: {  	[tilespmem:s29+$0x15460] =	vst v0  }
0x3f7: {  	v0 =	vld [tilespmem:s1+$0xA230];
	_ =	sdelay $0x4  }
0x3f8: {  	[tilespmem:s29+$0x15470] =	vst v0  }
0x3f9: {  	v0 =	vld [tilespmem:s1+$0xA280];
	_ =	sdelay $0x4  }
0x3fa: {  	[tilespmem:s29+$0x15800] =	vst v0  }
0x3fb: {  	v0 =	vld [tilespmem:s1+$0xA290];
	_ =	sdelay $0x4  }
0x3fc: {  	[tilespmem:s29+$0x15810] =	vst v0  }
0x3fd: {  	v0 =	vld [tilespmem:s1+$0xA2A0];
	_ =	sdelay $0x4  }
0x3fe: {  	[tilespmem:s29+$0x15820] =	vst v0  }
0x3ff: {  	v0 =	vld [tilespmem:s1+$0xA2B0];
	_ =	sdelay $0x4  }
0x400: {  	[tilespmem:s29+$0x15830] =	vst v0  }
0x401: {  	v0 =	vld [tilespmem:s1+$0xA300];
	_ =	sdelay $0x4  }
0x402: {  	[tilespmem:s29+$0x15840] =	vst v0  }
0x403: {  	v0 =	vld [tilespmem:s1+$0xA310];
	_ =	sdelay $0x4  }
0x404: {  	[tilespmem:s29+$0x15850] =	vst v0  }
0x405: {  	v0 =	vld [tilespmem:s1+$0xA320];
	_ =	sdelay $0x4  }
0x406: {  	[tilespmem:s29+$0x15860] =	vst v0  }
0x407: {  	v0 =	vld [tilespmem:s1+$0xA330];
	_ =	sdelay $0x4  }
0x408: {  	[tilespmem:s29+$0x15870] =	vst v0  }
0x409: {  	v0 =	vld [tilespmem:s1+$0xA380];
	_ =	sdelay $0x4  }
0x40a: {  	[tilespmem:s29+$0x15C00] =	vst v0  }
0x40b: {  	v0 =	vld [tilespmem:s1+$0xA390];
	_ =	sdelay $0x4  }
0x40c: {  	[tilespmem:s29+$0x15C10] =	vst v0  }
0x40d: {  	v0 =	vld [tilespmem:s1+$0xA3A0];
	_ =	sdelay $0x4  }
0x40e: {  	[tilespmem:s29+$0x15C20] =	vst v0  }
0x40f: {  	v0 =	vld [tilespmem:s1+$0xA3B0];
	_ =	sdelay $0x4  }
0x410: {  	[tilespmem:s29+$0x15C30] =	vst v0  }
0x411: {  	v0 =	vld [tilespmem:s1+$0xA400];
	_ =	sdelay $0x4  }
0x412: {  	[tilespmem:s29+$0x15C40] =	vst v0  }
0x413: {  	v0 =	vld [tilespmem:s1+$0xA410];
	_ =	sdelay $0x4  }
0x414: {  	[tilespmem:s29+$0x15C50] =	vst v0  }
0x415: {  	v0 =	vld [tilespmem:s1+$0xA420];
	_ =	sdelay $0x4  }
0x416: {  	[tilespmem:s29+$0x15C60] =	vst v0  }
0x417: {  	v0 =	vld [tilespmem:s1+$0xA430];
	_ =	sdelay $0x4  }
0x418: {  	[tilespmem:s29+$0x15C70] =	vst v0  }
0x419: {  	v0 =	vld [tilespmem:s1+$0xA480];
	_ =	sdelay $0x4  }
0x41a: {  	[tilespmem:s29+$0x16000] =	vst v0  }
0x41b: {  	v0 =	vld [tilespmem:s1+$0xA490];
	_ =	sdelay $0x4  }
0x41c: {  	[tilespmem:s29+$0x16010] =	vst v0  }
0x41d: {  	v0 =	vld [tilespmem:s1+$0xA4A0];
	_ =	sdelay $0x4  }
0x41e: {  	[tilespmem:s29+$0x16020] =	vst v0  }
0x41f: {  	v0 =	vld [tilespmem:s1+$0xA4B0];
	_ =	sdelay $0x4  }
0x420: {  	[tilespmem:s29+$0x16030] =	vst v0  }
0x421: {  	v0 =	vld [tilespmem:s1+$0xA500];
	_ =	sdelay $0x4  }
0x422: {  	[tilespmem:s29+$0x16040] =	vst v0  }
0x423: {  	v0 =	vld [tilespmem:s1+$0xA510];
	_ =	sdelay $0x4  }
0x424: {  	[tilespmem:s29+$0x16050] =	vst v0  }
0x425: {  	v0 =	vld [tilespmem:s1+$0xA520];
	_ =	sdelay $0x4  }
0x426: {  	[tilespmem:s29+$0x16060] =	vst v0  }
0x427: {  	v0 =	vld [tilespmem:s1+$0xA530];
	_ =	sdelay $0x4  }
0x428: {  	[tilespmem:s29+$0x16070] =	vst v0  }
0x429: {  	v0 =	vld [tilespmem:s1+$0xA580];
	_ =	sdelay $0x4  }
0x42a: {  	[tilespmem:s29+$0x16400] =	vst v0  }
0x42b: {  	v0 =	vld [tilespmem:s1+$0xA590];
	_ =	sdelay $0x4  }
0x42c: {  	[tilespmem:s29+$0x16410] =	vst v0  }
0x42d: {  	v0 =	vld [tilespmem:s1+$0xA5A0];
	_ =	sdelay $0x4  }
0x42e: {  	[tilespmem:s29+$0x16420] =	vst v0  }
0x42f: {  	v0 =	vld [tilespmem:s1+$0xA5B0];
	_ =	sdelay $0x4  }
0x430: {  	[tilespmem:s29+$0x16430] =	vst v0  }
0x431: {  	v0 =	vld [tilespmem:s1+$0xA600];
	_ =	sdelay $0x4  }
0x432: {  	[tilespmem:s29+$0x16440] =	vst v0  }
0x433: {  	v0 =	vld [tilespmem:s1+$0xA610];
	_ =	sdelay $0x4  }
0x434: {  	[tilespmem:s29+$0x16450] =	vst v0  }
0x435: {  	v0 =	vld [tilespmem:s1+$0xA620];
	_ =	sdelay $0x4  }
0x436: {  	[tilespmem:s29+$0x16460] =	vst v0  }
0x437: {  	v0 =	vld [tilespmem:s1+$0xA630];
	_ =	sdelay $0x4  }
0x438: {  	[tilespmem:s29+$0x16470] =	vst v0  }
0x439: {  	v0 =	vld [tilespmem:s1+$0xA680];
	_ =	sdelay $0x4  }
0x43a: {  	[tilespmem:s29+$0x16800] =	vst v0  }
0x43b: {  	v0 =	vld [tilespmem:s1+$0xA690];
	_ =	sdelay $0x4  }
0x43c: {  	[tilespmem:s29+$0x16810] =	vst v0  }
0x43d: {  	v0 =	vld [tilespmem:s1+$0xA6A0];
	_ =	sdelay $0x4  }
0x43e: {  	[tilespmem:s29+$0x16820] =	vst v0  }
0x43f: {  	v0 =	vld [tilespmem:s1+$0xA6B0];
	_ =	sdelay $0x4  }
0x440: {  	[tilespmem:s29+$0x16830] =	vst v0  }
0x441: {  	v0 =	vld [tilespmem:s1+$0xA700];
	_ =	sdelay $0x4  }
0x442: {  	[tilespmem:s29+$0x16840] =	vst v0  }
0x443: {  	v0 =	vld [tilespmem:s1+$0xA710];
	_ =	sdelay $0x4  }
0x444: {  	[tilespmem:s29+$0x16850] =	vst v0  }
0x445: {  	v0 =	vld [tilespmem:s1+$0xA720];
	_ =	sdelay $0x4  }
0x446: {  	[tilespmem:s29+$0x16860] =	vst v0  }
0x447: {  	v0 =	vld [tilespmem:s1+$0xA730];
	_ =	sdelay $0x4  }
0x448: {  	[tilespmem:s29+$0x16870] =	vst v0  }
0x449: {  	v0 =	vld [tilespmem:s1+$0xA780];
	_ =	sdelay $0x4  }
0x44a: {  	[tilespmem:s29+$0x16C00] =	vst v0  }
0x44b: {  	v0 =	vld [tilespmem:s1+$0xA790];
	_ =	sdelay $0x4  }
0x44c: {  	[tilespmem:s29+$0x16C10] =	vst v0  }
0x44d: {  	v0 =	vld [tilespmem:s1+$0xA7A0];
	_ =	sdelay $0x4  }
0x44e: {  	[tilespmem:s29+$0x16C20] =	vst v0  }
0x44f: {  	v0 =	vld [tilespmem:s1+$0xA7B0];
	_ =	sdelay $0x4  }
0x450: {  	[tilespmem:s29+$0x16C30] =	vst v0  }
0x451: {  	v0 =	vld [tilespmem:s1+$0xA800];
	_ =	sdelay $0x4  }
0x452: {  	[tilespmem:s29+$0x16C40] =	vst v0  }
0x453: {  	v0 =	vld [tilespmem:s1+$0xA810];
	_ =	sdelay $0x4  }
0x454: {  	[tilespmem:s29+$0x16C50] =	vst v0  }
0x455: {  	v0 =	vld [tilespmem:s1+$0xA820];
	_ =	sdelay $0x4  }
0x456: {  	[tilespmem:s29+$0x16C60] =	vst v0  }
0x457: {  	v0 =	vld [tilespmem:s1+$0xA830];
	_ =	sdelay $0x4  }
0x458: {  	[tilespmem:s29+$0x16C70] =	vst v0  }
0x459: {  	v0 =	vld [tilespmem:s1+$0xA880];
	_ =	sdelay $0x4  }
0x45a: {  	[tilespmem:s29+$0x17000] =	vst v0  }
0x45b: {  	v0 =	vld [tilespmem:s1+$0xA890];
	_ =	sdelay $0x4  }
0x45c: {  	[tilespmem:s29+$0x17010] =	vst v0  }
0x45d: {  	v0 =	vld [tilespmem:s1+$0xA8A0];
	_ =	sdelay $0x4  }
.Ltmp3:
0x45e: {  	[tilespmem:s29+$0x17020] =	vst v0;
	(pc) =	sbr.rel @p1 .LBB2_5-.Ltmp3, $2  }
0x45f: {  	v0 =	vld [tilespmem:s1+$0xA8B0];
	_ =	sdelay $0x2  }
0x460: {  	s31 =	sadd.s32 $0x1, s31;
	s1 =	smul.u32 $0x3400, s30  }
0x461: {  	_ = 	snop  }
0x462: {  	s1 =	sshra.s32 s1, $0x2;
	[tilespmem:s29+$0x17030] =	vst v0  }
0x463: {  	v0 =	vld [tilespmem:s1+$0x9C00];
	_ =	sdelay $0x2  }
0x464: {  	s30 =	sshll.u32 s30, $0x9  }
0x465: {  	s29 =	sshra.s32 s30, $0x2  }
0x466: {  	[tilespmem:s29+$0x13C40] =	vst v0  }
0x467: {  	v0 =	vld [tilespmem:s1+$0x9C10];
	_ =	sdelay $0x4  }
0x468: {  	[tilespmem:s29+$0x13C50] =	vst v0  }
0x469: {  	v0 =	vld [tilespmem:s1+$0x9C20];
	_ =	sdelay $0x4  }
0x46a: {  	[tilespmem:s29+$0x13C60] =	vst v0  }
0x46b: {  	v0 =	vld [tilespmem:s1+$0x9C30];
	_ =	sdelay $0x4  }
0x46c: {  	[tilespmem:s29+$0x13C70] =	vst v0  }
0x46d: {  	v0 =	vld [tilespmem:s1+$0x9C80];
	_ =	sdelay $0x4  }
0x46e: {  	[tilespmem:s29+$0x14000] =	vst v0  }
0x46f: {  	v0 =	vld [tilespmem:s1+$0x9C90];
	_ =	sdelay $0x4  }
0x470: {  	[tilespmem:s29+$0x14010] =	vst v0  }
0x471: {  	v0 =	vld [tilespmem:s1+$0x9CA0];
	_ =	sdelay $0x4  }
0x472: {  	[tilespmem:s29+$0x14020] =	vst v0  }
0x473: {  	v0 =	vld [tilespmem:s1+$0x9CB0];
	_ =	sdelay $0x4  }
0x474: {  	[tilespmem:s29+$0x14030] =	vst v0  }
0x475: {  	v0 =	vld [tilespmem:s1+$0x9D00];
	_ =	sdelay $0x4  }
0x476: {  	[tilespmem:s29+$0x14040] =	vst v0  }
0x477: {  	v0 =	vld [tilespmem:s1+$0x9D10];
	_ =	sdelay $0x4  }
0x478: {  	[tilespmem:s29+$0x14050] =	vst v0  }
0x479: {  	v0 =	vld [tilespmem:s1+$0x9D20];
	_ =	sdelay $0x4  }
0x47a: {  	[tilespmem:s29+$0x14060] =	vst v0  }
0x47b: {  	v0 =	vld [tilespmem:s1+$0x9D30];
	_ =	sdelay $0x4  }
0x47c: {  	[tilespmem:s29+$0x14070] =	vst v0  }
0x47d: {  	v0 =	vld [tilespmem:s1+$0x9D80];
	_ =	sdelay $0x4  }
0x47e: {  	[tilespmem:s29+$0x14400] =	vst v0  }
0x47f: {  	v0 =	vld [tilespmem:s1+$0x9D90];
	_ =	sdelay $0x4  }
0x480: {  	[tilespmem:s29+$0x14410] =	vst v0  }
0x481: {  	v0 =	vld [tilespmem:s1+$0x9DA0];
	_ =	sdelay $0x4  }
0x482: {  	[tilespmem:s29+$0x14420] =	vst v0  }
0x483: {  	v0 =	vld [tilespmem:s1+$0x9DB0];
	_ =	sdelay $0x4  }
0x484: {  	[tilespmem:s29+$0x14430] =	vst v0  }
0x485: {  	v0 =	vld [tilespmem:s1+$0x9E00];
	_ =	sdelay $0x4  }
0x486: {  	[tilespmem:s29+$0x14440] =	vst v0  }
0x487: {  	v0 =	vld [tilespmem:s1+$0x9E10];
	_ =	sdelay $0x4  }
0x488: {  	[tilespmem:s29+$0x14450] =	vst v0  }
0x489: {  	v0 =	vld [tilespmem:s1+$0x9E20];
	_ =	sdelay $0x4  }
0x48a: {  	[tilespmem:s29+$0x14460] =	vst v0  }
0x48b: {  	v0 =	vld [tilespmem:s1+$0x9E30];
	_ =	sdelay $0x4  }
0x48c: {  	[tilespmem:s29+$0x14470] =	vst v0  }
0x48d: {  	v0 =	vld [tilespmem:s1+$0x9E80];
	_ =	sdelay $0x4  }
0x48e: {  	[tilespmem:s29+$0x14800] =	vst v0  }
0x48f: {  	v0 =	vld [tilespmem:s1+$0x9E90];
	_ =	sdelay $0x4  }
0x490: {  	[tilespmem:s29+$0x14810] =	vst v0  }
0x491: {  	v0 =	vld [tilespmem:s1+$0x9EA0];
	_ =	sdelay $0x4  }
0x492: {  	[tilespmem:s29+$0x14820] =	vst v0  }
0x493: {  	v0 =	vld [tilespmem:s1+$0x9EB0];
	_ =	sdelay $0x4  }
0x494: {  	[tilespmem:s29+$0x14830] =	vst v0  }
0x495: {  	v0 =	vld [tilespmem:s1+$0x9F00];
	_ =	sdelay $0x4  }
0x496: {  	[tilespmem:s29+$0x14840] =	vst v0  }
0x497: {  	v0 =	vld [tilespmem:s1+$0x9F10];
	_ =	sdelay $0x4  }
0x498: {  	[tilespmem:s29+$0x14850] =	vst v0  }
0x499: {  	v0 =	vld [tilespmem:s1+$0x9F20];
	_ =	sdelay $0x4  }
0x49a: {  	[tilespmem:s29+$0x14860] =	vst v0  }
0x49b: {  	v0 =	vld [tilespmem:s1+$0x9F30];
	_ =	sdelay $0x4  }
0x49c: {  	[tilespmem:s29+$0x14870] =	vst v0  }
0x49d: {  	v0 =	vld [tilespmem:s1+$0x9F80];
	_ =	sdelay $0x4  }
0x49e: {  	[tilespmem:s29+$0x14C00] =	vst v0  }
0x49f: {  	v0 =	vld [tilespmem:s1+$0x9F90];
	_ =	sdelay $0x4  }
0x4a0: {  	[tilespmem:s29+$0x14C10] =	vst v0  }
0x4a1: {  	v0 =	vld [tilespmem:s1+$0x9FA0];
	_ =	sdelay $0x4  }
0x4a2: {  	[tilespmem:s29+$0x14C20] =	vst v0  }
0x4a3: {  	v0 =	vld [tilespmem:s1+$0x9FB0];
	_ =	sdelay $0x4  }
0x4a4: {  	[tilespmem:s29+$0x14C30] =	vst v0  }
0x4a5: {  	v0 =	vld [tilespmem:s1+$0xA000];
	_ =	sdelay $0x4  }
0x4a6: {  	[tilespmem:s29+$0x14C40] =	vst v0  }
0x4a7: {  	v0 =	vld [tilespmem:s1+$0xA010];
	_ =	sdelay $0x4  }
0x4a8: {  	[tilespmem:s29+$0x14C50] =	vst v0  }
0x4a9: {  	v0 =	vld [tilespmem:s1+$0xA020];
	_ =	sdelay $0x4  }
0x4aa: {  	[tilespmem:s29+$0x14C60] =	vst v0  }
0x4ab: {  	v0 =	vld [tilespmem:s1+$0xA030];
	_ =	sdelay $0x4  }
0x4ac: {  	[tilespmem:s29+$0x14C70] =	vst v0  }
0x4ad: {  	v0 =	vld [tilespmem:s1+$0xA080];
	_ =	sdelay $0x4  }
0x4ae: {  	[tilespmem:s29+$0x15000] =	vst v0  }
0x4af: {  	v0 =	vld [tilespmem:s1+$0xA090];
	_ =	sdelay $0x4  }
0x4b0: {  	[tilespmem:s29+$0x15010] =	vst v0  }
0x4b1: {  	v0 =	vld [tilespmem:s1+$0xA0A0];
	_ =	sdelay $0x4  }
0x4b2: {  	[tilespmem:s29+$0x15020] =	vst v0  }
0x4b3: {  	v0 =	vld [tilespmem:s1+$0xA0B0];
	_ =	sdelay $0x4  }
0x4b4: {  	[tilespmem:s29+$0x15030] =	vst v0  }
0x4b5: {  	v0 =	vld [tilespmem:s1+$0xA100];
	_ =	sdelay $0x4  }
0x4b6: {  	[tilespmem:s29+$0x15040] =	vst v0  }
0x4b7: {  	v0 =	vld [tilespmem:s1+$0xA110];
	_ =	sdelay $0x4  }
0x4b8: {  	[tilespmem:s29+$0x15050] =	vst v0  }
0x4b9: {  	v0 =	vld [tilespmem:s1+$0xA120];
	_ =	sdelay $0x4  }
0x4ba: {  	[tilespmem:s29+$0x15060] =	vst v0  }
0x4bb: {  	v0 =	vld [tilespmem:s1+$0xA130];
	_ =	sdelay $0x4  }
0x4bc: {  	[tilespmem:s29+$0x15070] =	vst v0  }
0x4bd: {  	v0 =	vld [tilespmem:s1+$0xA180];
	_ =	sdelay $0x4  }
0x4be: {  	[tilespmem:s29+$0x15400] =	vst v0  }
0x4bf: {  	v0 =	vld [tilespmem:s1+$0xA190];
	_ =	sdelay $0x4  }
0x4c0: {  	[tilespmem:s29+$0x15410] =	vst v0  }
0x4c1: {  	v0 =	vld [tilespmem:s1+$0xA1A0];
	_ =	sdelay $0x4  }
0x4c2: {  	[tilespmem:s29+$0x15420] =	vst v0  }
0x4c3: {  	v0 =	vld [tilespmem:s1+$0xA1B0];
	_ =	sdelay $0x4  }
0x4c4: {  	[tilespmem:s29+$0x15430] =	vst v0  }
0x4c5: {  	v0 =	vld [tilespmem:s1+$0xA200];
	_ =	sdelay $0x4  }
0x4c6: {  	[tilespmem:s29+$0x15440] =	vst v0  }
0x4c7: {  	v0 =	vld [tilespmem:s1+$0xA210];
	_ =	sdelay $0x4  }
0x4c8: {  	[tilespmem:s29+$0x15450] =	vst v0  }
0x4c9: {  	v0 =	vld [tilespmem:s1+$0xA220];
	_ =	sdelay $0x4  }
0x4ca: {  	[tilespmem:s29+$0x15460] =	vst v0  }
0x4cb: {  	v0 =	vld [tilespmem:s1+$0xA230];
	_ =	sdelay $0x4  }
0x4cc: {  	[tilespmem:s29+$0x15470] =	vst v0  }
0x4cd: {  	v0 =	vld [tilespmem:s1+$0xA280];
	_ =	sdelay $0x4  }
0x4ce: {  	[tilespmem:s29+$0x15800] =	vst v0  }
0x4cf: {  	v0 =	vld [tilespmem:s1+$0xA290];
	_ =	sdelay $0x4  }
0x4d0: {  	[tilespmem:s29+$0x15810] =	vst v0  }
0x4d1: {  	v0 =	vld [tilespmem:s1+$0xA2A0];
	_ =	sdelay $0x4  }
0x4d2: {  	[tilespmem:s29+$0x15820] =	vst v0  }
0x4d3: {  	v0 =	vld [tilespmem:s1+$0xA2B0];
	_ =	sdelay $0x4  }
0x4d4: {  	[tilespmem:s29+$0x15830] =	vst v0  }
0x4d5: {  	v0 =	vld [tilespmem:s1+$0xA300];
	_ =	sdelay $0x4  }
0x4d6: {  	[tilespmem:s29+$0x15840] =	vst v0  }
0x4d7: {  	v0 =	vld [tilespmem:s1+$0xA310];
	_ =	sdelay $0x4  }
0x4d8: {  	[tilespmem:s29+$0x15850] =	vst v0  }
0x4d9: {  	v0 =	vld [tilespmem:s1+$0xA320];
	_ =	sdelay $0x4  }
0x4da: {  	[tilespmem:s29+$0x15860] =	vst v0  }
0x4db: {  	v0 =	vld [tilespmem:s1+$0xA330];
	_ =	sdelay $0x4  }
0x4dc: {  	[tilespmem:s29+$0x15870] =	vst v0  }
0x4dd: {  	v0 =	vld [tilespmem:s1+$0xA380];
	_ =	sdelay $0x4  }
0x4de: {  	[tilespmem:s29+$0x15C00] =	vst v0  }
0x4df: {  	v0 =	vld [tilespmem:s1+$0xA390];
	_ =	sdelay $0x4  }
0x4e0: {  	[tilespmem:s29+$0x15C10] =	vst v0  }
0x4e1: {  	v0 =	vld [tilespmem:s1+$0xA3A0];
	_ =	sdelay $0x4  }
0x4e2: {  	[tilespmem:s29+$0x15C20] =	vst v0  }
0x4e3: {  	v0 =	vld [tilespmem:s1+$0xA3B0];
	_ =	sdelay $0x4  }
0x4e4: {  	[tilespmem:s29+$0x15C30] =	vst v0  }
0x4e5: {  	v0 =	vld [tilespmem:s1+$0xA400];
	_ =	sdelay $0x4  }
0x4e6: {  	[tilespmem:s29+$0x15C40] =	vst v0  }
0x4e7: {  	v0 =	vld [tilespmem:s1+$0xA410];
	_ =	sdelay $0x4  }
0x4e8: {  	[tilespmem:s29+$0x15C50] =	vst v0  }
0x4e9: {  	v0 =	vld [tilespmem:s1+$0xA420];
	_ =	sdelay $0x4  }
0x4ea: {  	[tilespmem:s29+$0x15C60] =	vst v0  }
0x4eb: {  	v0 =	vld [tilespmem:s1+$0xA430];
	_ =	sdelay $0x4  }
0x4ec: {  	[tilespmem:s29+$0x15C70] =	vst v0  }
0x4ed: {  	v0 =	vld [tilespmem:s1+$0xA480];
	_ =	sdelay $0x4  }
0x4ee: {  	[tilespmem:s29+$0x16000] =	vst v0  }
0x4ef: {  	v0 =	vld [tilespmem:s1+$0xA490];
	_ =	sdelay $0x4  }
0x4f0: {  	[tilespmem:s29+$0x16010] =	vst v0  }
0x4f1: {  	v0 =	vld [tilespmem:s1+$0xA4A0];
	_ =	sdelay $0x4  }
0x4f2: {  	[tilespmem:s29+$0x16020] =	vst v0  }
0x4f3: {  	v0 =	vld [tilespmem:s1+$0xA4B0];
	_ =	sdelay $0x4  }
0x4f4: {  	[tilespmem:s29+$0x16030] =	vst v0  }
0x4f5: {  	v0 =	vld [tilespmem:s1+$0xA500];
	_ =	sdelay $0x4  }
0x4f6: {  	[tilespmem:s29+$0x16040] =	vst v0  }
0x4f7: {  	v0 =	vld [tilespmem:s1+$0xA510];
	_ =	sdelay $0x4  }
0x4f8: {  	[tilespmem:s29+$0x16050] =	vst v0  }
0x4f9: {  	v0 =	vld [tilespmem:s1+$0xA520];
	_ =	sdelay $0x4  }
0x4fa: {  	[tilespmem:s29+$0x16060] =	vst v0  }
0x4fb: {  	v0 =	vld [tilespmem:s1+$0xA530];
	_ =	sdelay $0x4  }
0x4fc: {  	[tilespmem:s29+$0x16070] =	vst v0  }
0x4fd: {  	v0 =	vld [tilespmem:s1+$0xA580];
	_ =	sdelay $0x4  }
0x4fe: {  	[tilespmem:s29+$0x16400] =	vst v0  }
0x4ff: {  	v0 =	vld [tilespmem:s1+$0xA590];
	_ =	sdelay $0x4  }
0x500: {  	[tilespmem:s29+$0x16410] =	vst v0  }
0x501: {  	v0 =	vld [tilespmem:s1+$0xA5A0];
	_ =	sdelay $0x4  }
0x502: {  	[tilespmem:s29+$0x16420] =	vst v0  }
0x503: {  	v0 =	vld [tilespmem:s1+$0xA5B0];
	_ =	sdelay $0x4  }
0x504: {  	[tilespmem:s29+$0x16430] =	vst v0  }
0x505: {  	v0 =	vld [tilespmem:s1+$0xA600];
	_ =	sdelay $0x4  }
0x506: {  	[tilespmem:s29+$0x16440] =	vst v0  }
0x507: {  	v0 =	vld [tilespmem:s1+$0xA610];
	_ =	sdelay $0x4  }
0x508: {  	[tilespmem:s29+$0x16450] =	vst v0  }
0x509: {  	v0 =	vld [tilespmem:s1+$0xA620];
	_ =	sdelay $0x4  }
0x50a: {  	[tilespmem:s29+$0x16460] =	vst v0  }
0x50b: {  	v0 =	vld [tilespmem:s1+$0xA630];
	_ =	sdelay $0x4  }
0x50c: {  	[tilespmem:s29+$0x16470] =	vst v0  }
0x50d: {  	v0 =	vld [tilespmem:s1+$0xA680];
	_ =	sdelay $0x4  }
0x50e: {  	[tilespmem:s29+$0x16800] =	vst v0  }
0x50f: {  	v0 =	vld [tilespmem:s1+$0xA690];
	_ =	sdelay $0x4  }
0x510: {  	[tilespmem:s29+$0x16810] =	vst v0  }
0x511: {  	v0 =	vld [tilespmem:s1+$0xA6A0];
	_ =	sdelay $0x4  }
0x512: {  	[tilespmem:s29+$0x16820] =	vst v0  }
0x513: {  	v0 =	vld [tilespmem:s1+$0xA6B0];
	_ =	sdelay $0x4  }
0x514: {  	[tilespmem:s29+$0x16830] =	vst v0  }
0x515: {  	v0 =	vld [tilespmem:s1+$0xA700];
	_ =	sdelay $0x4  }
0x516: {  	[tilespmem:s29+$0x16840] =	vst v0  }
0x517: {  	v0 =	vld [tilespmem:s1+$0xA710];
	_ =	sdelay $0x4  }
0x518: {  	[tilespmem:s29+$0x16850] =	vst v0  }
0x519: {  	v0 =	vld [tilespmem:s1+$0xA720];
	_ =	sdelay $0x4  }
0x51a: {  	[tilespmem:s29+$0x16860] =	vst v0  }
0x51b: {  	v0 =	vld [tilespmem:s1+$0xA730];
	_ =	sdelay $0x4  }
0x51c: {  	[tilespmem:s29+$0x16870] =	vst v0  }
0x51d: {  	v0 =	vld [tilespmem:s1+$0xA780];
	_ =	sdelay $0x4  }
0x51e: {  	[tilespmem:s29+$0x16C00] =	vst v0  }
0x51f: {  	v0 =	vld [tilespmem:s1+$0xA790];
	_ =	sdelay $0x4  }
0x520: {  	[tilespmem:s29+$0x16C10] =	vst v0  }
0x521: {  	v0 =	vld [tilespmem:s1+$0xA7A0];
	_ =	sdelay $0x4  }
0x522: {  	[tilespmem:s29+$0x16C20] =	vst v0  }
0x523: {  	v0 =	vld [tilespmem:s1+$0xA7B0];
	_ =	sdelay $0x4  }
0x524: {  	[tilespmem:s29+$0x16C30] =	vst v0  }
0x525: {  	v0 =	vld [tilespmem:s1+$0xA800];
	_ =	sdelay $0x4  }
0x526: {  	[tilespmem:s29+$0x16C40] =	vst v0  }
0x527: {  	v0 =	vld [tilespmem:s1+$0xA810];
	_ =	sdelay $0x4  }
0x528: {  	[tilespmem:s29+$0x16C50] =	vst v0  }
0x529: {  	v0 =	vld [tilespmem:s1+$0xA820];
	_ =	sdelay $0x4  }
0x52a: {  	[tilespmem:s29+$0x16C60] =	vst v0  }
0x52b: {  	v0 =	vld [tilespmem:s1+$0xA830];
	_ =	sdelay $0x4  }
0x52c: {  	[tilespmem:s29+$0x16C70] =	vst v0  }
0x52d: {  	v0 =	vld [tilespmem:s1+$0xA880];
	_ =	sdelay $0x4  }
0x52e: {  	[tilespmem:s29+$0x17000] =	vst v0  }
0x52f: {  	v0 =	vld [tilespmem:s1+$0xA890];
	_ =	sdelay $0x4  }
0x530: {  	[tilespmem:s29+$0x17010] =	vst v0  }
0x531: {  	v0 =	vld [tilespmem:s1+$0xA8A0];
	_ =	sdelay $0x4  }
0x532: {  	[tilespmem:s29+$0x17020] =	vst v0  }
0x533: {  	v0 =	vld [tilespmem:s1+$0xA8B0];
	_ =	sdelay $0x1  }
.Ltmp4:
0x534: {  	_ = 	snop;
	(pc) =	sbr.rel @p0 .LBB2_8-.Ltmp4, $3  }
0x535: {  	_ =	sdelay $0x1  }
0x536: {  	s31 =	sadd.s32 s7, s28;
	[tilespmem:s29+$0x17030] =	vst v0  }
0x537: {  	[hbm4b:s31+s2] =	stream.linear.scatter [tilespmem:s20], [sflag:$0x4], $0x3800, $0x38;
	[tilespmem:$0x17400] =	vst v63  }
0x538: {  	s1 =	smul.u32 $0x680, s26;
	_ =	sdelay $0x1  }
.Ltmp5:
0x539: {  	s1 =	sshra.s32 s1, $0x2;
	(pc) =	sbr.rel .LBB2_2-.Ltmp5, $4  }
0x53a: {  	s28 =	sadd.s32 $0x270, s1  }
0x53b: {  	[tilespmem:s16], [sflag:$0x2] =	stream.indirect.gather [hbm4b:s3+s12], $0x80, s28, s12, $0xb8;
	[tilespmem:$0x17400] =	vst v63  }
0x53c: {  	s26 =	sadd.s32 $0x1, s26;
	s1 =	sadd.s32 $0x2D8, s1  }
0x53d: {  	[tilespmem:s18], [sflag:$0x2] =	stream.indirect.gather [hbm4b:s3+s12], $0x80, s1, s12, $0xb8;
	[tilespmem:$0x17400] =	vst v63  }
.LBB2_9:
0x53e: {  	_ =	sfence.sel $0x180000  }
0x53f: {  	[bflag:$0x0] =	sbarrier.arrive $0xFFFF  }
0x540: {  	_ =	strace $0x90000047  }
0x541: {  	[bflag:$0x2] =	sbarrier.arrive $0xFFFF  }
0x542: {  	p0 =	sne.s32 s0, $0x0;
	s0 =	rddreg [dreg:$0x1]  }
0x543: {  	s0 =	sadd.s32 @!p0 $0x100000, s0  }
0x544: {  	[sflag:s0] =	ssyncadd.tile.s32 @!p0 $0x1;
	_ =	shalt  }
.Lfunc_end2:
_tile_overlayer_lowered:
.L_overlay_start_2:
0x545: {  	(tag) =	ssettag $0x2  }
0x546: {  	s0 =	rddreg [dreg:$0x0];
	s2 =	stileid.u32  }
0x547: {  	s1 =	rddreg [dreg:$0x1];
	p0 =	sne.s32 s2, $0x0  }
0x548: {  	s3 =	rddreg [dreg:$0x2];
	[bflag:$0x3] =	sbarrier.arrive $0xFFFF;
	s2 =	simm.s32 @!p0 $0x1C05  }
0x549: {  	[timem:s3], [sflag:s2] =	dma.local @!p0 [hbm:s0], s1  }
0x54a: {  	s0 =	simm.s32 @!p0 $0x5  }
0x54b: {  	_ =	swait.ge @!p0 [sflag:s0], s1  }
0x54c: {  	s1 =	ssub.s32 @!p0 $0x0, s1;
	[sflag:s0] =	ssyncset.done @!p0 $0x0  }
0x54d: {  	[sflag:s0] =	ssyncadd.s32 @!p0 s1  }
0x54e: {  	[bflag:$0x3] =	sbarrier.arrive $0xFFFF  }
0x54f: {  	_ =	shalt  }

</sc_bundles>
